<compile_context>
chip_gen: v7x
topology: tpu7x:2x2x1
jax: 0.10.2.dev20260603
libtpu: 0.0.44.dev20260713+nightly
codegen_flags: <defaults>
</compile_context>

<pallas_src>
import functools

import jax
import jax.numpy as jnp
from jax import lax
from jax.experimental import pallas as pl
from jax.experimental.pallas import tpu as pltpu
from jax.experimental.pallas import tpu_sc as plsc

VOCAB = 1_000_000
D = 64
DP = 128
EOI = 256000
SCALE = float(D) ** 0.5

NC, NS, LANES = 2, 16, 16
NW = NC * NS
CHUNK = 256
TBLK = 16384


def _tc_prep(embT):

    def body(x_ref, eye_ref, o_ref):
        xt = lax.dot_general(
            x_ref[...], eye_ref[...], (((0,), (0,)), ((), ())),
            preferred_element_type=jnp.float32,
        )
        o_ref[:, pl.ds(0, D)] = xt
        o_ref[:, pl.ds(D, D)] = xt

    grid = (VOCAB + TBLK - 1) // TBLK
    return pl.pallas_call(
        body,
        out_shape=jax.ShapeDtypeStruct((VOCAB, DP), jnp.float32),
        grid=(grid,),
        in_specs=[
            pl.BlockSpec((D, TBLK), lambda i: (0, i)),
            pl.BlockSpec((D, D), lambda i: (0, 0)),
        ],
        out_specs=pl.BlockSpec((TBLK, DP), lambda i: (i, 0)),
    )(embT, jnp.eye(D, dtype=jnp.float32) * SCALE)


def _splat(vec, idx):
    return lax.gather(
        vec,
        idx,
        lax.GatherDimensionNumbers(
            offset_dims=(), collapsed_slice_dims=(0,), start_index_map=(0,)
        ),
        (1,),
        mode=lax.GatherScatterMode.PROMISE_IN_BOUNDS,
    )


def _sc_embed(n_ids, table, ids, eoi):
    bpw = n_ids // NW
    nchunk = bpw // CHUNK
    mesh = plsc.VectorSubcoreMesh(core_axis_name="c", subcore_axis_name="s")

    @functools.partial(
        pl.kernel,
        out_type=jax.ShapeDtypeStruct((n_ids, D), jnp.float32),
        mesh=mesh,
        compiler_params=pltpu.CompilerParams(use_tc_tiling_on_sc=False),
        scratch_types=[
            pltpu.VMEM((bpw,), jnp.int32),
            pltpu.VMEM((CHUNK, DP), jnp.float32),
            pltpu.VMEM((CHUNK, DP), jnp.float32),
            pltpu.VMEM((D,), jnp.float32),
            pltpu.SemaphoreType.DMA,
            pltpu.SemaphoreType.DMA,
        ],
    )
    def body(table_hbm, ids_hbm, eoi_hbm, out_hbm, idx_v, rows0, rows1,
             eoi_v, sem0, sem1):
        wid = lax.axis_index("s") * NC + lax.axis_index("c")
        base = wid * bpw
        pltpu.sync_copy(ids_hbm.at[pl.ds(base, bpw)], idx_v)
        pltpu.sync_copy(eoi_hbm, eoi_v)
        eoi_regs = [eoi_v[pl.ds(j * LANES, LANES)] for j in range(D // LANES)]

        def gather(c, rows, sem):
            return pltpu.make_async_copy(
                table_hbm.at[idx_v.at[pl.ds(c * CHUNK, CHUNK)]], rows, sem
            )

        def process(c, rows):
            cbase = c * CHUNK

            def group(g, gcarry):
                iv = idx_v[pl.ds(cbase + g * LANES, LANES)]
                bvec = jnp.where(iv == EOI, 1.0, 0.0).astype(jnp.float32)
                avec = 1.0 - bvec
                for r in range(LANES):
                    row = g * LANES + r
                    rsel = jnp.full((LANES, 1), r, jnp.int32)
                    a = _splat(avec, rsel)
                    b = _splat(bvec, rsel)
                    for j in range(D // LANES):
                        sl = pl.ds(j * LANES, LANES)
                        rows[row, sl] = rows[row, sl] * a + eoi_regs[j] * b

                return gcarry

            lax.fori_loop(0, CHUNK // LANES, group, 0)
            pltpu.sync_copy(
                rows.at[:, pl.ds(0, D)],
                out_hbm.at[pl.ds(base + cbase, CHUNK)],
            )

        gather(0, rows0, sem0).start()

        def pair(cc, carry):
            c0 = cc * 2
            gather(c0 + 1, rows1, sem1).start()
            gather(c0, rows0, sem0).wait()
            process(c0, rows0)

            @pl.when(cc + 1 < nchunk // 2)
            def _():
                gather(c0 + 2, rows0, sem0).start()

            gather(c0 + 1, rows1, sem1).wait()
            process(c0 + 1, rows1)
            return carry

        lax.fori_loop(0, nchunk // 2, pair, 0)

    return body(table, ids, eoi)


def kernel(input_ids, embedding, eoi_embedding):
    tpad = _tc_prep(embedding.T)
    ids = input_ids.reshape(-1)
    out = _sc_embed(ids.shape[0], tpad, ids, eoi_embedding)
    return out.reshape(input_ids.shape + (D,))

# --- scband reference (transcript-rebuilt; emitter-appended) ---
"""Pipeline reference for scband-t5-gemma2-scaled-word-embedding-84069689852117 (READ-ONLY COPY).

The authoritative reference and input builder live on the scoring server;
editing this copy changes nothing except your own understanding.
"""

import jax, jax.numpy as jnp
import numpy as np

VOCAB_SIZE = 1000000
EMBED_DIM = 64
B, L = 4096, 200
END_OF_IMAGE_TOKEN = 256000


def setup_inputs(seed: int = 0) -> dict:
    key = jax.random.key(seed)
    k_ids, k_emb = jax.random.split(key, 2)
    input_ids = jax.random.randint(k_ids, (B, L), 0, VOCAB_SIZE, dtype=jnp.int64 if jax.config.jax_enable_x64 else jnp.int32).astype(jnp.int32)
    embedding = jax.random.normal(k_emb, (VOCAB_SIZE, EMBED_DIM), dtype=jnp.float32) * 0.01
    eoi_embedding = jnp.zeros((EMBED_DIM,), dtype=jnp.float32)
    return {"input_ids": input_ids, "embedding": embedding, "eoi_embedding": eoi_embedding}


def reference(input_ids, embedding, eoi_embedding):
    embed_scale = jnp.array(EMBED_DIM ** 0.5, dtype=jnp.float32)
    embeddings = jnp.take(embedding, input_ids, axis=0) * embed_scale
    eoi_mask = input_ids == END_OF_IMAGE_TOKEN
    return jnp.where(eoi_mask[..., None], eoi_embedding, embeddings)

if __name__ == "__main__":
    import jax
    _d = setup_inputs()
    print(jax.jit(kernel)(*tuple(_d.values())))

</pallas_src>

<mosaic_0001>
#map = affine_map<(d0, d1) -> (0, 0)>
#map1 = affine_map<(d0, d1) -> (0)>
module attributes {stable_mosaic.version = 14 : i64} {
  func.func @body(%arg0: i32, %arg1: i32, %arg2: memref<1000000x128xf32, #tpu.memory_space<hbm>>, %arg3: memref<819200xi32, #tpu.memory_space<hbm>>, %arg4: memref<64xf32, #tpu.memory_space<hbm>>, %arg5: memref<819200x64xf32, #tpu.memory_space<hbm>>, %arg6: memref<25600xi32, #tpu.memory_space<vmem>>, %arg7: memref<256x128xf32, #tpu.memory_space<vmem>>, %arg8: memref<256x128xf32, #tpu.memory_space<vmem>>, %arg9: memref<64xf32, #tpu.memory_space<vmem>>, %arg10: memref<!tpu.dma_semaphore, #tpu.memory_space<semaphore_mem>>, %arg11: memref<!tpu.dma_semaphore, #tpu.memory_space<semaphore_mem>>) attributes {dimension_semantics = [#tpu.dimension_semantics<core_parallel>, #tpu.dimension_semantics<subcore_parallel>], iteration_bounds = array<i64: 2, 16>, scalar_prefetch = 0 : i64, scratch_operands = 6 : i64, tpu.core_type = #tpu.core_type<sc_vector_subcore>, window_params = [{transform_indices = #map}, {transform_indices = #map1}, {transform_indices = #map1}, {transform_indices = #map}]} {
    %mul3A = arith.constant 2 : i32
    %mul3A_0 = arith.muli %arg1, %mul3A : i32
    %add3A = arith.addi %mul3A_0, %arg0 : i32
    %mul3A_1 = arith.constant 25600 : i32
    %mul3A_2 = arith.muli %add3A, %mul3A_1 : i32
    "tpu.region"() ({
      %run_scoped3A = tpu.sem_alloc : memref<!tpu.dma_semaphore, #tpu.memory_space<semaphore_mem>>
      %dma_start3A_23 = tpu.memref_slice %arg3[%mul3A_2] : memref<819200xi32, #tpu.memory_space<hbm>> -> memref<25600xi32, #tpu.memory_space<hbm>>
      %dma_start3A_24 = tpu.memref_slice %arg3[%mul3A_2] : memref<819200xi32, #tpu.memory_space<hbm>> -> memref<25600xi32, #tpu.memory_space<hbm>>
      tpu.enqueue_dma source(%dma_start3A_24 : memref<25600xi32, #tpu.memory_space<hbm>>) target(%arg6 : memref<25600xi32, #tpu.memory_space<vmem>>) target_semaphore(%run_scoped3A : memref<!tpu.dma_semaphore, #tpu.memory_space<semaphore_mem>>)
      %dma_wait3A = tpu.memref_slice %arg3[%mul3A_2] : memref<819200xi32, #tpu.memory_space<hbm>> -> memref<25600xi32, #tpu.memory_space<hbm>>
      %dma_wait3A_25 = tpu.memref_slice %arg3[%mul3A_2] : memref<819200xi32, #tpu.memory_space<hbm>> -> memref<25600xi32, #tpu.memory_space<hbm>>
      tpu.wait_dma2 semaphore(%run_scoped3A : memref<!tpu.dma_semaphore, #tpu.memory_space<semaphore_mem>>) src(%dma_wait3A_25 : memref<25600xi32, #tpu.memory_space<hbm>>) dst(%arg6 : memref<25600xi32, #tpu.memory_space<vmem>>)
      tpu.yield
    }) : () -> ()
    "tpu.region"() ({
      %run_scoped3A = tpu.sem_alloc : memref<!tpu.dma_semaphore, #tpu.memory_space<semaphore_mem>>
      tpu.enqueue_dma source(%arg4 : memref<64xf32, #tpu.memory_space<hbm>>) target(%arg9 : memref<64xf32, #tpu.memory_space<vmem>>) target_semaphore(%run_scoped3A : memref<!tpu.dma_semaphore, #tpu.memory_space<semaphore_mem>>)
      tpu.wait_dma2 semaphore(%run_scoped3A : memref<!tpu.dma_semaphore, #tpu.memory_space<semaphore_mem>>) src(%arg4 : memref<64xf32, #tpu.memory_space<hbm>>) dst(%arg9 : memref<64xf32, #tpu.memory_space<vmem>>)
      tpu.yield
    }) : () -> ()
    %get3A = arith.constant 0 : index
    %get3A_3 = tpu.vector_load %arg9[%get3A] {strides = array<i32>} : memref<64xf32, #tpu.memory_space<vmem>>, vector<16xf32>,
    %get3A_4 = vector.shape_cast %get3A_3 : vector<16xf32> to vector<16xf32>
    %get3A_5 = arith.constant 16 : index
    %get3A_6 = tpu.vector_load %arg9[%get3A_5] {strides = array<i32>} : memref<64xf32, #tpu.memory_space<vmem>>, vector<16xf32>,
    %get3A_7 = vector.shape_cast %get3A_6 : vector<16xf32> to vector<16xf32>
    %get3A_8 = arith.constant 32 : index
    %get3A_9 = tpu.vector_load %arg9[%get3A_8] {strides = array<i32>} : memref<64xf32, #tpu.memory_space<vmem>>, vector<16xf32>,
    %get3A_10 = vector.shape_cast %get3A_9 : vector<16xf32> to vector<16xf32>
    %get3A_11 = arith.constant 48 : index
    %get3A_12 = tpu.vector_load %arg9[%get3A_11] {strides = array<i32>} : memref<64xf32, #tpu.memory_space<vmem>>, vector<16xf32>,
    %get3A_13 = vector.shape_cast %get3A_12 : vector<16xf32> to vector<16xf32>
    %dma_start3A = arith.constant 0 : i32
    %dma_start3A_14 = tpu.memref_slice %arg6[%dma_start3A] : memref<25600xi32, #tpu.memory_space<vmem>> -> memref<256xi32, #tpu.memory_space<vmem>>
    %dma_start3A_15 = arith.constant 0 : i32
    %dma_start3A_16 = arith.constant 0 : i32
    %dma_start3A_17 = tpu.memref_slice %arg2[%dma_start3A_15, %dma_start3A_16] : memref<1000000x128xf32, #tpu.memory_space<hbm>> -> memref<1000000x128xf32, #tpu.memory_space<hbm>>
    tpu.enqueue_indirect_dma source(%dma_start3A_17 : memref<1000000x128xf32, #tpu.memory_space<hbm>>) target(%arg7 : memref<256x128xf32, #tpu.memory_space<vmem>>) offsets(%dma_start3A_14 : memref<256xi32, #tpu.memory_space<vmem>>) semaphore(%arg10 : memref<!tpu.dma_semaphore, #tpu.memory_space<semaphore_mem>>)
    %scan3A = arith.constant 0 : i32
    %scan3A_18 = arith.constant 0 : i32
    %scan3A_19 = arith.constant 50 : i32
    %scan3A_20 = arith.addi %scan3A_18, %scan3A_19 : i32
    %scan3A_21 = arith.constant 1 : i32
    scf.for %scan3A_23 = %scan3A_18 to %scan3A_20 step %scan3A_21  : i32 {
      %mul3A_24 = arith.constant 2 : i32
      %mul3A_25 = arith.muli %scan3A_23, %mul3A_24 : i32
      %add3A_26 = arith.constant 1 : i32
      %add3A_27 = arith.addi %mul3A_25, %add3A_26 : i32
      %mul3A_28 = arith.constant 256 : i32
      %mul3A_29 = arith.muli %add3A_27, %mul3A_28 : i32
      %dma_start3A_30 = tpu.memref_slice %arg6[%mul3A_29] : memref<25600xi32, #tpu.memory_space<vmem>> -> memref<256xi32, #tpu.memory_space<vmem>>
      %dma_start3A_31 = arith.constant 0 : i32
      %dma_start3A_32 = arith.constant 0 : i32
      %dma_start3A_33 = tpu.memref_slice %arg2[%dma_start3A_31, %dma_start3A_32] : memref<1000000x128xf32, #tpu.memory_space<hbm>> -> memref<1000000x128xf32, #tpu.memory_space<hbm>>
      tpu.enqueue_indirect_dma source(%dma_start3A_33 : memref<1000000x128xf32, #tpu.memory_space<hbm>>) target(%arg8 : memref<256x128xf32, #tpu.memory_space<vmem>>) offsets(%dma_start3A_30 : memref<256xi32, #tpu.memory_space<vmem>>) semaphore(%arg11 : memref<!tpu.dma_semaphore, #tpu.memory_space<semaphore_mem>>)
      %mul3A_34 = arith.constant 256 : i32
      %mul3A_35 = arith.muli %mul3A_25, %mul3A_34 : i32
      %dma_wait3A = tpu.memref_slice %arg6[%mul3A_35] : memref<25600xi32, #tpu.memory_space<vmem>> -> memref<256xi32, #tpu.memory_space<vmem>>
      %dma_wait3A_36 = arith.constant 0 : i32
      %dma_wait3A_37 = arith.constant 0 : i32
      %dma_wait3A_38 = tpu.memref_slice %arg2[%dma_wait3A_36, %dma_wait3A_37] : memref<1000000x128xf32, #tpu.memory_space<hbm>> -> memref<1000000x128xf32, #tpu.memory_space<hbm>>
      tpu.wait_indirect_dma semaphore(%arg10 : memref<!tpu.dma_semaphore, #tpu.memory_space<semaphore_mem>>) src(%dma_wait3A_38 : memref<1000000x128xf32, #tpu.memory_space<hbm>>) dst(%arg7 : memref<256x128xf32, #tpu.memory_space<vmem>>)
      %mul3A_39 = arith.constant 256 : i32
      %mul3A_40 = arith.muli %mul3A_25, %mul3A_39 : i32
      %scan3A_41 = arith.constant 0 : i32
      %scan3A_42 = arith.constant 0 : i32
      %scan3A_43 = arith.constant 16 : i32
      %scan3A_44 = arith.addi %scan3A_42, %scan3A_43 : i32
      %scan3A_45 = arith.constant 1 : i32
      scf.for %scan3A_71 = %scan3A_42 to %scan3A_44 step %scan3A_45  : i32 {
        %mul3A_72 = arith.constant 16 : i32
        %mul3A_73 = arith.muli %scan3A_71, %mul3A_72 : i32
        %add3A_74 = arith.addi %mul3A_40, %mul3A_73 : i32
        %get3A_75 = arith.index_cast %add3A_74 : i32 to index
        %get3A_76 = tpu.vector_load %arg6[%get3A_75] {strides = array<i32>} : memref<25600xi32, #tpu.memory_space<vmem>>, vector<16xi32>,
        %get3A_77 = vector.shape_cast %get3A_76 : vector<16xi32> to vector<16xi32>
        %eq3A = arith.constant 256000 : i32
        %eq3A_78 = vector.broadcast %eq3A : i32 to vector<16xi32>
        %eq3A_79 = arith.cmpi eq, %get3A_77, %eq3A_78 : vector<16xi32>
        %jit3A = arith.constant 1.000000e+00 : f32
        %jit3A_80 = arith.constant 0.000000e+00 : f32
        %broadcast_in_dim3A = vector.broadcast %jit3A : f32 to vector<16xf32>
        %broadcast_in_dim3A_81 = vector.broadcast %jit3A_80 : f32 to vector<16xf32>
        %select_n3A = arith.select %eq3A_79, %broadcast_in_dim3A, %broadcast_in_dim3A_81 : vector<16xi1>, vector<16xf32>
        %sub3A = arith.constant 1.000000e+00 : f32
        %sub3A_82 = vector.broadcast %sub3A : f32 to vector<16xf32>
        %sub3A_83 = arith.subf %sub3A_82, %select_n3A : vector<16xf32>
        %mul3A_84 = arith.constant 16 : i32
        %mul3A_85 = arith.muli %scan3A_71, %mul3A_84 : i32
        %add3A_86 = arith.constant 0 : i32
        %add3A_87 = arith.addi %mul3A_85, %add3A_86 : i32
        %broadcast_in_dim3A_88 = arith.constant 0 : i32
        %broadcast_in_dim3A_89 = vector.broadcast %broadcast_in_dim3A_88 : i32 to vector<16x1xi32>
        %gather3A = vector.shape_cast %broadcast_in_dim3A_89 : vector<16x1xi32> to vector<16xi32>
        %gather3A_90 = tpu.dynamic_gather %sub3A_83[%gather3A] in [0] : vector<16xf32>, vector<16xi32> -> vector<16xf32>
        %gather3A_91 = vector.shape_cast %broadcast_in_dim3A_89 : vector<16x1xi32> to vector<16xi32>
        %gather3A_92 = tpu.dynamic_gather %select_n3A[%gather3A_91] in [0] : vector<16xf32>, vector<16xi32> -> vector<16xf32>
        %get3A_93 = arith.index_cast %add3A_87 : i32 to index
        %get3A_94 = arith.constant 0 : index
        %get3A_95 = tpu.vector_load %arg7[%get3A_93, %get3A_94] {strides = array<i32>} : memref<256x128xf32, #tpu.memory_space<vmem>>, vector<1x16xf32>,
        %get3A_96 = vector.shape_cast %get3A_95 : vector<1x16xf32> to vector<16xf32>
        %mul3A_97 = arith.mulf %get3A_96, %gather3A_90 : vector<16xf32>
        %mul3A_98 = arith.mulf %get3A_4, %gather3A_92 : vector<16xf32>
        %add3A_99 = arith.addf %mul3A_97, %mul3A_98 : vector<16xf32>
        %swap3A = arith.index_cast %add3A_87 : i32 to index
        %swap3A_100 = arith.constant 0 : index
        %swap3A_101 = tpu.vector_load %arg7[%swap3A, %swap3A_100] {strides = array<i32>} : memref<256x128xf32, #tpu.memory_space<vmem>>, vector<1x16xf32>,
        %swap3A_102 = vector.shape_cast %swap3A_101 : vector<1x16xf32> to vector<16xf32>
        %swap3A_103 = vector.shape_cast %add3A_99 : vector<16xf32> to vector<1x16xf32>
        tpu.vector_store %arg7[%swap3A, %swap3A_100], %swap3A_103 {strides = array<i32>} : memref<256x128xf32, #tpu.memory_space<vmem>>, vector<1x16xf32>,
        %get3A_104 = arith.index_cast %add3A_87 : i32 to index
        %get3A_105 = arith.constant 16 : index
        %get3A_106 = tpu.vector_load %arg7[%get3A_104, %get3A_105] {strides = array<i32>} : memref<256x128xf32, #tpu.memory_space<vmem>>, vector<1x16xf32>,
        %get3A_107 = vector.shape_cast %get3A_106 : vector<1x16xf32> to vector<16xf32>
        %mul3A_108 = arith.mulf %get3A_107, %gather3A_90 : vector<16xf32>
        %mul3A_109 = arith.mulf %get3A_7, %gather3A_92 : vector<16xf32>
        %add3A_110 = arith.addf %mul3A_108, %mul3A_109 : vector<16xf32>
        %swap3A_111 = arith.index_cast %add3A_87 : i32 to index
        %swap3A_112 = arith.constant 16 : index
        %swap3A_113 = tpu.vector_load %arg7[%swap3A_111, %swap3A_112] {strides = array<i32>} : memref<256x128xf32, #tpu.memory_space<vmem>>, vector<1x16xf32>,
        %swap3A_114 = vector.shape_cast %swap3A_113 : vector<1x16xf32> to vector<16xf32>
        %swap3A_115 = vector.shape_cast %add3A_110 : vector<16xf32> to vector<1x16xf32>
        tpu.vector_store %arg7[%swap3A_111, %swap3A_112], %swap3A_115 {strides = array<i32>} : memref<256x128xf32, #tpu.memory_space<vmem>>, vector<1x16xf32>,
        %get3A_116 = arith.index_cast %add3A_87 : i32 to index
        %get3A_117 = arith.constant 32 : index
        %get3A_118 = tpu.vector_load %arg7[%get3A_116, %get3A_117] {strides = array<i32>} : memref<256x128xf32, #tpu.memory_space<vmem>>, vector<1x16xf32>,
        %get3A_119 = vector.shape_cast %get3A_118 : vector<1x16xf32> to vector<16xf32>
        %mul3A_120 = arith.mulf %get3A_119, %gather3A_90 : vector<16xf32>
        %mul3A_121 = arith.mulf %get3A_10, %gather3A_92 : vector<16xf32>
        %add3A_122 = arith.addf %mul3A_120, %mul3A_121 : vector<16xf32>
        %swap3A_123 = arith.index_cast %add3A_87 : i32 to index
        %swap3A_124 = arith.constant 32 : index
        %swap3A_125 = tpu.vector_load %arg7[%swap3A_123, %swap3A_124] {strides = array<i32>} : memref<256x128xf32, #tpu.memory_space<vmem>>, vector<1x16xf32>,
        %swap3A_126 = vector.shape_cast %swap3A_125 : vector<1x16xf32> to vector<16xf32>
        %swap3A_127 = vector.shape_cast %add3A_122 : vector<16xf32> to vector<1x16xf32>
        tpu.vector_store %arg7[%swap3A_123, %swap3A_124], %swap3A_127 {strides = array<i32>} : memref<256x128xf32, #tpu.memory_space<vmem>>, vector<1x16xf32>,
        %get3A_128 = arith.index_cast %add3A_87 : i32 to index
        %get3A_129 = arith.constant 48 : index
        %get3A_130 = tpu.vector_load %arg7[%get3A_128, %get3A_129] {strides = array<i32>} : memref<256x128xf32, #tpu.memory_space<vmem>>, vector<1x16xf32>,
        %get3A_131 = vector.shape_cast %get3A_130 : vector<1x16xf32> to vector<16xf32>
        %mul3A_132 = arith.mulf %get3A_131, %gather3A_90 : vector<16xf32>
        %mul3A_133 = arith.mulf %get3A_13, %gather3A_92 : vector<16xf32>
        %add3A_134 = arith.addf %mul3A_132, %mul3A_133 : vector<16xf32>
        %swap3A_135 = arith.index_cast %add3A_87 : i32 to index
        %swap3A_136 = arith.constant 48 : index
        %swap3A_137 = tpu.vector_load %arg7[%swap3A_135, %swap3A_136] {strides = array<i32>} : memref<256x128xf32, #tpu.memory_space<vmem>>, vector<1x16xf32>,
        %swap3A_138 = vector.shape_cast %swap3A_137 : vector<1x16xf32> to vector<16xf32>
        %swap3A_139 = vector.shape_cast %add3A_134 : vector<16xf32> to vector<1x16xf32>
        tpu.vector_store %arg7[%swap3A_135, %swap3A_136], %swap3A_139 {strides = array<i32>} : memref<256x128xf32, #tpu.memory_space<vmem>>, vector<1x16xf32>,
        %mul3A_140 = arith.constant 16 : i32
        %mul3A_141 = arith.muli %scan3A_71, %mul3A_140 : i32
        %add3A_142 = arith.constant 1 : i32
        %add3A_143 = arith.addi %mul3A_141, %add3A_142 : i32
        %broadcast_in_dim3A_144 = arith.constant 1 : i32
        %broadcast_in_dim3A_145 = vector.broadcast %broadcast_in_dim3A_144 : i32 to vector<16x1xi32>
        %gather3A_146 = vector.shape_cast %broadcast_in_dim3A_145 : vector<16x1xi32> to vector<16xi32>
        %gather3A_147 = tpu.dynamic_gather %sub3A_83[%gather3A_146] in [0] : vector<16xf32>, vector<16xi32> -> vector<16xf32>
        %gather3A_148 = vector.shape_cast %broadcast_in_dim3A_145 : vector<16x1xi32> to vector<16xi32>
        %gather3A_149 = tpu.dynamic_gather %select_n3A[%gather3A_148] in [0] : vector<16xf32>, vector<16xi32> -> vector<16xf32>
        %get3A_150 = arith.index_cast %add3A_143 : i32 to index
        %get3A_151 = arith.constant 0 : index
        %get3A_152 = tpu.vector_load %arg7[%get3A_150, %get3A_151] {strides = array<i32>} : memref<256x128xf32, #tpu.memory_space<vmem>>, vector<1x16xf32>,
        %get3A_153 = vector.shape_cast %get3A_152 : vector<1x16xf32> to vector<16xf32>
        %mul3A_154 = arith.mulf %get3A_153, %gather3A_147 : vector<16xf32>
        %mul3A_155 = arith.mulf %get3A_4, %gather3A_149 : vector<16xf32>
        %add3A_156 = arith.addf %mul3A_154, %mul3A_155 : vector<16xf32>
        %swap3A_157 = arith.index_cast %add3A_143 : i32 to index
        %swap3A_158 = arith.constant 0 : index
        %swap3A_159 = tpu.vector_load %arg7[%swap3A_157, %swap3A_158] {strides = array<i32>} : memref<256x128xf32, #tpu.memory_space<vmem>>, vector<1x16xf32>,
        %swap3A_160 = vector.shape_cast %swap3A_159 : vector<1x16xf32> to vector<16xf32>
        %swap3A_161 = vector.shape_cast %add3A_156 : vector<16xf32> to vector<1x16xf32>
        tpu.vector_store %arg7[%swap3A_157, %swap3A_158], %swap3A_161 {strides = array<i32>} : memref<256x128xf32, #tpu.memory_space<vmem>>, vector<1x16xf32>,
        %get3A_162 = arith.index_cast %add3A_143 : i32 to index
        %get3A_163 = arith.constant 16 : index
        %get3A_164 = tpu.vector_load %arg7[%get3A_162, %get3A_163] {strides = array<i32>} : memref<256x128xf32, #tpu.memory_space<vmem>>, vector<1x16xf32>,
        %get3A_165 = vector.shape_cast %get3A_164 : vector<1x16xf32> to vector<16xf32>
        %mul3A_166 = arith.mulf %get3A_165, %gather3A_147 : vector<16xf32>
        %mul3A_167 = arith.mulf %get3A_7, %gather3A_149 : vector<16xf32>
        %add3A_168 = arith.addf %mul3A_166, %mul3A_167 : vector<16xf32>
        %swap3A_169 = arith.index_cast %add3A_143 : i32 to index
        %swap3A_170 = arith.constant 16 : index
        %swap3A_171 = tpu.vector_load %arg7[%swap3A_169, %swap3A_170] {strides = array<i32>} : memref<256x128xf32, #tpu.memory_space<vmem>>, vector<1x16xf32>,
        %swap3A_172 = vector.shape_cast %swap3A_171 : vector<1x16xf32> to vector<16xf32>
        %swap3A_173 = vector.shape_cast %add3A_168 : vector<16xf32> to vector<1x16xf32>
        tpu.vector_store %arg7[%swap3A_169, %swap3A_170], %swap3A_173 {strides = array<i32>} : memref<256x128xf32, #tpu.memory_space<vmem>>, vector<1x16xf32>,
        %get3A_174 = arith.index_cast %add3A_143 : i32 to index
        %get3A_175 = arith.constant 32 : index
        %get3A_176 = tpu.vector_load %arg7[%get3A_174, %get3A_175] {strides = array<i32>} : memref<256x128xf32, #tpu.memory_space<vmem>>, vector<1x16xf32>,
        %get3A_177 = vector.shape_cast %get3A_176 : vector<1x16xf32> to vector<16xf32>
        %mul3A_178 = arith.mulf %get3A_177, %gather3A_147 : vector<16xf32>
        %mul3A_179 = arith.mulf %get3A_10, %gather3A_149 : vector<16xf32>
        %add3A_180 = arith.addf %mul3A_178, %mul3A_179 : vector<16xf32>
        %swap3A_181 = arith.index_cast %add3A_143 : i32 to index
        %swap3A_182 = arith.constant 32 : index
        %swap3A_183 = tpu.vector_load %arg7[%swap3A_181, %swap3A_182] {strides = array<i32>} : memref<256x128xf32, #tpu.memory_space<vmem>>, vector<1x16xf32>,
        %swap3A_184 = vector.shape_cast %swap3A_183 : vector<1x16xf32> to vector<16xf32>
        %swap3A_185 = vector.shape_cast %add3A_180 : vector<16xf32> to vector<1x16xf32>
        tpu.vector_store %arg7[%swap3A_181, %swap3A_182], %swap3A_185 {strides = array<i32>} : memref<256x128xf32, #tpu.memory_space<vmem>>, vector<1x16xf32>,
        %get3A_186 = arith.index_cast %add3A_143 : i32 to index
        %get3A_187 = arith.constant 48 : index
        %get3A_188 = tpu.vector_load %arg7[%get3A_186, %get3A_187] {strides = array<i32>} : memref<256x128xf32, #tpu.memory_space<vmem>>, vector<1x16xf32>,
        %get3A_189 = vector.shape_cast %get3A_188 : vector<1x16xf32> to vector<16xf32>
        %mul3A_190 = arith.mulf %get3A_189, %gather3A_147 : vector<16xf32>
        %mul3A_191 = arith.mulf %get3A_13, %gather3A_149 : vector<16xf32>
        %add3A_192 = arith.addf %mul3A_190, %mul3A_191 : vector<16xf32>
        %swap3A_193 = arith.index_cast %add3A_143 : i32 to index
        %swap3A_194 = arith.constant 48 : index
        %swap3A_195 = tpu.vector_load %arg7[%swap3A_193, %swap3A_194] {strides = array<i32>} : memref<256x128xf32, #tpu.memory_space<vmem>>, vector<1x16xf32>,
        %swap3A_196 = vector.shape_cast %swap3A_195 : vector<1x16xf32> to vector<16xf32>
        %swap3A_197 = vector.shape_cast %add3A_192 : vector<16xf32> to vector<1x16xf32>
        tpu.vector_store %arg7[%swap3A_193, %swap3A_194], %swap3A_197 {strides = array<i32>} : memref<256x128xf32, #tpu.memory_space<vmem>>, vector<1x16xf32>,
        %mul3A_198 = arith.constant 16 : i32
        %mul3A_199 = arith.muli %scan3A_71, %mul3A_198 : i32
        %add3A_200 = arith.constant 2 : i32
        %add3A_201 = arith.addi %mul3A_199, %add3A_200 : i32
        %broadcast_in_dim3A_202 = arith.constant 2 : i32
        %broadcast_in_dim3A_203 = vector.broadcast %broadcast_in_dim3A_202 : i32 to vector<16x1xi32>
        %gather3A_204 = vector.shape_cast %broadcast_in_dim3A_203 : vector<16x1xi32> to vector<16xi32>
        %gather3A_205 = tpu.dynamic_gather %sub3A_83[%gather3A_204] in [0] : vector<16xf32>, vector<16xi32> -> vector<16xf32>
        %gather3A_206 = vector.shape_cast %broadcast_in_dim3A_203 : vector<16x1xi32> to vector<16xi32>
        %gather3A_207 = tpu.dynamic_gather %select_n3A[%gather3A_206] in [0] : vector<16xf32>, vector<16xi32> -> vector<16xf32>
        %get3A_208 = arith.index_cast %add3A_201 : i32 to index
        %get3A_209 = arith.constant 0 : index
        %get3A_210 = tpu.vector_load %arg7[%get3A_208, %get3A_209] {strides = array<i32>} : memref<256x128xf32, #tpu.memory_space<vmem>>, vector<1x16xf32>,
        %get3A_211 = vector.shape_cast %get3A_210 : vector<1x16xf32> to vector<16xf32>
        %mul3A_212 = arith.mulf %get3A_211, %gather3A_205 : vector<16xf32>
        %mul3A_213 = arith.mulf %get3A_4, %gather3A_207 : vector<16xf32>
        %add3A_214 = arith.addf %mul3A_212, %mul3A_213 : vector<16xf32>
        %swap3A_215 = arith.index_cast %add3A_201 : i32 to index
        %swap3A_216 = arith.constant 0 : index
        %swap3A_217 = tpu.vector_load %arg7[%swap3A_215, %swap3A_216] {strides = array<i32>} : memref<256x128xf32, #tpu.memory_space<vmem>>, vector<1x16xf32>,
        %swap3A_218 = vector.shape_cast %swap3A_217 : vector<1x16xf32> to vector<16xf32>
        %swap3A_219 = vector.shape_cast %add3A_214 : vector<16xf32> to vector<1x16xf32>
        tpu.vector_store %arg7[%swap3A_215, %swap3A_216], %swap3A_219 {strides = array<i32>} : memref<256x128xf32, #tpu.memory_space<vmem>>, vector<1x16xf32>,
        %get3A_220 = arith.index_cast %add3A_201 : i32 to index
        %get3A_221 = arith.constant 16 : index
        %get3A_222 = tpu.vector_load %arg7[%get3A_220, %get3A_221] {strides = array<i32>} : memref<256x128xf32, #tpu.memory_space<vmem>>, vector<1x16xf32>,
        %get3A_223 = vector.shape_cast %get3A_222 : vector<1x16xf32> to vector<16xf32>
        %mul3A_224 = arith.mulf %get3A_223, %gather3A_205 : vector<16xf32>
        %mul3A_225 = arith.mulf %get3A_7, %gather3A_207 : vector<16xf32>
        %add3A_226 = arith.addf %mul3A_224, %mul3A_225 : vector<16xf32>
        %swap3A_227 = arith.index_cast %add3A_201 : i32 to index
        %swap3A_228 = arith.constant 16 : index
        %swap3A_229 = tpu.vector_load %arg7[%swap3A_227, %swap3A_228] {strides = array<i32>} : memref<256x128xf32, #tpu.memory_space<vmem>>, vector<1x16xf32>,
        %swap3A_230 = vector.shape_cast %swap3A_229 : vector<1x16xf32> to vector<16xf32>
        %swap3A_231 = vector.shape_cast %add3A_226 : vector<16xf32> to vector<1x16xf32>
        tpu.vector_store %arg7[%swap3A_227, %swap3A_228], %swap3A_231 {strides = array<i32>} : memref<256x128xf32, #tpu.memory_space<vmem>>, vector<1x16xf32>,
        %get3A_232 = arith.index_cast %add3A_201 : i32 to index
        %get3A_233 = arith.constant 32 : index
        %get3A_234 = tpu.vector_load %arg7[%get3A_232, %get3A_233] {strides = array<i32>} : memref<256x128xf32, #tpu.memory_space<vmem>>, vector<1x16xf32>,
        %get3A_235 = vector.shape_cast %get3A_234 : vector<1x16xf32> to vector<16xf32>
        %mul3A_236 = arith.mulf %get3A_235, %gather3A_205 : vector<16xf32>
        %mul3A_237 = arith.mulf %get3A_10, %gather3A_207 : vector<16xf32>
        %add3A_238 = arith.addf %mul3A_236, %mul3A_237 : vector<16xf32>
        %swap3A_239 = arith.index_cast %add3A_201 : i32 to index
        %swap3A_240 = arith.constant 32 : index
        %swap3A_241 = tpu.vector_load %arg7[%swap3A_239, %swap3A_240] {strides = array<i32>} : memref<256x128xf32, #tpu.memory_space<vmem>>, vector<1x16xf32>,
        %swap3A_242 = vector.shape_cast %swap3A_241 : vector<1x16xf32> to vector<16xf32>
        %swap3A_243 = vector.shape_cast %add3A_238 : vector<16xf32> to vector<1x16xf32>
        tpu.vector_store %arg7[%swap3A_239, %swap3A_240], %swap3A_243 {strides = array<i32>} : memref<256x128xf32, #tpu.memory_space<vmem>>, vector<1x16xf32>,
        %get3A_244 = arith.index_cast %add3A_201 : i32 to index
        %get3A_245 = arith.constant 48 : index
        %get3A_246 = tpu.vector_load %arg7[%get3A_244, %get3A_245] {strides = array<i32>} : memref<256x128xf32, #tpu.memory_space<vmem>>, vector<1x16xf32>,
        %get3A_247 = vector.shape_cast %get3A_246 : vector<1x16xf32> to vector<16xf32>
        %mul3A_248 = arith.mulf %get3A_247, %gather3A_205 : vector<16xf32>
        %mul3A_249 = arith.mulf %get3A_13, %gather3A_207 : vector<16xf32>
        %add3A_250 = arith.addf %mul3A_248, %mul3A_249 : vector<16xf32>
        %swap3A_251 = arith.index_cast %add3A_201 : i32 to index
        %swap3A_252 = arith.constant 48 : index
        %swap3A_253 = tpu.vector_load %arg7[%swap3A_251, %swap3A_252] {strides = array<i32>} : memref<256x128xf32, #tpu.memory_space<vmem>>, vector<1x16xf32>,
        %swap3A_254 = vector.shape_cast %swap3A_253 : vector<1x16xf32> to vector<16xf32>
        %swap3A_255 = vector.shape_cast %add3A_250 : vector<16xf32> to vector<1x16xf32>
        tpu.vector_store %arg7[%swap3A_251, %swap3A_252], %swap3A_255 {strides = array<i32>} : memref<256x128xf32, #tpu.memory_space<vmem>>, vector<1x16xf32>,
        %mul3A_256 = arith.constant 16 : i32
        %mul3A_257 = arith.muli %scan3A_71, %mul3A_256 : i32
        %add3A_258 = arith.constant 3 : i32
        %add3A_259 = arith.addi %mul3A_257, %add3A_258 : i32
        %broadcast_in_dim3A_260 = arith.constant 3 : i32
        %broadcast_in_dim3A_261 = vector.broadcast %broadcast_in_dim3A_260 : i32 to vector<16x1xi32>
        %gather3A_262 = vector.shape_cast %broadcast_in_dim3A_261 : vector<16x1xi32> to vector<16xi32>
        %gather3A_263 = tpu.dynamic_gather %sub3A_83[%gather3A_262] in [0] : vector<16xf32>, vector<16xi32> -> vector<16xf32>
        %gather3A_264 = vector.shape_cast %broadcast_in_dim3A_261 : vector<16x1xi32> to vector<16xi32>
        %gather3A_265 = tpu.dynamic_gather %select_n3A[%gather3A_264] in [0] : vector<16xf32>, vector<16xi32> -> vector<16xf32>
        %get3A_266 = arith.index_cast %add3A_259 : i32 to index
        %get3A_267 = arith.constant 0 : index
        %get3A_268 = tpu.vector_load %arg7[%get3A_266, %get3A_267] {strides = array<i32>} : memref<256x128xf32, #tpu.memory_space<vmem>>, vector<1x16xf32>,
        %get3A_269 = vector.shape_cast %get3A_268 : vector<1x16xf32> to vector<16xf32>
        %mul3A_270 = arith.mulf %get3A_269, %gather3A_263 : vector<16xf32>
        %mul3A_271 = arith.mulf %get3A_4, %gather3A_265 : vector<16xf32>
        %add3A_272 = arith.addf %mul3A_270, %mul3A_271 : vector<16xf32>
        %swap3A_273 = arith.index_cast %add3A_259 : i32 to index
        %swap3A_274 = arith.constant 0 : index
        %swap3A_275 = tpu.vector_load %arg7[%swap3A_273, %swap3A_274] {strides = array<i32>} : memref<256x128xf32, #tpu.memory_space<vmem>>, vector<1x16xf32>,
        %swap3A_276 = vector.shape_cast %swap3A_275 : vector<1x16xf32> to vector<16xf32>
        %swap3A_277 = vector.shape_cast %add3A_272 : vector<16xf32> to vector<1x16xf32>
        tpu.vector_store %arg7[%swap3A_273, %swap3A_274], %swap3A_277 {strides = array<i32>} : memref<256x128xf32, #tpu.memory_space<vmem>>, vector<1x16xf32>,
        %get3A_278 = arith.index_cast %add3A_259 : i32 to index
        %get3A_279 = arith.constant 16 : index
        %get3A_280 = tpu.vector_load %arg7[%get3A_278, %get3A_279] {strides = array<i32>} : memref<256x128xf32, #tpu.memory_space<vmem>>, vector<1x16xf32>,
        %get3A_281 = vector.shape_cast %get3A_280 : vector<1x16xf32> to vector<16xf32>
        %mul3A_282 = arith.mulf %get3A_281, %gather3A_263 : vector<16xf32>
        %mul3A_283 = arith.mulf %get3A_7, %gather3A_265 : vector<16xf32>
        %add3A_284 = arith.addf %mul3A_282, %mul3A_283 : vector<16xf32>
        %swap3A_285 = arith.index_cast %add3A_259 : i32 to index
        %swap3A_286 = arith.constant 16 : index
        %swap3A_287 = tpu.vector_load %arg7[%swap3A_285, %swap3A_286] {strides = array<i32>} : memref<256x128xf32, #tpu.memory_space<vmem>>, vector<1x16xf32>,
        %swap3A_288 = vector.shape_cast %swap3A_287 : vector<1x16xf32> to vector<16xf32>
        %swap3A_289 = vector.shape_cast %add3A_284 : vector<16xf32> to vector<1x16xf32>
        tpu.vector_store %arg7[%swap3A_285, %swap3A_286], %swap3A_289 {strides = array<i32>} : memref<256x128xf32, #tpu.memory_space<vmem>>, vector<1x16xf32>,
        %get3A_290 = arith.index_cast %add3A_259 : i32 to index
        %get3A_291 = arith.constant 32 : index
        %get3A_292 = tpu.vector_load %arg7[%get3A_290, %get3A_291] {strides = array<i32>} : memref<256x128xf32, #tpu.memory_space<vmem>>, vector<1x16xf32>,
        %get3A_293 = vector.shape_cast %get3A_292 : vector<1x16xf32> to vector<16xf32>
        %mul3A_294 = arith.mulf %get3A_293, %gather3A_263 : vector<16xf32>
        %mul3A_295 = arith.mulf %get3A_10, %gather3A_265 : vector<16xf32>
        %add3A_296 = arith.addf %mul3A_294, %mul3A_295 : vector<16xf32>
        %swap3A_297 = arith.index_cast %add3A_259 : i32 to index
        %swap3A_298 = arith.constant 32 : index
        %swap3A_299 = tpu.vector_load %arg7[%swap3A_297, %swap3A_298] {strides = array<i32>} : memref<256x128xf32, #tpu.memory_space<vmem>>, vector<1x16xf32>,
        %swap3A_300 = vector.shape_cast %swap3A_299 : vector<1x16xf32> to vector<16xf32>
        %swap3A_301 = vector.shape_cast %add3A_296 : vector<16xf32> to vector<1x16xf32>
        tpu.vector_store %arg7[%swap3A_297, %swap3A_298], %swap3A_301 {strides = array<i32>} : memref<256x128xf32, #tpu.memory_space<vmem>>, vector<1x16xf32>,
        %get3A_302 = arith.index_cast %add3A_259 : i32 to index
        %get3A_303 = arith.constant 48 : index
        %get3A_304 = tpu.vector_load %arg7[%get3A_302, %get3A_303] {strides = array<i32>} : memref<256x128xf32, #tpu.memory_space<vmem>>, vector<1x16xf32>,
        %get3A_305 = vector.shape_cast %get3A_304 : vector<1x16xf32> to vector<16xf32>
        %mul3A_306 = arith.mulf %get3A_305, %gather3A_263 : vector<16xf32>
        %mul3A_307 = arith.mulf %get3A_13, %gather3A_265 : vector<16xf32>
        %add3A_308 = arith.addf %mul3A_306, %mul3A_307 : vector<16xf32>
        %swap3A_309 = arith.index_cast %add3A_259 : i32 to index
        %swap3A_310 = arith.constant 48 : index
        %swap3A_311 = tpu.vector_load %arg7[%swap3A_309, %swap3A_310] {strides = array<i32>} : memref<256x128xf32, #tpu.memory_space<vmem>>, vector<1x16xf32>,
        %swap3A_312 = vector.shape_cast %swap3A_311 : vector<1x16xf32> to vector<16xf32>
        %swap3A_313 = vector.shape_cast %add3A_308 : vector<16xf32> to vector<1x16xf32>
        tpu.vector_store %arg7[%swap3A_309, %swap3A_310], %swap3A_313 {strides = array<i32>} : memref<256x128xf32, #tpu.memory_space<vmem>>, vector<1x16xf32>,
        %mul3A_314 = arith.constant 16 : i32
        %mul3A_315 = arith.muli %scan3A_71, %mul3A_314 : i32
        %add3A_316 = arith.constant 4 : i32
        %add3A_317 = arith.addi %mul3A_315, %add3A_316 : i32
        %broadcast_in_dim3A_318 = arith.constant 4 : i32
        %broadcast_in_dim3A_319 = vector.broadcast %broadcast_in_dim3A_318 : i32 to vector<16x1xi32>
        %gather3A_320 = vector.shape_cast %broadcast_in_dim3A_319 : vector<16x1xi32> to vector<16xi32>
        %gather3A_321 = tpu.dynamic_gather %sub3A_83[%gather3A_320] in [0] : vector<16xf32>, vector<16xi32> -> vector<16xf32>
        %gather3A_322 = vector.shape_cast %broadcast_in_dim3A_319 : vector<16x1xi32> to vector<16xi32>
        %gather3A_323 = tpu.dynamic_gather %select_n3A[%gather3A_322] in [0] : vector<16xf32>, vector<16xi32> -> vector<16xf32>
        %get3A_324 = arith.index_cast %add3A_317 : i32 to index
        %get3A_325 = arith.constant 0 : index
        %get3A_326 = tpu.vector_load %arg7[%get3A_324, %get3A_325] {strides = array<i32>} : memref<256x128xf32, #tpu.memory_space<vmem>>, vector<1x16xf32>,
        %get3A_327 = vector.shape_cast %get3A_326 : vector<1x16xf32> to vector<16xf32>
        %mul3A_328 = arith.mulf %get3A_327, %gather3A_321 : vector<16xf32>
        %mul3A_329 = arith.mulf %get3A_4, %gather3A_323 : vector<16xf32>
        %add3A_330 = arith.addf %mul3A_328, %mul3A_329 : vector<16xf32>
        %swap3A_331 = arith.index_cast %add3A_317 : i32 to index
        %swap3A_332 = arith.constant 0 : index
        %swap3A_333 = tpu.vector_load %arg7[%swap3A_331, %swap3A_332] {strides = array<i32>} : memref<256x128xf32, #tpu.memory_space<vmem>>, vector<1x16xf32>,
        %swap3A_334 = vector.shape_cast %swap3A_333 : vector<1x16xf32> to vector<16xf32>
        %swap3A_335 = vector.shape_cast %add3A_330 : vector<16xf32> to vector<1x16xf32>
        tpu.vector_store %arg7[%swap3A_331, %swap3A_332], %swap3A_335 {strides = array<i32>} : memref<256x128xf32, #tpu.memory_space<vmem>>, vector<1x16xf32>,
        %get3A_336 = arith.index_cast %add3A_317 : i32 to index
        %get3A_337 = arith.constant 16 : index
        %get3A_338 = tpu.vector_load %arg7[%get3A_336, %get3A_337] {strides = array<i32>} : memref<256x128xf32, #tpu.memory_space<vmem>>, vector<1x16xf32>,
        %get3A_339 = vector.shape_cast %get3A_338 : vector<1x16xf32> to vector<16xf32>
        %mul3A_340 = arith.mulf %get3A_339, %gather3A_321 : vector<16xf32>
        %mul3A_341 = arith.mulf %get3A_7, %gather3A_323 : vector<16xf32>
        %add3A_342 = arith.addf %mul3A_340, %mul3A_341 : vector<16xf32>
        %swap3A_343 = arith.index_cast %add3A_317 : i32 to index
        %swap3A_344 = arith.constant 16 : index
        %swap3A_345 = tpu.vector_load %arg7[%swap3A_343, %swap3A_344] {strides = array<i32>} : memref<256x128xf32, #tpu.memory_space<vmem>>, vector<1x16xf32>,
        %swap3A_346 = vector.shape_cast %swap3A_345 : vector<1x16xf32> to vector<16xf32>
        %swap3A_347 = vector.shape_cast %add3A_342 : vector<16xf32> to vector<1x16xf32>
        tpu.vector_store %arg7[%swap3A_343, %swap3A_344], %swap3A_347 {strides = array<i32>} : memref<256x128xf32, #tpu.memory_space<vmem>>, vector<1x16xf32>,
        %get3A_348 = arith.index_cast %add3A_317 : i32 to index
        %get3A_349 = arith.constant 32 : index
        %get3A_350 = tpu.vector_load %arg7[%get3A_348, %get3A_349] {strides = array<i32>} : memref<256x128xf32, #tpu.memory_space<vmem>>, vector<1x16xf32>,
        %get3A_351 = vector.shape_cast %get3A_350 : vector<1x16xf32> to vector<16xf32>
        %mul3A_352 = arith.mulf %get3A_351, %gather3A_321 : vector<16xf32>
        %mul3A_353 = arith.mulf %get3A_10, %gather3A_323 : vector<16xf32>
        %add3A_354 = arith.addf %mul3A_352, %mul3A_353 : vector<16xf32>
        %swap3A_355 = arith.index_cast %add3A_317 : i32 to index
        %swap3A_356 = arith.constant 32 : index
        %swap3A_357 = tpu.vector_load %arg7[%swap3A_355, %swap3A_356] {strides = array<i32>} : memref<256x128xf32, #tpu.memory_space<vmem>>, vector<1x16xf32>,
        %swap3A_358 = vector.shape_cast %swap3A_357 : vector<1x16xf32> to vector<16xf32>
        %swap3A_359 = vector.shape_cast %add3A_354 : vector<16xf32> to vector<1x16xf32>
        tpu.vector_store %arg7[%swap3A_355, %swap3A_356], %swap3A_359 {strides = array<i32>} : memref<256x128xf32, #tpu.memory_space<vmem>>, vector<1x16xf32>,
        %get3A_360 = arith.index_cast %add3A_317 : i32 to index
        %get3A_361 = arith.constant 48 : index
        %get3A_362 = tpu.vector_load %arg7[%get3A_360, %get3A_361] {strides = array<i32>} : memref<256x128xf32, #tpu.memory_space<vmem>>, vector<1x16xf32>,
        %get3A_363 = vector.shape_cast %get3A_362 : vector<1x16xf32> to vector<16xf32>
        %mul3A_364 = arith.mulf %get3A_363, %gather3A_321 : vector<16xf32>
        %mul3A_365 = arith.mulf %get3A_13, %gather3A_323 : vector<16xf32>
        %add3A_366 = arith.addf %mul3A_364, %mul3A_365 : vector<16xf32>
        %swap3A_367 = arith.index_cast %add3A_317 : i32 to index
        %swap3A_368 = arith.constant 48 : index
        %swap3A_369 = tpu.vector_load %arg7[%swap3A_367, %swap3A_368] {strides = array<i32>} : memref<256x128xf32, #tpu.memory_space<vmem>>, vector<1x16xf32>,
        %swap3A_370 = vector.shape_cast %swap3A_369 : vector<1x16xf32> to vector<16xf32>
        %swap3A_371 = vector.shape_cast %add3A_366 : vector<16xf32> to vector<1x16xf32>
        tpu.vector_store %arg7[%swap3A_367, %swap3A_368], %swap3A_371 {strides = array<i32>} : memref<256x128xf32, #tpu.memory_space<vmem>>, vector<1x16xf32>,
        %mul3A_372 = arith.constant 16 : i32
        %mul3A_373 = arith.muli %scan3A_71, %mul3A_372 : i32
        %add3A_374 = arith.constant 5 : i32
        %add3A_375 = arith.addi %mul3A_373, %add3A_374 : i32
        %broadcast_in_dim3A_376 = arith.constant 5 : i32
        %broadcast_in_dim3A_377 = vector.broadcast %broadcast_in_dim3A_376 : i32 to vector<16x1xi32>
        %gather3A_378 = vector.shape_cast %broadcast_in_dim3A_377 : vector<16x1xi32> to vector<16xi32>
        %gather3A_379 = tpu.dynamic_gather %sub3A_83[%gather3A_378] in [0] : vector<16xf32>, vector<16xi32> -> vector<16xf32>
        %gather3A_380 = vector.shape_cast %broadcast_in_dim3A_377 : vector<16x1xi32> to vector<16xi32>
        %gather3A_381 = tpu.dynamic_gather %select_n3A[%gather3A_380] in [0] : vector<16xf32>, vector<16xi32> -> vector<16xf32>
        %get3A_382 = arith.index_cast %add3A_375 : i32 to index
        %get3A_383 = arith.constant 0 : index
        %get3A_384 = tpu.vector_load %arg7[%get3A_382, %get3A_383] {strides = array<i32>} : memref<256x128xf32, #tpu.memory_space<vmem>>, vector<1x16xf32>,
        %get3A_385 = vector.shape_cast %get3A_384 : vector<1x16xf32> to vector<16xf32>
        %mul3A_386 = arith.mulf %get3A_385, %gather3A_379 : vector<16xf32>
        %mul3A_387 = arith.mulf %get3A_4, %gather3A_381 : vector<16xf32>
        %add3A_388 = arith.addf %mul3A_386, %mul3A_387 : vector<16xf32>
        %swap3A_389 = arith.index_cast %add3A_375 : i32 to index
        %swap3A_390 = arith.constant 0 : index
        %swap3A_391 = tpu.vector_load %arg7[%swap3A_389, %swap3A_390] {strides = array<i32>} : memref<256x128xf32, #tpu.memory_space<vmem>>, vector<1x16xf32>,
        %swap3A_392 = vector.shape_cast %swap3A_391 : vector<1x16xf32> to vector<16xf32>
        %swap3A_393 = vector.shape_cast %add3A_388 : vector<16xf32> to vector<1x16xf32>
        tpu.vector_store %arg7[%swap3A_389, %swap3A_390], %swap3A_393 {strides = array<i32>} : memref<256x128xf32, #tpu.memory_space<vmem>>, vector<1x16xf32>,
        %get3A_394 = arith.index_cast %add3A_375 : i32 to index
        %get3A_395 = arith.constant 16 : index
        %get3A_396 = tpu.vector_load %arg7[%get3A_394, %get3A_395] {strides = array<i32>} : memref<256x128xf32, #tpu.memory_space<vmem>>, vector<1x16xf32>,
        %get3A_397 = vector.shape_cast %get3A_396 : vector<1x16xf32> to vector<16xf32>
        %mul3A_398 = arith.mulf %get3A_397, %gather3A_379 : vector<16xf32>
        %mul3A_399 = arith.mulf %get3A_7, %gather3A_381 : vector<16xf32>
        %add3A_400 = arith.addf %mul3A_398, %mul3A_399 : vector<16xf32>
        %swap3A_401 = arith.index_cast %add3A_375 : i32 to index
        %swap3A_402 = arith.constant 16 : index
        %swap3A_403 = tpu.vector_load %arg7[%swap3A_401, %swap3A_402] {strides = array<i32>} : memref<256x128xf32, #tpu.memory_space<vmem>>, vector<1x16xf32>,
        %swap3A_404 = vector.shape_cast %swap3A_403 : vector<1x16xf32> to vector<16xf32>
        %swap3A_405 = vector.shape_cast %add3A_400 : vector<16xf32> to vector<1x16xf32>
        tpu.vector_store %arg7[%swap3A_401, %swap3A_402], %swap3A_405 {strides = array<i32>} : memref<256x128xf32, #tpu.memory_space<vmem>>, vector<1x16xf32>,
        %get3A_406 = arith.index_cast %add3A_375 : i32 to index
        %get3A_407 = arith.constant 32 : index
        %get3A_408 = tpu.vector_load %arg7[%get3A_406, %get3A_407] {strides = array<i32>} : memref<256x128xf32, #tpu.memory_space<vmem>>, vector<1x16xf32>,
        %get3A_409 = vector.shape_cast %get3A_408 : vector<1x16xf32> to vector<16xf32>
        %mul3A_410 = arith.mulf %get3A_409, %gather3A_379 : vector<16xf32>
        %mul3A_411 = arith.mulf %get3A_10, %gather3A_381 : vector<16xf32>
        %add3A_412 = arith.addf %mul3A_410, %mul3A_411 : vector<16xf32>
        %swap3A_413 = arith.index_cast %add3A_375 : i32 to index
        %swap3A_414 = arith.constant 32 : index
        %swap3A_415 = tpu.vector_load %arg7[%swap3A_413, %swap3A_414] {strides = array<i32>} : memref<256x128xf32, #tpu.memory_space<vmem>>, vector<1x16xf32>,
        %swap3A_416 = vector.shape_cast %swap3A_415 : vector<1x16xf32> to vector<16xf32>
        %swap3A_417 = vector.shape_cast %add3A_412 : vector<16xf32> to vector<1x16xf32>
        tpu.vector_store %arg7[%swap3A_413, %swap3A_414], %swap3A_417 {strides = array<i32>} : memref<256x128xf32, #tpu.memory_space<vmem>>, vector<1x16xf32>,
        %get3A_418 = arith.index_cast %add3A_375 : i32 to index
        %get3A_419 = arith.constant 48 : index
        %get3A_420 = tpu.vector_load %arg7[%get3A_418, %get3A_419] {strides = array<i32>} : memref<256x128xf32, #tpu.memory_space<vmem>>, vector<1x16xf32>,
        %get3A_421 = vector.shape_cast %get3A_420 : vector<1x16xf32> to vector<16xf32>
        %mul3A_422 = arith.mulf %get3A_421, %gather3A_379 : vector<16xf32>
        %mul3A_423 = arith.mulf %get3A_13, %gather3A_381 : vector<16xf32>
        %add3A_424 = arith.addf %mul3A_422, %mul3A_423 : vector<16xf32>
        %swap3A_425 = arith.index_cast %add3A_375 : i32 to index
        %swap3A_426 = arith.constant 48 : index
        %swap3A_427 = tpu.vector_load %arg7[%swap3A_425, %swap3A_426] {strides = array<i32>} : memref<256x128xf32, #tpu.memory_space<vmem>>, vector<1x16xf32>,
        %swap3A_428 = vector.shape_cast %swap3A_427 : vector<1x16xf32> to vector<16xf32>
        %swap3A_429 = vector.shape_cast %add3A_424 : vector<16xf32> to vector<1x16xf32>
        tpu.vector_store %arg7[%swap3A_425, %swap3A_426], %swap3A_429 {strides = array<i32>} : memref<256x128xf32, #tpu.memory_space<vmem>>, vector<1x16xf32>,
        %mul3A_430 = arith.constant 16 : i32
        %mul3A_431 = arith.muli %scan3A_71, %mul3A_430 : i32
        %add3A_432 = arith.constant 6 : i32
        %add3A_433 = arith.addi %mul3A_431, %add3A_432 : i32
        %broadcast_in_dim3A_434 = arith.constant 6 : i32
        %broadcast_in_dim3A_435 = vector.broadcast %broadcast_in_dim3A_434 : i32 to vector<16x1xi32>
        %gather3A_436 = vector.shape_cast %broadcast_in_dim3A_435 : vector<16x1xi32> to vector<16xi32>
        %gather3A_437 = tpu.dynamic_gather %sub3A_83[%gather3A_436] in [0] : vector<16xf32>, vector<16xi32> -> vector<16xf32>
        %gather3A_438 = vector.shape_cast %broadcast_in_dim3A_435 : vector<16x1xi32> to vector<16xi32>
        %gather3A_439 = tpu.dynamic_gather %select_n3A[%gather3A_438] in [0] : vector<16xf32>, vector<16xi32> -> vector<16xf32>
        %get3A_440 = arith.index_cast %add3A_433 : i32 to index
        %get3A_441 = arith.constant 0 : index
        %get3A_442 = tpu.vector_load %arg7[%get3A_440, %get3A_441] {strides = array<i32>} : memref<256x128xf32, #tpu.memory_space<vmem>>, vector<1x16xf32>,
        %get3A_443 = vector.shape_cast %get3A_442 : vector<1x16xf32> to vector<16xf32>
        %mul3A_444 = arith.mulf %get3A_443, %gather3A_437 : vector<16xf32>
        %mul3A_445 = arith.mulf %get3A_4, %gather3A_439 : vector<16xf32>
        %add3A_446 = arith.addf %mul3A_444, %mul3A_445 : vector<16xf32>
        %swap3A_447 = arith.index_cast %add3A_433 : i32 to index
        %swap3A_448 = arith.constant 0 : index
        %swap3A_449 = tpu.vector_load %arg7[%swap3A_447, %swap3A_448] {strides = array<i32>} : memref<256x128xf32, #tpu.memory_space<vmem>>, vector<1x16xf32>,
        %swap3A_450 = vector.shape_cast %swap3A_449 : vector<1x16xf32> to vector<16xf32>
        %swap3A_451 = vector.shape_cast %add3A_446 : vector<16xf32> to vector<1x16xf32>
        tpu.vector_store %arg7[%swap3A_447, %swap3A_448], %swap3A_451 {strides = array<i32>} : memref<256x128xf32, #tpu.memory_space<vmem>>, vector<1x16xf32>,
        %get3A_452 = arith.index_cast %add3A_433 : i32 to index
        %get3A_453 = arith.constant 16 : index
        %get3A_454 = tpu.vector_load %arg7[%get3A_452, %get3A_453] {strides = array<i32>} : memref<256x128xf32, #tpu.memory_space<vmem>>, vector<1x16xf32>,
        %get3A_455 = vector.shape_cast %get3A_454 : vector<1x16xf32> to vector<16xf32>
        %mul3A_456 = arith.mulf %get3A_455, %gather3A_437 : vector<16xf32>
        %mul3A_457 = arith.mulf %get3A_7, %gather3A_439 : vector<16xf32>
        %add3A_458 = arith.addf %mul3A_456, %mul3A_457 : vector<16xf32>
        %swap3A_459 = arith.index_cast %add3A_433 : i32 to index
        %swap3A_460 = arith.constant 16 : index
        %swap3A_461 = tpu.vector_load %arg7[%swap3A_459, %swap3A_460] {strides = array<i32>} : memref<256x128xf32, #tpu.memory_space<vmem>>, vector<1x16xf32>,
        %swap3A_462 = vector.shape_cast %swap3A_461 : vector<1x16xf32> to vector<16xf32>
        %swap3A_463 = vector.shape_cast %add3A_458 : vector<16xf32> to vector<1x16xf32>
        tpu.vector_store %arg7[%swap3A_459, %swap3A_460], %swap3A_463 {strides = array<i32>} : memref<256x128xf32, #tpu.memory_space<vmem>>, vector<1x16xf32>,
        %get3A_464 = arith.index_cast %add3A_433 : i32 to index
        %get3A_465 = arith.constant 32 : index
        %get3A_466 = tpu.vector_load %arg7[%get3A_464, %get3A_465] {strides = array<i32>} : memref<256x128xf32, #tpu.memory_space<vmem>>, vector<1x16xf32>,
        %get3A_467 = vector.shape_cast %get3A_466 : vector<1x16xf32> to vector<16xf32>
        %mul3A_468 = arith.mulf %get3A_467, %gather3A_437 : vector<16xf32>
        %mul3A_469 = arith.mulf %get3A_10, %gather3A_439 : vector<16xf32>
        %add3A_470 = arith.addf %mul3A_468, %mul3A_469 : vector<16xf32>
        %swap3A_471 = arith.index_cast %add3A_433 : i32 to index
        %swap3A_472 = arith.constant 32 : index
        %swap3A_473 = tpu.vector_load %arg7[%swap3A_471, %swap3A_472] {strides = array<i32>} : memref<256x128xf32, #tpu.memory_space<vmem>>, vector<1x16xf32>,
        %swap3A_474 = vector.shape_cast %swap3A_473 : vector<1x16xf32> to vector<16xf32>
        %swap3A_475 = vector.shape_cast %add3A_470 : vector<16xf32> to vector<1x16xf32>
        tpu.vector_store %arg7[%swap3A_471, %swap3A_472], %swap3A_475 {strides = array<i32>} : memref<256x128xf32, #tpu.memory_space<vmem>>, vector<1x16xf32>,
        %get3A_476 = arith.index_cast %add3A_433 : i32 to index
        %get3A_477 = arith.constant 48 : index
        %get3A_478 = tpu.vector_load %arg7[%get3A_476, %get3A_477] {strides = array<i32>} : memref<256x128xf32, #tpu.memory_space<vmem>>, vector<1x16xf32>,
        %get3A_479 = vector.shape_cast %get3A_478 : vector<1x16xf32> to vector<16xf32>
        %mul3A_480 = arith.mulf %get3A_479, %gather3A_437 : vector<16xf32>
        %mul3A_481 = arith.mulf %get3A_13, %gather3A_439 : vector<16xf32>
        %add3A_482 = arith.addf %mul3A_480, %mul3A_481 : vector<16xf32>
        %swap3A_483 = arith.index_cast %add3A_433 : i32 to index
        %swap3A_484 = arith.constant 48 : index
        %swap3A_485 = tpu.vector_load %arg7[%swap3A_483, %swap3A_484] {strides = array<i32>} : memref<256x128xf32, #tpu.memory_space<vmem>>, vector<1x16xf32>,
        %swap3A_486 = vector.shape_cast %swap3A_485 : vector<1x16xf32> to vector<16xf32>
        %swap3A_487 = vector.shape_cast %add3A_482 : vector<16xf32> to vector<1x16xf32>
        tpu.vector_store %arg7[%swap3A_483, %swap3A_484], %swap3A_487 {strides = array<i32>} : memref<256x128xf32, #tpu.memory_space<vmem>>, vector<1x16xf32>,
        %mul3A_488 = arith.constant 16 : i32
        %mul3A_489 = arith.muli %scan3A_71, %mul3A_488 : i32
        %add3A_490 = arith.constant 7 : i32
        %add3A_491 = arith.addi %mul3A_489, %add3A_490 : i32
        %broadcast_in_dim3A_492 = arith.constant 7 : i32
        %broadcast_in_dim3A_493 = vector.broadcast %broadcast_in_dim3A_492 : i32 to vector<16x1xi32>
        %gather3A_494 = vector.shape_cast %broadcast_in_dim3A_493 : vector<16x1xi32> to vector<16xi32>
        %gather3A_495 = tpu.dynamic_gather %sub3A_83[%gather3A_494] in [0] : vector<16xf32>, vector<16xi32> -> vector<16xf32>
        %gather3A_496 = vector.shape_cast %broadcast_in_dim3A_493 : vector<16x1xi32> to vector<16xi32>
        %gather3A_497 = tpu.dynamic_gather %select_n3A[%gather3A_496] in [0] : vector<16xf32>, vector<16xi32> -> vector<16xf32>
        %get3A_498 = arith.index_cast %add3A_491 : i32 to index
        %get3A_499 = arith.constant 0 : index
        %get3A_500 = tpu.vector_load %arg7[%get3A_498, %get3A_499] {strides = array<i32>} : memref<256x128xf32, #tpu.memory_space<vmem>>, vector<1x16xf32>,
        %get3A_501 = vector.shape_cast %get3A_500 : vector<1x16xf32> to vector<16xf32>
        %mul3A_502 = arith.mulf %get3A_501, %gather3A_495 : vector<16xf32>
        %mul3A_503 = arith.mulf %get3A_4, %gather3A_497 : vector<16xf32>
        %add3A_504 = arith.addf %mul3A_502, %mul3A_503 : vector<16xf32>
        %swap3A_505 = arith.index_cast %add3A_491 : i32 to index
        %swap3A_506 = arith.constant 0 : index
        %swap3A_507 = tpu.vector_load %arg7[%swap3A_505, %swap3A_506] {strides = array<i32>} : memref<256x128xf32, #tpu.memory_space<vmem>>, vector<1x16xf32>,
        %swap3A_508 = vector.shape_cast %swap3A_507 : vector<1x16xf32> to vector<16xf32>
        %swap3A_509 = vector.shape_cast %add3A_504 : vector<16xf32> to vector<1x16xf32>
        tpu.vector_store %arg7[%swap3A_505, %swap3A_506], %swap3A_509 {strides = array<i32>} : memref<256x128xf32, #tpu.memory_space<vmem>>, vector<1x16xf32>,
        %get3A_510 = arith.index_cast %add3A_491 : i32 to index
        %get3A_511 = arith.constant 16 : index
        %get3A_512 = tpu.vector_load %arg7[%get3A_510, %get3A_511] {strides = array<i32>} : memref<256x128xf32, #tpu.memory_space<vmem>>, vector<1x16xf32>,
        %get3A_513 = vector.shape_cast %get3A_512 : vector<1x16xf32> to vector<16xf32>
        %mul3A_514 = arith.mulf %get3A_513, %gather3A_495 : vector<16xf32>
        %mul3A_515 = arith.mulf %get3A_7, %gather3A_497 : vector<16xf32>
        %add3A_516 = arith.addf %mul3A_514, %mul3A_515 : vector<16xf32>
        %swap3A_517 = arith.index_cast %add3A_491 : i32 to index
        %swap3A_518 = arith.constant 16 : index
        %swap3A_519 = tpu.vector_load %arg7[%swap3A_517, %swap3A_518] {strides = array<i32>} : memref<256x128xf32, #tpu.memory_space<vmem>>, vector<1x16xf32>,
        %swap3A_520 = vector.shape_cast %swap3A_519 : vector<1x16xf32> to vector<16xf32>
        %swap3A_521 = vector.shape_cast %add3A_516 : vector<16xf32> to vector<1x16xf32>
        tpu.vector_store %arg7[%swap3A_517, %swap3A_518], %swap3A_521 {strides = array<i32>} : memref<256x128xf32, #tpu.memory_space<vmem>>, vector<1x16xf32>,
        %get3A_522 = arith.index_cast %add3A_491 : i32 to index
        %get3A_523 = arith.constant 32 : index
        %get3A_524 = tpu.vector_load %arg7[%get3A_522, %get3A_523] {strides = array<i32>} : memref<256x128xf32, #tpu.memory_space<vmem>>, vector<1x16xf32>,
        %get3A_525 = vector.shape_cast %get3A_524 : vector<1x16xf32> to vector<16xf32>
        %mul3A_526 = arith.mulf %get3A_525, %gather3A_495 : vector<16xf32>
        %mul3A_527 = arith.mulf %get3A_10, %gather3A_497 : vector<16xf32>
        %add3A_528 = arith.addf %mul3A_526, %mul3A_527 : vector<16xf32>
        %swap3A_529 = arith.index_cast %add3A_491 : i32 to index
        %swap3A_530 = arith.constant 32 : index
        %swap3A_531 = tpu.vector_load %arg7[%swap3A_529, %swap3A_530] {strides = array<i32>} : memref<256x128xf32, #tpu.memory_space<vmem>>, vector<1x16xf32>,
        %swap3A_532 = vector.shape_cast %swap3A_531 : vector<1x16xf32> to vector<16xf32>
        %swap3A_533 = vector.shape_cast %add3A_528 : vector<16xf32> to vector<1x16xf32>
        tpu.vector_store %arg7[%swap3A_529, %swap3A_530], %swap3A_533 {strides = array<i32>} : memref<256x128xf32, #tpu.memory_space<vmem>>, vector<1x16xf32>,
        %get3A_534 = arith.index_cast %add3A_491 : i32 to index
        %get3A_535 = arith.constant 48 : index
        %get3A_536 = tpu.vector_load %arg7[%get3A_534, %get3A_535] {strides = array<i32>} : memref<256x128xf32, #tpu.memory_space<vmem>>, vector<1x16xf32>,
        %get3A_537 = vector.shape_cast %get3A_536 : vector<1x16xf32> to vector<16xf32>
        %mul3A_538 = arith.mulf %get3A_537, %gather3A_495 : vector<16xf32>
        %mul3A_539 = arith.mulf %get3A_13, %gather3A_497 : vector<16xf32>
        %add3A_540 = arith.addf %mul3A_538, %mul3A_539 : vector<16xf32>
        %swap3A_541 = arith.index_cast %add3A_491 : i32 to index
        %swap3A_542 = arith.constant 48 : index
        %swap3A_543 = tpu.vector_load %arg7[%swap3A_541, %swap3A_542] {strides = array<i32>} : memref<256x128xf32, #tpu.memory_space<vmem>>, vector<1x16xf32>,
        %swap3A_544 = vector.shape_cast %swap3A_543 : vector<1x16xf32> to vector<16xf32>
        %swap3A_545 = vector.shape_cast %add3A_540 : vector<16xf32> to vector<1x16xf32>
        tpu.vector_store %arg7[%swap3A_541, %swap3A_542], %swap3A_545 {strides = array<i32>} : memref<256x128xf32, #tpu.memory_space<vmem>>, vector<1x16xf32>,
        %mul3A_546 = arith.constant 16 : i32
        %mul3A_547 = arith.muli %scan3A_71, %mul3A_546 : i32
        %add3A_548 = arith.constant 8 : i32
        %add3A_549 = arith.addi %mul3A_547, %add3A_548 : i32
        %broadcast_in_dim3A_550 = arith.constant 8 : i32
        %broadcast_in_dim3A_551 = vector.broadcast %broadcast_in_dim3A_550 : i32 to vector<16x1xi32>
        %gather3A_552 = vector.shape_cast %broadcast_in_dim3A_551 : vector<16x1xi32> to vector<16xi32>
        %gather3A_553 = tpu.dynamic_gather %sub3A_83[%gather3A_552] in [0] : vector<16xf32>, vector<16xi32> -> vector<16xf32>
        %gather3A_554 = vector.shape_cast %broadcast_in_dim3A_551 : vector<16x1xi32> to vector<16xi32>
        %gather3A_555 = tpu.dynamic_gather %select_n3A[%gather3A_554] in [0] : vector<16xf32>, vector<16xi32> -> vector<16xf32>
        %get3A_556 = arith.index_cast %add3A_549 : i32 to index
        %get3A_557 = arith.constant 0 : index
        %get3A_558 = tpu.vector_load %arg7[%get3A_556, %get3A_557] {strides = array<i32>} : memref<256x128xf32, #tpu.memory_space<vmem>>, vector<1x16xf32>,
        %get3A_559 = vector.shape_cast %get3A_558 : vector<1x16xf32> to vector<16xf32>
        %mul3A_560 = arith.mulf %get3A_559, %gather3A_553 : vector<16xf32>
        %mul3A_561 = arith.mulf %get3A_4, %gather3A_555 : vector<16xf32>
        %add3A_562 = arith.addf %mul3A_560, %mul3A_561 : vector<16xf32>
        %swap3A_563 = arith.index_cast %add3A_549 : i32 to index
        %swap3A_564 = arith.constant 0 : index
        %swap3A_565 = tpu.vector_load %arg7[%swap3A_563, %swap3A_564] {strides = array<i32>} : memref<256x128xf32, #tpu.memory_space<vmem>>, vector<1x16xf32>,
        %swap3A_566 = vector.shape_cast %swap3A_565 : vector<1x16xf32> to vector<16xf32>
        %swap3A_567 = vector.shape_cast %add3A_562 : vector<16xf32> to vector<1x16xf32>
        tpu.vector_store %arg7[%swap3A_563, %swap3A_564], %swap3A_567 {strides = array<i32>} : memref<256x128xf32, #tpu.memory_space<vmem>>, vector<1x16xf32>,
        %get3A_568 = arith.index_cast %add3A_549 : i32 to index
        %get3A_569 = arith.constant 16 : index
        %get3A_570 = tpu.vector_load %arg7[%get3A_568, %get3A_569] {strides = array<i32>} : memref<256x128xf32, #tpu.memory_space<vmem>>, vector<1x16xf32>,
        %get3A_571 = vector.shape_cast %get3A_570 : vector<1x16xf32> to vector<16xf32>
        %mul3A_572 = arith.mulf %get3A_571, %gather3A_553 : vector<16xf32>
        %mul3A_573 = arith.mulf %get3A_7, %gather3A_555 : vector<16xf32>
        %add3A_574 = arith.addf %mul3A_572, %mul3A_573 : vector<16xf32>
        %swap3A_575 = arith.index_cast %add3A_549 : i32 to index
        %swap3A_576 = arith.constant 16 : index
        %swap3A_577 = tpu.vector_load %arg7[%swap3A_575, %swap3A_576] {strides = array<i32>} : memref<256x128xf32, #tpu.memory_space<vmem>>, vector<1x16xf32>,
        %swap3A_578 = vector.shape_cast %swap3A_577 : vector<1x16xf32> to vector<16xf32>
        %swap3A_579 = vector.shape_cast %add3A_574 : vector<16xf32> to vector<1x16xf32>
        tpu.vector_store %arg7[%swap3A_575, %swap3A_576], %swap3A_579 {strides = array<i32>} : memref<256x128xf32, #tpu.memory_space<vmem>>, vector<1x16xf32>,
        %get3A_580 = arith.index_cast %add3A_549 : i32 to index
        %get3A_581 = arith.constant 32 : index
        %get3A_582 = tpu.vector_load %arg7[%get3A_580, %get3A_581] {strides = array<i32>} : memref<256x128xf32, #tpu.memory_space<vmem>>, vector<1x16xf32>,
        %get3A_583 = vector.shape_cast %get3A_582 : vector<1x16xf32> to vector<16xf32>
        %mul3A_584 = arith.mulf %get3A_583, %gather3A_553 : vector<16xf32>
        %mul3A_585 = arith.mulf %get3A_10, %gather3A_555 : vector<16xf32>
        %add3A_586 = arith.addf %mul3A_584, %mul3A_585 : vector<16xf32>
        %swap3A_587 = arith.index_cast %add3A_549 : i32 to index
        %swap3A_588 = arith.constant 32 : index
        %swap3A_589 = tpu.vector_load %arg7[%swap3A_587, %swap3A_588] {strides = array<i32>} : memref<256x128xf32, #tpu.memory_space<vmem>>, vector<1x16xf32>,
        %swap3A_590 = vector.shape_cast %swap3A_589 : vector<1x16xf32> to vector<16xf32>
        %swap3A_591 = vector.shape_cast %add3A_586 : vector<16xf32> to vector<1x16xf32>
        tpu.vector_store %arg7[%swap3A_587, %swap3A_588], %swap3A_591 {strides = array<i32>} : memref<256x128xf32, #tpu.memory_space<vmem>>, vector<1x16xf32>,
        %get3A_592 = arith.index_cast %add3A_549 : i32 to index
        %get3A_593 = arith.constant 48 : index
        %get3A_594 = tpu.vector_load %arg7[%get3A_592, %get3A_593] {strides = array<i32>} : memref<256x128xf32, #tpu.memory_space<vmem>>, vector<1x16xf32>,
        %get3A_595 = vector.shape_cast %get3A_594 : vector<1x16xf32> to vector<16xf32>
        %mul3A_596 = arith.mulf %get3A_595, %gather3A_553 : vector<16xf32>
        %mul3A_597 = arith.mulf %get3A_13, %gather3A_555 : vector<16xf32>
        %add3A_598 = arith.addf %mul3A_596, %mul3A_597 : vector<16xf32>
        %swap3A_599 = arith.index_cast %add3A_549 : i32 to index
        %swap3A_600 = arith.constant 48 : index
        %swap3A_601 = tpu.vector_load %arg7[%swap3A_599, %swap3A_600] {strides = array<i32>} : memref<256x128xf32, #tpu.memory_space<vmem>>, vector<1x16xf32>,
        %swap3A_602 = vector.shape_cast %swap3A_601 : vector<1x16xf32> to vector<16xf32>
        %swap3A_603 = vector.shape_cast %add3A_598 : vector<16xf32> to vector<1x16xf32>
        tpu.vector_store %arg7[%swap3A_599, %swap3A_600], %swap3A_603 {strides = array<i32>} : memref<256x128xf32, #tpu.memory_space<vmem>>, vector<1x16xf32>,
        %mul3A_604 = arith.constant 16 : i32
        %mul3A_605 = arith.muli %scan3A_71, %mul3A_604 : i32
        %add3A_606 = arith.constant 9 : i32
        %add3A_607 = arith.addi %mul3A_605, %add3A_606 : i32
        %broadcast_in_dim3A_608 = arith.constant 9 : i32
        %broadcast_in_dim3A_609 = vector.broadcast %broadcast_in_dim3A_608 : i32 to vector<16x1xi32>
        %gather3A_610 = vector.shape_cast %broadcast_in_dim3A_609 : vector<16x1xi32> to vector<16xi32>
        %gather3A_611 = tpu.dynamic_gather %sub3A_83[%gather3A_610] in [0] : vector<16xf32>, vector<16xi32> -> vector<16xf32>
        %gather3A_612 = vector.shape_cast %broadcast_in_dim3A_609 : vector<16x1xi32> to vector<16xi32>
        %gather3A_613 = tpu.dynamic_gather %select_n3A[%gather3A_612] in [0] : vector<16xf32>, vector<16xi32> -> vector<16xf32>
        %get3A_614 = arith.index_cast %add3A_607 : i32 to index
        %get3A_615 = arith.constant 0 : index
        %get3A_616 = tpu.vector_load %arg7[%get3A_614, %get3A_615] {strides = array<i32>} : memref<256x128xf32, #tpu.memory_space<vmem>>, vector<1x16xf32>,
        %get3A_617 = vector.shape_cast %get3A_616 : vector<1x16xf32> to vector<16xf32>
        %mul3A_618 = arith.mulf %get3A_617, %gather3A_611 : vector<16xf32>
        %mul3A_619 = arith.mulf %get3A_4, %gather3A_613 : vector<16xf32>
        %add3A_620 = arith.addf %mul3A_618, %mul3A_619 : vector<16xf32>
        %swap3A_621 = arith.index_cast %add3A_607 : i32 to index
        %swap3A_622 = arith.constant 0 : index
        %swap3A_623 = tpu.vector_load %arg7[%swap3A_621, %swap3A_622] {strides = array<i32>} : memref<256x128xf32, #tpu.memory_space<vmem>>, vector<1x16xf32>,
        %swap3A_624 = vector.shape_cast %swap3A_623 : vector<1x16xf32> to vector<16xf32>
        %swap3A_625 = vector.shape_cast %add3A_620 : vector<16xf32> to vector<1x16xf32>
        tpu.vector_store %arg7[%swap3A_621, %swap3A_622], %swap3A_625 {strides = array<i32>} : memref<256x128xf32, #tpu.memory_space<vmem>>, vector<1x16xf32>,
        %get3A_626 = arith.index_cast %add3A_607 : i32 to index
        %get3A_627 = arith.constant 16 : index
        %get3A_628 = tpu.vector_load %arg7[%get3A_626, %get3A_627] {strides = array<i32>} : memref<256x128xf32, #tpu.memory_space<vmem>>, vector<1x16xf32>,
        %get3A_629 = vector.shape_cast %get3A_628 : vector<1x16xf32> to vector<16xf32>
        %mul3A_630 = arith.mulf %get3A_629, %gather3A_611 : vector<16xf32>
        %mul3A_631 = arith.mulf %get3A_7, %gather3A_613 : vector<16xf32>
        %add3A_632 = arith.addf %mul3A_630, %mul3A_631 : vector<16xf32>
        %swap3A_633 = arith.index_cast %add3A_607 : i32 to index
        %swap3A_634 = arith.constant 16 : index
        %swap3A_635 = tpu.vector_load %arg7[%swap3A_633, %swap3A_634] {strides = array<i32>} : memref<256x128xf32, #tpu.memory_space<vmem>>, vector<1x16xf32>,
        %swap3A_636 = vector.shape_cast %swap3A_635 : vector<1x16xf32> to vector<16xf32>
        %swap3A_637 = vector.shape_cast %add3A_632 : vector<16xf32> to vector<1x16xf32>
        tpu.vector_store %arg7[%swap3A_633, %swap3A_634], %swap3A_637 {strides = array<i32>} : memref<256x128xf32, #tpu.memory_space<vmem>>, vector<1x16xf32>,
        %get3A_638 = arith.index_cast %add3A_607 : i32 to index
        %get3A_639 = arith.constant 32 : index
        %get3A_640 = tpu.vector_load %arg7[%get3A_638, %get3A_639] {strides = array<i32>} : memref<256x128xf32, #tpu.memory_space<vmem>>, vector<1x16xf32>,
        %get3A_641 = vector.shape_cast %get3A_640 : vector<1x16xf32> to vector<16xf32>
        %mul3A_642 = arith.mulf %get3A_641, %gather3A_611 : vector<16xf32>
        %mul3A_643 = arith.mulf %get3A_10, %gather3A_613 : vector<16xf32>
        %add3A_644 = arith.addf %mul3A_642, %mul3A_643 : vector<16xf32>
        %swap3A_645 = arith.index_cast %add3A_607 : i32 to index
        %swap3A_646 = arith.constant 32 : index
        %swap3A_647 = tpu.vector_load %arg7[%swap3A_645, %swap3A_646] {strides = array<i32>} : memref<256x128xf32, #tpu.memory_space<vmem>>, vector<1x16xf32>,
        %swap3A_648 = vector.shape_cast %swap3A_647 : vector<1x16xf32> to vector<16xf32>
        %swap3A_649 = vector.shape_cast %add3A_644 : vector<16xf32> to vector<1x16xf32>
        tpu.vector_store %arg7[%swap3A_645, %swap3A_646], %swap3A_649 {strides = array<i32>} : memref<256x128xf32, #tpu.memory_space<vmem>>, vector<1x16xf32>,
        %get3A_650 = arith.index_cast %add3A_607 : i32 to index
        %get3A_651 = arith.constant 48 : index
        %get3A_652 = tpu.vector_load %arg7[%get3A_650, %get3A_651] {strides = array<i32>} : memref<256x128xf32, #tpu.memory_space<vmem>>, vector<1x16xf32>,
        %get3A_653 = vector.shape_cast %get3A_652 : vector<1x16xf32> to vector<16xf32>
        %mul3A_654 = arith.mulf %get3A_653, %gather3A_611 : vector<16xf32>
        %mul3A_655 = arith.mulf %get3A_13, %gather3A_613 : vector<16xf32>
        %add3A_656 = arith.addf %mul3A_654, %mul3A_655 : vector<16xf32>
        %swap3A_657 = arith.index_cast %add3A_607 : i32 to index
        %swap3A_658 = arith.constant 48 : index
        %swap3A_659 = tpu.vector_load %arg7[%swap3A_657, %swap3A_658] {strides = array<i32>} : memref<256x128xf32, #tpu.memory_space<vmem>>, vector<1x16xf32>,
        %swap3A_660 = vector.shape_cast %swap3A_659 : vector<1x16xf32> to vector<16xf32>
        %swap3A_661 = vector.shape_cast %add3A_656 : vector<16xf32> to vector<1x16xf32>
        tpu.vector_store %arg7[%swap3A_657, %swap3A_658], %swap3A_661 {strides = array<i32>} : memref<256x128xf32, #tpu.memory_space<vmem>>, vector<1x16xf32>,
        %mul3A_662 = arith.constant 16 : i32
        %mul3A_663 = arith.muli %scan3A_71, %mul3A_662 : i32
        %add3A_664 = arith.constant 10 : i32
        %add3A_665 = arith.addi %mul3A_663, %add3A_664 : i32
        %broadcast_in_dim3A_666 = arith.constant 10 : i32
        %broadcast_in_dim3A_667 = vector.broadcast %broadcast_in_dim3A_666 : i32 to vector<16x1xi32>
        %gather3A_668 = vector.shape_cast %broadcast_in_dim3A_667 : vector<16x1xi32> to vector<16xi32>
        %gather3A_669 = tpu.dynamic_gather %sub3A_83[%gather3A_668] in [0] : vector<16xf32>, vector<16xi32> -> vector<16xf32>
        %gather3A_670 = vector.shape_cast %broadcast_in_dim3A_667 : vector<16x1xi32> to vector<16xi32>
        %gather3A_671 = tpu.dynamic_gather %select_n3A[%gather3A_670] in [0] : vector<16xf32>, vector<16xi32> -> vector<16xf32>
        %get3A_672 = arith.index_cast %add3A_665 : i32 to index
        %get3A_673 = arith.constant 0 : index
        %get3A_674 = tpu.vector_load %arg7[%get3A_672, %get3A_673] {strides = array<i32>} : memref<256x128xf32, #tpu.memory_space<vmem>>, vector<1x16xf32>,
        %get3A_675 = vector.shape_cast %get3A_674 : vector<1x16xf32> to vector<16xf32>
        %mul3A_676 = arith.mulf %get3A_675, %gather3A_669 : vector<16xf32>
        %mul3A_677 = arith.mulf %get3A_4, %gather3A_671 : vector<16xf32>
        %add3A_678 = arith.addf %mul3A_676, %mul3A_677 : vector<16xf32>
        %swap3A_679 = arith.index_cast %add3A_665 : i32 to index
        %swap3A_680 = arith.constant 0 : index
        %swap3A_681 = tpu.vector_load %arg7[%swap3A_679, %swap3A_680] {strides = array<i32>} : memref<256x128xf32, #tpu.memory_space<vmem>>, vector<1x16xf32>,
        %swap3A_682 = vector.shape_cast %swap3A_681 : vector<1x16xf32> to vector<16xf32>
        %swap3A_683 = vector.shape_cast %add3A_678 : vector<16xf32> to vector<1x16xf32>
        tpu.vector_store %arg7[%swap3A_679, %swap3A_680], %swap3A_683 {strides = array<i32>} : memref<256x128xf32, #tpu.memory_space<vmem>>, vector<1x16xf32>,
        %get3A_684 = arith.index_cast %add3A_665 : i32 to index
        %get3A_685 = arith.constant 16 : index
        %get3A_686 = tpu.vector_load %arg7[%get3A_684, %get3A_685] {strides = array<i32>} : memref<256x128xf32, #tpu.memory_space<vmem>>, vector<1x16xf32>,
        %get3A_687 = vector.shape_cast %get3A_686 : vector<1x16xf32> to vector<16xf32>
        %mul3A_688 = arith.mulf %get3A_687, %gather3A_669 : vector<16xf32>
        %mul3A_689 = arith.mulf %get3A_7, %gather3A_671 : vector<16xf32>
        %add3A_690 = arith.addf %mul3A_688, %mul3A_689 : vector<16xf32>
        %swap3A_691 = arith.index_cast %add3A_665 : i32 to index
        %swap3A_692 = arith.constant 16 : index
        %swap3A_693 = tpu.vector_load %arg7[%swap3A_691, %swap3A_692] {strides = array<i32>} : memref<256x128xf32, #tpu.memory_space<vmem>>, vector<1x16xf32>,
        %swap3A_694 = vector.shape_cast %swap3A_693 : vector<1x16xf32> to vector<16xf32>
        %swap3A_695 = vector.shape_cast %add3A_690 : vector<16xf32> to vector<1x16xf32>
        tpu.vector_store %arg7[%swap3A_691, %swap3A_692], %swap3A_695 {strides = array<i32>} : memref<256x128xf32, #tpu.memory_space<vmem>>, vector<1x16xf32>,
        %get3A_696 = arith.index_cast %add3A_665 : i32 to index
        %get3A_697 = arith.constant 32 : index
        %get3A_698 = tpu.vector_load %arg7[%get3A_696, %get3A_697] {strides = array<i32>} : memref<256x128xf32, #tpu.memory_space<vmem>>, vector<1x16xf32>,
        %get3A_699 = vector.shape_cast %get3A_698 : vector<1x16xf32> to vector<16xf32>
        %mul3A_700 = arith.mulf %get3A_699, %gather3A_669 : vector<16xf32>
        %mul3A_701 = arith.mulf %get3A_10, %gather3A_671 : vector<16xf32>
        %add3A_702 = arith.addf %mul3A_700, %mul3A_701 : vector<16xf32>
        %swap3A_703 = arith.index_cast %add3A_665 : i32 to index
        %swap3A_704 = arith.constant 32 : index
        %swap3A_705 = tpu.vector_load %arg7[%swap3A_703, %swap3A_704] {strides = array<i32>} : memref<256x128xf32, #tpu.memory_space<vmem>>, vector<1x16xf32>,
        %swap3A_706 = vector.shape_cast %swap3A_705 : vector<1x16xf32> to vector<16xf32>
        %swap3A_707 = vector.shape_cast %add3A_702 : vector<16xf32> to vector<1x16xf32>
        tpu.vector_store %arg7[%swap3A_703, %swap3A_704], %swap3A_707 {strides = array<i32>} : memref<256x128xf32, #tpu.memory_space<vmem>>, vector<1x16xf32>,
        %get3A_708 = arith.index_cast %add3A_665 : i32 to index
        %get3A_709 = arith.constant 48 : index
        %get3A_710 = tpu.vector_load %arg7[%get3A_708, %get3A_709] {strides = array<i32>} : memref<256x128xf32, #tpu.memory_space<vmem>>, vector<1x16xf32>,
        %get3A_711 = vector.shape_cast %get3A_710 : vector<1x16xf32> to vector<16xf32>
        %mul3A_712 = arith.mulf %get3A_711, %gather3A_669 : vector<16xf32>
        %mul3A_713 = arith.mulf %get3A_13, %gather3A_671 : vector<16xf32>
        %add3A_714 = arith.addf %mul3A_712, %mul3A_713 : vector<16xf32>
        %swap3A_715 = arith.index_cast %add3A_665 : i32 to index
        %swap3A_716 = arith.constant 48 : index
        %swap3A_717 = tpu.vector_load %arg7[%swap3A_715, %swap3A_716] {strides = array<i32>} : memref<256x128xf32, #tpu.memory_space<vmem>>, vector<1x16xf32>,
        %swap3A_718 = vector.shape_cast %swap3A_717 : vector<1x16xf32> to vector<16xf32>
        %swap3A_719 = vector.shape_cast %add3A_714 : vector<16xf32> to vector<1x16xf32>
        tpu.vector_store %arg7[%swap3A_715, %swap3A_716], %swap3A_719 {strides = array<i32>} : memref<256x128xf32, #tpu.memory_space<vmem>>, vector<1x16xf32>,
        %mul3A_720 = arith.constant 16 : i32
        %mul3A_721 = arith.muli %scan3A_71, %mul3A_720 : i32
        %add3A_722 = arith.constant 11 : i32
        %add3A_723 = arith.addi %mul3A_721, %add3A_722 : i32
        %broadcast_in_dim3A_724 = arith.constant 11 : i32
        %broadcast_in_dim3A_725 = vector.broadcast %broadcast_in_dim3A_724 : i32 to vector<16x1xi32>
        %gather3A_726 = vector.shape_cast %broadcast_in_dim3A_725 : vector<16x1xi32> to vector<16xi32>
        %gather3A_727 = tpu.dynamic_gather %sub3A_83[%gather3A_726] in [0] : vector<16xf32>, vector<16xi32> -> vector<16xf32>
        %gather3A_728 = vector.shape_cast %broadcast_in_dim3A_725 : vector<16x1xi32> to vector<16xi32>
        %gather3A_729 = tpu.dynamic_gather %select_n3A[%gather3A_728] in [0] : vector<16xf32>, vector<16xi32> -> vector<16xf32>
        %get3A_730 = arith.index_cast %add3A_723 : i32 to index
        %get3A_731 = arith.constant 0 : index
        %get3A_732 = tpu.vector_load %arg7[%get3A_730, %get3A_731] {strides = array<i32>} : memref<256x128xf32, #tpu.memory_space<vmem>>, vector<1x16xf32>,
        %get3A_733 = vector.shape_cast %get3A_732 : vector<1x16xf32> to vector<16xf32>
        %mul3A_734 = arith.mulf %get3A_733, %gather3A_727 : vector<16xf32>
        %mul3A_735 = arith.mulf %get3A_4, %gather3A_729 : vector<16xf32>
        %add3A_736 = arith.addf %mul3A_734, %mul3A_735 : vector<16xf32>
        %swap3A_737 = arith.index_cast %add3A_723 : i32 to index
        %swap3A_738 = arith.constant 0 : index
        %swap3A_739 = tpu.vector_load %arg7[%swap3A_737, %swap3A_738] {strides = array<i32>} : memref<256x128xf32, #tpu.memory_space<vmem>>, vector<1x16xf32>,
        %swap3A_740 = vector.shape_cast %swap3A_739 : vector<1x16xf32> to vector<16xf32>
        %swap3A_741 = vector.shape_cast %add3A_736 : vector<16xf32> to vector<1x16xf32>
        tpu.vector_store %arg7[%swap3A_737, %swap3A_738], %swap3A_741 {strides = array<i32>} : memref<256x128xf32, #tpu.memory_space<vmem>>, vector<1x16xf32>,
        %get3A_742 = arith.index_cast %add3A_723 : i32 to index
        %get3A_743 = arith.constant 16 : index
        %get3A_744 = tpu.vector_load %arg7[%get3A_742, %get3A_743] {strides = array<i32>} : memref<256x128xf32, #tpu.memory_space<vmem>>, vector<1x16xf32>,
        %get3A_745 = vector.shape_cast %get3A_744 : vector<1x16xf32> to vector<16xf32>
        %mul3A_746 = arith.mulf %get3A_745, %gather3A_727 : vector<16xf32>
        %mul3A_747 = arith.mulf %get3A_7, %gather3A_729 : vector<16xf32>
        %add3A_748 = arith.addf %mul3A_746, %mul3A_747 : vector<16xf32>
        %swap3A_749 = arith.index_cast %add3A_723 : i32 to index
        %swap3A_750 = arith.constant 16 : index
        %swap3A_751 = tpu.vector_load %arg7[%swap3A_749, %swap3A_750] {strides = array<i32>} : memref<256x128xf32, #tpu.memory_space<vmem>>, vector<1x16xf32>,
        %swap3A_752 = vector.shape_cast %swap3A_751 : vector<1x16xf32> to vector<16xf32>
        %swap3A_753 = vector.shape_cast %add3A_748 : vector<16xf32> to vector<1x16xf32>
        tpu.vector_store %arg7[%swap3A_749, %swap3A_750], %swap3A_753 {strides = array<i32>} : memref<256x128xf32, #tpu.memory_space<vmem>>, vector<1x16xf32>,
        %get3A_754 = arith.index_cast %add3A_723 : i32 to index
        %get3A_755 = arith.constant 32 : index
        %get3A_756 = tpu.vector_load %arg7[%get3A_754, %get3A_755] {strides = array<i32>} : memref<256x128xf32, #tpu.memory_space<vmem>>, vector<1x16xf32>,
        %get3A_757 = vector.shape_cast %get3A_756 : vector<1x16xf32> to vector<16xf32>
        %mul3A_758 = arith.mulf %get3A_757, %gather3A_727 : vector<16xf32>
        %mul3A_759 = arith.mulf %get3A_10, %gather3A_729 : vector<16xf32>
        %add3A_760 = arith.addf %mul3A_758, %mul3A_759 : vector<16xf32>
        %swap3A_761 = arith.index_cast %add3A_723 : i32 to index
        %swap3A_762 = arith.constant 32 : index
        %swap3A_763 = tpu.vector_load %arg7[%swap3A_761, %swap3A_762] {strides = array<i32>} : memref<256x128xf32, #tpu.memory_space<vmem>>, vector<1x16xf32>,
        %swap3A_764 = vector.shape_cast %swap3A_763 : vector<1x16xf32> to vector<16xf32>
        %swap3A_765 = vector.shape_cast %add3A_760 : vector<16xf32> to vector<1x16xf32>
        tpu.vector_store %arg7[%swap3A_761, %swap3A_762], %swap3A_765 {strides = array<i32>} : memref<256x128xf32, #tpu.memory_space<vmem>>, vector<1x16xf32>,
        %get3A_766 = arith.index_cast %add3A_723 : i32 to index
        %get3A_767 = arith.constant 48 : index
        %get3A_768 = tpu.vector_load %arg7[%get3A_766, %get3A_767] {strides = array<i32>} : memref<256x128xf32, #tpu.memory_space<vmem>>, vector<1x16xf32>,
        %get3A_769 = vector.shape_cast %get3A_768 : vector<1x16xf32> to vector<16xf32>
        %mul3A_770 = arith.mulf %get3A_769, %gather3A_727 : vector<16xf32>
        %mul3A_771 = arith.mulf %get3A_13, %gather3A_729 : vector<16xf32>
        %add3A_772 = arith.addf %mul3A_770, %mul3A_771 : vector<16xf32>
        %swap3A_773 = arith.index_cast %add3A_723 : i32 to index
        %swap3A_774 = arith.constant 48 : index
        %swap3A_775 = tpu.vector_load %arg7[%swap3A_773, %swap3A_774] {strides = array<i32>} : memref<256x128xf32, #tpu.memory_space<vmem>>, vector<1x16xf32>,
        %swap3A_776 = vector.shape_cast %swap3A_775 : vector<1x16xf32> to vector<16xf32>
        %swap3A_777 = vector.shape_cast %add3A_772 : vector<16xf32> to vector<1x16xf32>
        tpu.vector_store %arg7[%swap3A_773, %swap3A_774], %swap3A_777 {strides = array<i32>} : memref<256x128xf32, #tpu.memory_space<vmem>>, vector<1x16xf32>,
        %mul3A_778 = arith.constant 16 : i32
        %mul3A_779 = arith.muli %scan3A_71, %mul3A_778 : i32
        %add3A_780 = arith.constant 12 : i32
        %add3A_781 = arith.addi %mul3A_779, %add3A_780 : i32
        %broadcast_in_dim3A_782 = arith.constant 12 : i32
        %broadcast_in_dim3A_783 = vector.broadcast %broadcast_in_dim3A_782 : i32 to vector<16x1xi32>
        %gather3A_784 = vector.shape_cast %broadcast_in_dim3A_783 : vector<16x1xi32> to vector<16xi32>
        %gather3A_785 = tpu.dynamic_gather %sub3A_83[%gather3A_784] in [0] : vector<16xf32>, vector<16xi32> -> vector<16xf32>
        %gather3A_786 = vector.shape_cast %broadcast_in_dim3A_783 : vector<16x1xi32> to vector<16xi32>
        %gather3A_787 = tpu.dynamic_gather %select_n3A[%gather3A_786] in [0] : vector<16xf32>, vector<16xi32> -> vector<16xf32>
        %get3A_788 = arith.index_cast %add3A_781 : i32 to index
        %get3A_789 = arith.constant 0 : index
        %get3A_790 = tpu.vector_load %arg7[%get3A_788, %get3A_789] {strides = array<i32>} : memref<256x128xf32, #tpu.memory_space<vmem>>, vector<1x16xf32>,
        %get3A_791 = vector.shape_cast %get3A_790 : vector<1x16xf32> to vector<16xf32>
        %mul3A_792 = arith.mulf %get3A_791, %gather3A_785 : vector<16xf32>
        %mul3A_793 = arith.mulf %get3A_4, %gather3A_787 : vector<16xf32>
        %add3A_794 = arith.addf %mul3A_792, %mul3A_793 : vector<16xf32>
        %swap3A_795 = arith.index_cast %add3A_781 : i32 to index
        %swap3A_796 = arith.constant 0 : index
        %swap3A_797 = tpu.vector_load %arg7[%swap3A_795, %swap3A_796] {strides = array<i32>} : memref<256x128xf32, #tpu.memory_space<vmem>>, vector<1x16xf32>,
        %swap3A_798 = vector.shape_cast %swap3A_797 : vector<1x16xf32> to vector<16xf32>
        %swap3A_799 = vector.shape_cast %add3A_794 : vector<16xf32> to vector<1x16xf32>
        tpu.vector_store %arg7[%swap3A_795, %swap3A_796], %swap3A_799 {strides = array<i32>} : memref<256x128xf32, #tpu.memory_space<vmem>>, vector<1x16xf32>,
        %get3A_800 = arith.index_cast %add3A_781 : i32 to index
        %get3A_801 = arith.constant 16 : index
        %get3A_802 = tpu.vector_load %arg7[%get3A_800, %get3A_801] {strides = array<i32>} : memref<256x128xf32, #tpu.memory_space<vmem>>, vector<1x16xf32>,
        %get3A_803 = vector.shape_cast %get3A_802 : vector<1x16xf32> to vector<16xf32>
        %mul3A_804 = arith.mulf %get3A_803, %gather3A_785 : vector<16xf32>
        %mul3A_805 = arith.mulf %get3A_7, %gather3A_787 : vector<16xf32>
        %add3A_806 = arith.addf %mul3A_804, %mul3A_805 : vector<16xf32>
        %swap3A_807 = arith.index_cast %add3A_781 : i32 to index
        %swap3A_808 = arith.constant 16 : index
        %swap3A_809 = tpu.vector_load %arg7[%swap3A_807, %swap3A_808] {strides = array<i32>} : memref<256x128xf32, #tpu.memory_space<vmem>>, vector<1x16xf32>,
        %swap3A_810 = vector.shape_cast %swap3A_809 : vector<1x16xf32> to vector<16xf32>
        %swap3A_811 = vector.shape_cast %add3A_806 : vector<16xf32> to vector<1x16xf32>
        tpu.vector_store %arg7[%swap3A_807, %swap3A_808], %swap3A_811 {strides = array<i32>} : memref<256x128xf32, #tpu.memory_space<vmem>>, vector<1x16xf32>,
        %get3A_812 = arith.index_cast %add3A_781 : i32 to index
        %get3A_813 = arith.constant 32 : index
        %get3A_814 = tpu.vector_load %arg7[%get3A_812, %get3A_813] {strides = array<i32>} : memref<256x128xf32, #tpu.memory_space<vmem>>, vector<1x16xf32>,
        %get3A_815 = vector.shape_cast %get3A_814 : vector<1x16xf32> to vector<16xf32>
        %mul3A_816 = arith.mulf %get3A_815, %gather3A_785 : vector<16xf32>
        %mul3A_817 = arith.mulf %get3A_10, %gather3A_787 : vector<16xf32>
        %add3A_818 = arith.addf %mul3A_816, %mul3A_817 : vector<16xf32>
        %swap3A_819 = arith.index_cast %add3A_781 : i32 to index
        %swap3A_820 = arith.constant 32 : index
        %swap3A_821 = tpu.vector_load %arg7[%swap3A_819, %swap3A_820] {strides = array<i32>} : memref<256x128xf32, #tpu.memory_space<vmem>>, vector<1x16xf32>,
        %swap3A_822 = vector.shape_cast %swap3A_821 : vector<1x16xf32> to vector<16xf32>
        %swap3A_823 = vector.shape_cast %add3A_818 : vector<16xf32> to vector<1x16xf32>
        tpu.vector_store %arg7[%swap3A_819, %swap3A_820], %swap3A_823 {strides = array<i32>} : memref<256x128xf32, #tpu.memory_space<vmem>>, vector<1x16xf32>,
        %get3A_824 = arith.index_cast %add3A_781 : i32 to index
        %get3A_825 = arith.constant 48 : index
        %get3A_826 = tpu.vector_load %arg7[%get3A_824, %get3A_825] {strides = array<i32>} : memref<256x128xf32, #tpu.memory_space<vmem>>, vector<1x16xf32>,
        %get3A_827 = vector.shape_cast %get3A_826 : vector<1x16xf32> to vector<16xf32>
        %mul3A_828 = arith.mulf %get3A_827, %gather3A_785 : vector<16xf32>
        %mul3A_829 = arith.mulf %get3A_13, %gather3A_787 : vector<16xf32>
        %add3A_830 = arith.addf %mul3A_828, %mul3A_829 : vector<16xf32>
        %swap3A_831 = arith.index_cast %add3A_781 : i32 to index
        %swap3A_832 = arith.constant 48 : index
        %swap3A_833 = tpu.vector_load %arg7[%swap3A_831, %swap3A_832] {strides = array<i32>} : memref<256x128xf32, #tpu.memory_space<vmem>>, vector<1x16xf32>,
        %swap3A_834 = vector.shape_cast %swap3A_833 : vector<1x16xf32> to vector<16xf32>
        %swap3A_835 = vector.shape_cast %add3A_830 : vector<16xf32> to vector<1x16xf32>
        tpu.vector_store %arg7[%swap3A_831, %swap3A_832], %swap3A_835 {strides = array<i32>} : memref<256x128xf32, #tpu.memory_space<vmem>>, vector<1x16xf32>,
        %mul3A_836 = arith.constant 16 : i32
        %mul3A_837 = arith.muli %scan3A_71, %mul3A_836 : i32
        %add3A_838 = arith.constant 13 : i32
        %add3A_839 = arith.addi %mul3A_837, %add3A_838 : i32
        %broadcast_in_dim3A_840 = arith.constant 13 : i32
        %broadcast_in_dim3A_841 = vector.broadcast %broadcast_in_dim3A_840 : i32 to vector<16x1xi32>
        %gather3A_842 = vector.shape_cast %broadcast_in_dim3A_841 : vector<16x1xi32> to vector<16xi32>
        %gather3A_843 = tpu.dynamic_gather %sub3A_83[%gather3A_842] in [0] : vector<16xf32>, vector<16xi32> -> vector<16xf32>
        %gather3A_844 = vector.shape_cast %broadcast_in_dim3A_841 : vector<16x1xi32> to vector<16xi32>
        %gather3A_845 = tpu.dynamic_gather %select_n3A[%gather3A_844] in [0] : vector<16xf32>, vector<16xi32> -> vector<16xf32>
        %get3A_846 = arith.index_cast %add3A_839 : i32 to index
        %get3A_847 = arith.constant 0 : index
        %get3A_848 = tpu.vector_load %arg7[%get3A_846, %get3A_847] {strides = array<i32>} : memref<256x128xf32, #tpu.memory_space<vmem>>, vector<1x16xf32>,
        %get3A_849 = vector.shape_cast %get3A_848 : vector<1x16xf32> to vector<16xf32>
        %mul3A_850 = arith.mulf %get3A_849, %gather3A_843 : vector<16xf32>
        %mul3A_851 = arith.mulf %get3A_4, %gather3A_845 : vector<16xf32>
        %add3A_852 = arith.addf %mul3A_850, %mul3A_851 : vector<16xf32>
        %swap3A_853 = arith.index_cast %add3A_839 : i32 to index
        %swap3A_854 = arith.constant 0 : index
        %swap3A_855 = tpu.vector_load %arg7[%swap3A_853, %swap3A_854] {strides = array<i32>} : memref<256x128xf32, #tpu.memory_space<vmem>>, vector<1x16xf32>,
        %swap3A_856 = vector.shape_cast %swap3A_855 : vector<1x16xf32> to vector<16xf32>
        %swap3A_857 = vector.shape_cast %add3A_852 : vector<16xf32> to vector<1x16xf32>
        tpu.vector_store %arg7[%swap3A_853, %swap3A_854], %swap3A_857 {strides = array<i32>} : memref<256x128xf32, #tpu.memory_space<vmem>>, vector<1x16xf32>,
        %get3A_858 = arith.index_cast %add3A_839 : i32 to index
        %get3A_859 = arith.constant 16 : index
        %get3A_860 = tpu.vector_load %arg7[%get3A_858, %get3A_859] {strides = array<i32>} : memref<256x128xf32, #tpu.memory_space<vmem>>, vector<1x16xf32>,
        %get3A_861 = vector.shape_cast %get3A_860 : vector<1x16xf32> to vector<16xf32>
        %mul3A_862 = arith.mulf %get3A_861, %gather3A_843 : vector<16xf32>
        %mul3A_863 = arith.mulf %get3A_7, %gather3A_845 : vector<16xf32>
        %add3A_864 = arith.addf %mul3A_862, %mul3A_863 : vector<16xf32>
        %swap3A_865 = arith.index_cast %add3A_839 : i32 to index
        %swap3A_866 = arith.constant 16 : index
        %swap3A_867 = tpu.vector_load %arg7[%swap3A_865, %swap3A_866] {strides = array<i32>} : memref<256x128xf32, #tpu.memory_space<vmem>>, vector<1x16xf32>,
        %swap3A_868 = vector.shape_cast %swap3A_867 : vector<1x16xf32> to vector<16xf32>
        %swap3A_869 = vector.shape_cast %add3A_864 : vector<16xf32> to vector<1x16xf32>
        tpu.vector_store %arg7[%swap3A_865, %swap3A_866], %swap3A_869 {strides = array<i32>} : memref<256x128xf32, #tpu.memory_space<vmem>>, vector<1x16xf32>,
        %get3A_870 = arith.index_cast %add3A_839 : i32 to index
        %get3A_871 = arith.constant 32 : index
        %get3A_872 = tpu.vector_load %arg7[%get3A_870, %get3A_871] {strides = array<i32>} : memref<256x128xf32, #tpu.memory_space<vmem>>, vector<1x16xf32>,
        %get3A_873 = vector.shape_cast %get3A_872 : vector<1x16xf32> to vector<16xf32>
        %mul3A_874 = arith.mulf %get3A_873, %gather3A_843 : vector<16xf32>
        %mul3A_875 = arith.mulf %get3A_10, %gather3A_845 : vector<16xf32>
        %add3A_876 = arith.addf %mul3A_874, %mul3A_875 : vector<16xf32>
        %swap3A_877 = arith.index_cast %add3A_839 : i32 to index
        %swap3A_878 = arith.constant 32 : index
        %swap3A_879 = tpu.vector_load %arg7[%swap3A_877, %swap3A_878] {strides = array<i32>} : memref<256x128xf32, #tpu.memory_space<vmem>>, vector<1x16xf32>,
        %swap3A_880 = vector.shape_cast %swap3A_879 : vector<1x16xf32> to vector<16xf32>
        %swap3A_881 = vector.shape_cast %add3A_876 : vector<16xf32> to vector<1x16xf32>
        tpu.vector_store %arg7[%swap3A_877, %swap3A_878], %swap3A_881 {strides = array<i32>} : memref<256x128xf32, #tpu.memory_space<vmem>>, vector<1x16xf32>,
        %get3A_882 = arith.index_cast %add3A_839 : i32 to index
        %get3A_883 = arith.constant 48 : index
        %get3A_884 = tpu.vector_load %arg7[%get3A_882, %get3A_883] {strides = array<i32>} : memref<256x128xf32, #tpu.memory_space<vmem>>, vector<1x16xf32>,
        %get3A_885 = vector.shape_cast %get3A_884 : vector<1x16xf32> to vector<16xf32>
        %mul3A_886 = arith.mulf %get3A_885, %gather3A_843 : vector<16xf32>
        %mul3A_887 = arith.mulf %get3A_13, %gather3A_845 : vector<16xf32>
        %add3A_888 = arith.addf %mul3A_886, %mul3A_887 : vector<16xf32>
        %swap3A_889 = arith.index_cast %add3A_839 : i32 to index
        %swap3A_890 = arith.constant 48 : index
        %swap3A_891 = tpu.vector_load %arg7[%swap3A_889, %swap3A_890] {strides = array<i32>} : memref<256x128xf32, #tpu.memory_space<vmem>>, vector<1x16xf32>,
        %swap3A_892 = vector.shape_cast %swap3A_891 : vector<1x16xf32> to vector<16xf32>
        %swap3A_893 = vector.shape_cast %add3A_888 : vector<16xf32> to vector<1x16xf32>
        tpu.vector_store %arg7[%swap3A_889, %swap3A_890], %swap3A_893 {strides = array<i32>} : memref<256x128xf32, #tpu.memory_space<vmem>>, vector<1x16xf32>,
        %mul3A_894 = arith.constant 16 : i32
        %mul3A_895 = arith.muli %scan3A_71, %mul3A_894 : i32
        %add3A_896 = arith.constant 14 : i32
        %add3A_897 = arith.addi %mul3A_895, %add3A_896 : i32
        %broadcast_in_dim3A_898 = arith.constant 14 : i32
        %broadcast_in_dim3A_899 = vector.broadcast %broadcast_in_dim3A_898 : i32 to vector<16x1xi32>
        %gather3A_900 = vector.shape_cast %broadcast_in_dim3A_899 : vector<16x1xi32> to vector<16xi32>
        %gather3A_901 = tpu.dynamic_gather %sub3A_83[%gather3A_900] in [0] : vector<16xf32>, vector<16xi32> -> vector<16xf32>
        %gather3A_902 = vector.shape_cast %broadcast_in_dim3A_899 : vector<16x1xi32> to vector<16xi32>
        %gather3A_903 = tpu.dynamic_gather %select_n3A[%gather3A_902] in [0] : vector<16xf32>, vector<16xi32> -> vector<16xf32>
        %get3A_904 = arith.index_cast %add3A_897 : i32 to index
        %get3A_905 = arith.constant 0 : index
        %get3A_906 = tpu.vector_load %arg7[%get3A_904, %get3A_905] {strides = array<i32>} : memref<256x128xf32, #tpu.memory_space<vmem>>, vector<1x16xf32>,
        %get3A_907 = vector.shape_cast %get3A_906 : vector<1x16xf32> to vector<16xf32>
        %mul3A_908 = arith.mulf %get3A_907, %gather3A_901 : vector<16xf32>
        %mul3A_909 = arith.mulf %get3A_4, %gather3A_903 : vector<16xf32>
        %add3A_910 = arith.addf %mul3A_908, %mul3A_909 : vector<16xf32>
        %swap3A_911 = arith.index_cast %add3A_897 : i32 to index
        %swap3A_912 = arith.constant 0 : index
        %swap3A_913 = tpu.vector_load %arg7[%swap3A_911, %swap3A_912] {strides = array<i32>} : memref<256x128xf32, #tpu.memory_space<vmem>>, vector<1x16xf32>,
        %swap3A_914 = vector.shape_cast %swap3A_913 : vector<1x16xf32> to vector<16xf32>
        %swap3A_915 = vector.shape_cast %add3A_910 : vector<16xf32> to vector<1x16xf32>
        tpu.vector_store %arg7[%swap3A_911, %swap3A_912], %swap3A_915 {strides = array<i32>} : memref<256x128xf32, #tpu.memory_space<vmem>>, vector<1x16xf32>,
        %get3A_916 = arith.index_cast %add3A_897 : i32 to index
        %get3A_917 = arith.constant 16 : index
        %get3A_918 = tpu.vector_load %arg7[%get3A_916, %get3A_917] {strides = array<i32>} : memref<256x128xf32, #tpu.memory_space<vmem>>, vector<1x16xf32>,
        %get3A_919 = vector.shape_cast %get3A_918 : vector<1x16xf32> to vector<16xf32>
        %mul3A_920 = arith.mulf %get3A_919, %gather3A_901 : vector<16xf32>
        %mul3A_921 = arith.mulf %get3A_7, %gather3A_903 : vector<16xf32>
        %add3A_922 = arith.addf %mul3A_920, %mul3A_921 : vector<16xf32>
        %swap3A_923 = arith.index_cast %add3A_897 : i32 to index
        %swap3A_924 = arith.constant 16 : index
        %swap3A_925 = tpu.vector_load %arg7[%swap3A_923, %swap3A_924] {strides = array<i32>} : memref<256x128xf32, #tpu.memory_space<vmem>>, vector<1x16xf32>,
        %swap3A_926 = vector.shape_cast %swap3A_925 : vector<1x16xf32> to vector<16xf32>
        %swap3A_927 = vector.shape_cast %add3A_922 : vector<16xf32> to vector<1x16xf32>
        tpu.vector_store %arg7[%swap3A_923, %swap3A_924], %swap3A_927 {strides = array<i32>} : memref<256x128xf32, #tpu.memory_space<vmem>>, vector<1x16xf32>,
        %get3A_928 = arith.index_cast %add3A_897 : i32 to index
        %get3A_929 = arith.constant 32 : index
        %get3A_930 = tpu.vector_load %arg7[%get3A_928, %get3A_929] {strides = array<i32>} : memref<256x128xf32, #tpu.memory_space<vmem>>, vector<1x16xf32>,
        %get3A_931 = vector.shape_cast %get3A_930 : vector<1x16xf32> to vector<16xf32>
        %mul3A_932 = arith.mulf %get3A_931, %gather3A_901 : vector<16xf32>
        %mul3A_933 = arith.mulf %get3A_10, %gather3A_903 : vector<16xf32>
        %add3A_934 = arith.addf %mul3A_932, %mul3A_933 : vector<16xf32>
        %swap3A_935 = arith.index_cast %add3A_897 : i32 to index
        %swap3A_936 = arith.constant 32 : index
        %swap3A_937 = tpu.vector_load %arg7[%swap3A_935, %swap3A_936] {strides = array<i32>} : memref<256x128xf32, #tpu.memory_space<vmem>>, vector<1x16xf32>,
        %swap3A_938 = vector.shape_cast %swap3A_937 : vector<1x16xf32> to vector<16xf32>
        %swap3A_939 = vector.shape_cast %add3A_934 : vector<16xf32> to vector<1x16xf32>
        tpu.vector_store %arg7[%swap3A_935, %swap3A_936], %swap3A_939 {strides = array<i32>} : memref<256x128xf32, #tpu.memory_space<vmem>>, vector<1x16xf32>,
        %get3A_940 = arith.index_cast %add3A_897 : i32 to index
        %get3A_941 = arith.constant 48 : index
        %get3A_942 = tpu.vector_load %arg7[%get3A_940, %get3A_941] {strides = array<i32>} : memref<256x128xf32, #tpu.memory_space<vmem>>, vector<1x16xf32>,
        %get3A_943 = vector.shape_cast %get3A_942 : vector<1x16xf32> to vector<16xf32>
        %mul3A_944 = arith.mulf %get3A_943, %gather3A_901 : vector<16xf32>
        %mul3A_945 = arith.mulf %get3A_13, %gather3A_903 : vector<16xf32>
        %add3A_946 = arith.addf %mul3A_944, %mul3A_945 : vector<16xf32>
        %swap3A_947 = arith.index_cast %add3A_897 : i32 to index
        %swap3A_948 = arith.constant 48 : index
        %swap3A_949 = tpu.vector_load %arg7[%swap3A_947, %swap3A_948] {strides = array<i32>} : memref<256x128xf32, #tpu.memory_space<vmem>>, vector<1x16xf32>,
        %swap3A_950 = vector.shape_cast %swap3A_949 : vector<1x16xf32> to vector<16xf32>
        %swap3A_951 = vector.shape_cast %add3A_946 : vector<16xf32> to vector<1x16xf32>
        tpu.vector_store %arg7[%swap3A_947, %swap3A_948], %swap3A_951 {strides = array<i32>} : memref<256x128xf32, #tpu.memory_space<vmem>>, vector<1x16xf32>,
        %mul3A_952 = arith.constant 16 : i32
        %mul3A_953 = arith.muli %scan3A_71, %mul3A_952 : i32
        %add3A_954 = arith.constant 15 : i32
        %add3A_955 = arith.addi %mul3A_953, %add3A_954 : i32
        %broadcast_in_dim3A_956 = arith.constant 15 : i32
        %broadcast_in_dim3A_957 = vector.broadcast %broadcast_in_dim3A_956 : i32 to vector<16x1xi32>
        %gather3A_958 = vector.shape_cast %broadcast_in_dim3A_957 : vector<16x1xi32> to vector<16xi32>
        %gather3A_959 = tpu.dynamic_gather %sub3A_83[%gather3A_958] in [0] : vector<16xf32>, vector<16xi32> -> vector<16xf32>
        %gather3A_960 = vector.shape_cast %broadcast_in_dim3A_957 : vector<16x1xi32> to vector<16xi32>
        %gather3A_961 = tpu.dynamic_gather %select_n3A[%gather3A_960] in [0] : vector<16xf32>, vector<16xi32> -> vector<16xf32>
        %get3A_962 = arith.index_cast %add3A_955 : i32 to index
        %get3A_963 = arith.constant 0 : index
        %get3A_964 = tpu.vector_load %arg7[%get3A_962, %get3A_963] {strides = array<i32>} : memref<256x128xf32, #tpu.memory_space<vmem>>, vector<1x16xf32>,
        %get3A_965 = vector.shape_cast %get3A_964 : vector<1x16xf32> to vector<16xf32>
        %mul3A_966 = arith.mulf %get3A_965, %gather3A_959 : vector<16xf32>
        %mul3A_967 = arith.mulf %get3A_4, %gather3A_961 : vector<16xf32>
        %add3A_968 = arith.addf %mul3A_966, %mul3A_967 : vector<16xf32>
        %swap3A_969 = arith.index_cast %add3A_955 : i32 to index
        %swap3A_970 = arith.constant 0 : index
        %swap3A_971 = tpu.vector_load %arg7[%swap3A_969, %swap3A_970] {strides = array<i32>} : memref<256x128xf32, #tpu.memory_space<vmem>>, vector<1x16xf32>,
        %swap3A_972 = vector.shape_cast %swap3A_971 : vector<1x16xf32> to vector<16xf32>
        %swap3A_973 = vector.shape_cast %add3A_968 : vector<16xf32> to vector<1x16xf32>
        tpu.vector_store %arg7[%swap3A_969, %swap3A_970], %swap3A_973 {strides = array<i32>} : memref<256x128xf32, #tpu.memory_space<vmem>>, vector<1x16xf32>,
        %get3A_974 = arith.index_cast %add3A_955 : i32 to index
        %get3A_975 = arith.constant 16 : index
        %get3A_976 = tpu.vector_load %arg7[%get3A_974, %get3A_975] {strides = array<i32>} : memref<256x128xf32, #tpu.memory_space<vmem>>, vector<1x16xf32>,
        %get3A_977 = vector.shape_cast %get3A_976 : vector<1x16xf32> to vector<16xf32>
        %mul3A_978 = arith.mulf %get3A_977, %gather3A_959 : vector<16xf32>
        %mul3A_979 = arith.mulf %get3A_7, %gather3A_961 : vector<16xf32>
        %add3A_980 = arith.addf %mul3A_978, %mul3A_979 : vector<16xf32>
        %swap3A_981 = arith.index_cast %add3A_955 : i32 to index
        %swap3A_982 = arith.constant 16 : index
        %swap3A_983 = tpu.vector_load %arg7[%swap3A_981, %swap3A_982] {strides = array<i32>} : memref<256x128xf32, #tpu.memory_space<vmem>>, vector<1x16xf32>,
        %swap3A_984 = vector.shape_cast %swap3A_983 : vector<1x16xf32> to vector<16xf32>
        %swap3A_985 = vector.shape_cast %add3A_980 : vector<16xf32> to vector<1x16xf32>
        tpu.vector_store %arg7[%swap3A_981, %swap3A_982], %swap3A_985 {strides = array<i32>} : memref<256x128xf32, #tpu.memory_space<vmem>>, vector<1x16xf32>,
        %get3A_986 = arith.index_cast %add3A_955 : i32 to index
        %get3A_987 = arith.constant 32 : index
        %get3A_988 = tpu.vector_load %arg7[%get3A_986, %get3A_987] {strides = array<i32>} : memref<256x128xf32, #tpu.memory_space<vmem>>, vector<1x16xf32>,
        %get3A_989 = vector.shape_cast %get3A_988 : vector<1x16xf32> to vector<16xf32>
        %mul3A_990 = arith.mulf %get3A_989, %gather3A_959 : vector<16xf32>
        %mul3A_991 = arith.mulf %get3A_10, %gather3A_961 : vector<16xf32>
        %add3A_992 = arith.addf %mul3A_990, %mul3A_991 : vector<16xf32>
        %swap3A_993 = arith.index_cast %add3A_955 : i32 to index
        %swap3A_994 = arith.constant 32 : index
        %swap3A_995 = tpu.vector_load %arg7[%swap3A_993, %swap3A_994] {strides = array<i32>} : memref<256x128xf32, #tpu.memory_space<vmem>>, vector<1x16xf32>,
        %swap3A_996 = vector.shape_cast %swap3A_995 : vector<1x16xf32> to vector<16xf32>
        %swap3A_997 = vector.shape_cast %add3A_992 : vector<16xf32> to vector<1x16xf32>
        tpu.vector_store %arg7[%swap3A_993, %swap3A_994], %swap3A_997 {strides = array<i32>} : memref<256x128xf32, #tpu.memory_space<vmem>>, vector<1x16xf32>,
        %get3A_998 = arith.index_cast %add3A_955 : i32 to index
        %get3A_999 = arith.constant 48 : index
        %get3A_1000 = tpu.vector_load %arg7[%get3A_998, %get3A_999] {strides = array<i32>} : memref<256x128xf32, #tpu.memory_space<vmem>>, vector<1x16xf32>,
        %get3A_1001 = vector.shape_cast %get3A_1000 : vector<1x16xf32> to vector<16xf32>
        %mul3A_1002 = arith.mulf %get3A_1001, %gather3A_959 : vector<16xf32>
        %mul3A_1003 = arith.mulf %get3A_13, %gather3A_961 : vector<16xf32>
        %add3A_1004 = arith.addf %mul3A_1002, %mul3A_1003 : vector<16xf32>
        %swap3A_1005 = arith.index_cast %add3A_955 : i32 to index
        %swap3A_1006 = arith.constant 48 : index
        %swap3A_1007 = tpu.vector_load %arg7[%swap3A_1005, %swap3A_1006] {strides = array<i32>} : memref<256x128xf32, #tpu.memory_space<vmem>>, vector<1x16xf32>,
        %swap3A_1008 = vector.shape_cast %swap3A_1007 : vector<1x16xf32> to vector<16xf32>
        %swap3A_1009 = vector.shape_cast %add3A_1004 : vector<16xf32> to vector<1x16xf32>
        tpu.vector_store %arg7[%swap3A_1005, %swap3A_1006], %swap3A_1009 {strides = array<i32>} : memref<256x128xf32, #tpu.memory_space<vmem>>, vector<1x16xf32>,
      }
      %scan3A_46 = arith.constant 16 : i32
      %add3A_47 = arith.addi %mul3A_2, %mul3A_40 : i32
      "tpu.region"() ({
        %run_scoped3A = tpu.sem_alloc : memref<!tpu.dma_semaphore, #tpu.memory_space<semaphore_mem>>
        %dma_start3A_71 = arith.constant 0 : i32
        %dma_start3A_72 = arith.constant 0 : i32
        %dma_start3A_73 = tpu.memref_slice %arg7[%dma_start3A_71, %dma_start3A_72] : memref<256x128xf32, #tpu.memory_space<vmem>> -> memref<256x64xf32, #tpu.memory_space<vmem>>
        %dma_start3A_74 = arith.constant 0 : i32
        %dma_start3A_75 = tpu.memref_slice %arg5[%add3A_47, %dma_start3A_74] : memref<819200x64xf32, #tpu.memory_space<hbm>> -> memref<256x64xf32, #tpu.memory_space<hbm>>
        %dma_start3A_76 = arith.constant 0 : i32
        %dma_start3A_77 = tpu.memref_slice %arg5[%add3A_47, %dma_start3A_76] : memref<819200x64xf32, #tpu.memory_space<hbm>> -> memref<256x64xf32, #tpu.memory_space<hbm>>
        %dma_start3A_78 = arith.constant 0 : i32
        %dma_start3A_79 = arith.constant 0 : i32
        %dma_start3A_80 = tpu.memref_slice %arg7[%dma_start3A_78, %dma_start3A_79] : memref<256x128xf32, #tpu.memory_space<vmem>> -> memref<256x64xf32, #tpu.memory_space<vmem>>
        tpu.enqueue_dma source(%dma_start3A_80 : memref<256x64xf32, #tpu.memory_space<vmem>>) target(%dma_start3A_77 : memref<256x64xf32, #tpu.memory_space<hbm>>) target_semaphore(%run_scoped3A : memref<!tpu.dma_semaphore, #tpu.memory_space<semaphore_mem>>)
        %dma_wait3A_81 = arith.constant 0 : i32
        %dma_wait3A_82 = arith.constant 0 : i32
        %dma_wait3A_83 = tpu.memref_slice %arg7[%dma_wait3A_81, %dma_wait3A_82] : memref<256x128xf32, #tpu.memory_space<vmem>> -> memref<256x64xf32, #tpu.memory_space<vmem>>
        %dma_wait3A_84 = arith.constant 0 : i32
        %dma_wait3A_85 = tpu.memref_slice %arg5[%add3A_47, %dma_wait3A_84] : memref<819200x64xf32, #tpu.memory_space<hbm>> -> memref<256x64xf32, #tpu.memory_space<hbm>>
        %dma_wait3A_86 = arith.constant 0 : i32
        %dma_wait3A_87 = tpu.memref_slice %arg5[%add3A_47, %dma_wait3A_86] : memref<819200x64xf32, #tpu.memory_space<hbm>> -> memref<256x64xf32, #tpu.memory_space<hbm>>
        %dma_wait3A_88 = arith.constant 0 : i32
        %dma_wait3A_89 = arith.constant 0 : i32
        %dma_wait3A_90 = tpu.memref_slice %arg7[%dma_wait3A_88, %dma_wait3A_89] : memref<256x128xf32, #tpu.memory_space<vmem>> -> memref<256x64xf32, #tpu.memory_space<vmem>>
        tpu.wait_dma2 semaphore(%run_scoped3A : memref<!tpu.dma_semaphore, #tpu.memory_space<semaphore_mem>>) src(%dma_wait3A_90 : memref<256x64xf32, #tpu.memory_space<vmem>>) dst(%dma_wait3A_87 : memref<256x64xf32, #tpu.memory_space<hbm>>)
        tpu.yield
      }) : () -> ()
      %add3A_48 = arith.constant 1 : i32
      %add3A_49 = arith.addi %scan3A_23, %add3A_48 : i32
      %lt3A = arith.constant 50 : i32
      %lt3A_50 = arith.cmpi slt, %add3A_49, %lt3A : i32
      %convert_element_type3A = arith.extui %lt3A_50 : i1 to i32
      %cond3A = arith.constant 0 : i32
      %cond3A_51 = arith.cmpi ne, %convert_element_type3A, %cond3A : i32
      scf.if %cond3A_51 {
        %add3A_71 = arith.constant 2 : i32
        %add3A_72 = arith.addi %mul3A_25, %add3A_71 : i32
        %mul3A_73 = arith.constant 256 : i32
        %mul3A_74 = arith.muli %add3A_72, %mul3A_73 : i32
        %dma_start3A_75 = tpu.memref_slice %arg6[%mul3A_74] : memref<25600xi32, #tpu.memory_space<vmem>> -> memref<256xi32, #tpu.memory_space<vmem>>
        %dma_start3A_76 = arith.constant 0 : i32
        %dma_start3A_77 = arith.constant 0 : i32
        %dma_start3A_78 = tpu.memref_slice %arg2[%dma_start3A_76, %dma_start3A_77] : memref<1000000x128xf32, #tpu.memory_space<hbm>> -> memref<1000000x128xf32, #tpu.memory_space<hbm>>
        tpu.enqueue_indirect_dma source(%dma_start3A_78 : memref<1000000x128xf32, #tpu.memory_space<hbm>>) target(%arg7 : memref<256x128xf32, #tpu.memory_space<vmem>>) offsets(%dma_start3A_75 : memref<256xi32, #tpu.memory_space<vmem>>) semaphore(%arg10 : memref<!tpu.dma_semaphore, #tpu.memory_space<semaphore_mem>>)
      } else {
      }
      %add3A_52 = arith.constant 1 : i32
      %add3A_53 = arith.addi %mul3A_25, %add3A_52 : i32
      %mul3A_54 = arith.constant 256 : i32
      %mul3A_55 = arith.muli %add3A_53, %mul3A_54 : i32
      %dma_wait3A_56 = tpu.memref_slice %arg6[%mul3A_55] : memref<25600xi32, #tpu.memory_space<vmem>> -> memref<256xi32, #tpu.memory_space<vmem>>
      %dma_wait3A_57 = arith.constant 0 : i32
      %dma_wait3A_58 = arith.constant 0 : i32
      %dma_wait3A_59 = tpu.memref_slice %arg2[%dma_wait3A_57, %dma_wait3A_58] : memref<1000000x128xf32, #tpu.memory_space<hbm>> -> memref<1000000x128xf32, #tpu.memory_space<hbm>>
      tpu.wait_indirect_dma semaphore(%arg11 : memref<!tpu.dma_semaphore, #tpu.memory_space<semaphore_mem>>) src(%dma_wait3A_59 : memref<1000000x128xf32, #tpu.memory_space<hbm>>) dst(%arg8 : memref<256x128xf32, #tpu.memory_space<vmem>>)
      %add3A_60 = arith.constant 1 : i32
      %add3A_61 = arith.addi %mul3A_25, %add3A_60 : i32
      %mul3A_62 = arith.constant 256 : i32
      %mul3A_63 = arith.muli %add3A_61, %mul3A_62 : i32
      %scan3A_64 = arith.constant 0 : i32
      %scan3A_65 = arith.constant 0 : i32
      %scan3A_66 = arith.constant 16 : i32
      %scan3A_67 = arith.addi %scan3A_65, %scan3A_66 : i32
      %scan3A_68 = arith.constant 1 : i32
      scf.for %scan3A_71 = %scan3A_65 to %scan3A_67 step %scan3A_68  : i32 {
        %mul3A_72 = arith.constant 16 : i32
        %mul3A_73 = arith.muli %scan3A_71, %mul3A_72 : i32
        %add3A_74 = arith.addi %mul3A_63, %mul3A_73 : i32
        %get3A_75 = arith.index_cast %add3A_74 : i32 to index
        %get3A_76 = tpu.vector_load %arg6[%get3A_75] {strides = array<i32>} : memref<25600xi32, #tpu.memory_space<vmem>>, vector<16xi32>,
        %get3A_77 = vector.shape_cast %get3A_76 : vector<16xi32> to vector<16xi32>
        %eq3A = arith.constant 256000 : i32
        %eq3A_78 = vector.broadcast %eq3A : i32 to vector<16xi32>
        %eq3A_79 = arith.cmpi eq, %get3A_77, %eq3A_78 : vector<16xi32>
        %jit3A = arith.constant 1.000000e+00 : f32
        %jit3A_80 = arith.constant 0.000000e+00 : f32
        %broadcast_in_dim3A = vector.broadcast %jit3A : f32 to vector<16xf32>
        %broadcast_in_dim3A_81 = vector.broadcast %jit3A_80 : f32 to vector<16xf32>
        %select_n3A = arith.select %eq3A_79, %broadcast_in_dim3A, %broadcast_in_dim3A_81 : vector<16xi1>, vector<16xf32>
        %sub3A = arith.constant 1.000000e+00 : f32
        %sub3A_82 = vector.broadcast %sub3A : f32 to vector<16xf32>
        %sub3A_83 = arith.subf %sub3A_82, %select_n3A : vector<16xf32>
        %mul3A_84 = arith.constant 16 : i32
        %mul3A_85 = arith.muli %scan3A_71, %mul3A_84 : i32
        %add3A_86 = arith.constant 0 : i32
        %add3A_87 = arith.addi %mul3A_85, %add3A_86 : i32
        %broadcast_in_dim3A_88 = arith.constant 0 : i32
        %broadcast_in_dim3A_89 = vector.broadcast %broadcast_in_dim3A_88 : i32 to vector<16x1xi32>
        %gather3A = vector.shape_cast %broadcast_in_dim3A_89 : vector<16x1xi32> to vector<16xi32>
        %gather3A_90 = tpu.dynamic_gather %sub3A_83[%gather3A] in [0] : vector<16xf32>, vector<16xi32> -> vector<16xf32>
        %gather3A_91 = vector.shape_cast %broadcast_in_dim3A_89 : vector<16x1xi32> to vector<16xi32>
        %gather3A_92 = tpu.dynamic_gather %select_n3A[%gather3A_91] in [0] : vector<16xf32>, vector<16xi32> -> vector<16xf32>
        %get3A_93 = arith.index_cast %add3A_87 : i32 to index
        %get3A_94 = arith.constant 0 : index
        %get3A_95 = tpu.vector_load %arg8[%get3A_93, %get3A_94] {strides = array<i32>} : memref<256x128xf32, #tpu.memory_space<vmem>>, vector<1x16xf32>,
        %get3A_96 = vector.shape_cast %get3A_95 : vector<1x16xf32> to vector<16xf32>
        %mul3A_97 = arith.mulf %get3A_96, %gather3A_90 : vector<16xf32>
        %mul3A_98 = arith.mulf %get3A_4, %gather3A_92 : vector<16xf32>
        %add3A_99 = arith.addf %mul3A_97, %mul3A_98 : vector<16xf32>
        %swap3A = arith.index_cast %add3A_87 : i32 to index
        %swap3A_100 = arith.constant 0 : index
        %swap3A_101 = tpu.vector_load %arg8[%swap3A, %swap3A_100] {strides = array<i32>} : memref<256x128xf32, #tpu.memory_space<vmem>>, vector<1x16xf32>,
        %swap3A_102 = vector.shape_cast %swap3A_101 : vector<1x16xf32> to vector<16xf32>
        %swap3A_103 = vector.shape_cast %add3A_99 : vector<16xf32> to vector<1x16xf32>
        tpu.vector_store %arg8[%swap3A, %swap3A_100], %swap3A_103 {strides = array<i32>} : memref<256x128xf32, #tpu.memory_space<vmem>>, vector<1x16xf32>,
        %get3A_104 = arith.index_cast %add3A_87 : i32 to index
        %get3A_105 = arith.constant 16 : index
        %get3A_106 = tpu.vector_load %arg8[%get3A_104, %get3A_105] {strides = array<i32>} : memref<256x128xf32, #tpu.memory_space<vmem>>, vector<1x16xf32>,
        %get3A_107 = vector.shape_cast %get3A_106 : vector<1x16xf32> to vector<16xf32>
        %mul3A_108 = arith.mulf %get3A_107, %gather3A_90 : vector<16xf32>
        %mul3A_109 = arith.mulf %get3A_7, %gather3A_92 : vector<16xf32>
        %add3A_110 = arith.addf %mul3A_108, %mul3A_109 : vector<16xf32>
        %swap3A_111 = arith.index_cast %add3A_87 : i32 to index
        %swap3A_112 = arith.constant 16 : index
        %swap3A_113 = tpu.vector_load %arg8[%swap3A_111, %swap3A_112] {strides = array<i32>} : memref<256x128xf32, #tpu.memory_space<vmem>>, vector<1x16xf32>,
        %swap3A_114 = vector.shape_cast %swap3A_113 : vector<1x16xf32> to vector<16xf32>
        %swap3A_115 = vector.shape_cast %add3A_110 : vector<16xf32> to vector<1x16xf32>
        tpu.vector_store %arg8[%swap3A_111, %swap3A_112], %swap3A_115 {strides = array<i32>} : memref<256x128xf32, #tpu.memory_space<vmem>>, vector<1x16xf32>,
        %get3A_116 = arith.index_cast %add3A_87 : i32 to index
        %get3A_117 = arith.constant 32 : index
        %get3A_118 = tpu.vector_load %arg8[%get3A_116, %get3A_117] {strides = array<i32>} : memref<256x128xf32, #tpu.memory_space<vmem>>, vector<1x16xf32>,
        %get3A_119 = vector.shape_cast %get3A_118 : vector<1x16xf32> to vector<16xf32>
        %mul3A_120 = arith.mulf %get3A_119, %gather3A_90 : vector<16xf32>
        %mul3A_121 = arith.mulf %get3A_10, %gather3A_92 : vector<16xf32>
        %add3A_122 = arith.addf %mul3A_120, %mul3A_121 : vector<16xf32>
        %swap3A_123 = arith.index_cast %add3A_87 : i32 to index
        %swap3A_124 = arith.constant 32 : index
        %swap3A_125 = tpu.vector_load %arg8[%swap3A_123, %swap3A_124] {strides = array<i32>} : memref<256x128xf32, #tpu.memory_space<vmem>>, vector<1x16xf32>,
        %swap3A_126 = vector.shape_cast %swap3A_125 : vector<1x16xf32> to vector<16xf32>
        %swap3A_127 = vector.shape_cast %add3A_122 : vector<16xf32> to vector<1x16xf32>
        tpu.vector_store %arg8[%swap3A_123, %swap3A_124], %swap3A_127 {strides = array<i32>} : memref<256x128xf32, #tpu.memory_space<vmem>>, vector<1x16xf32>,
        %get3A_128 = arith.index_cast %add3A_87 : i32 to index
        %get3A_129 = arith.constant 48 : index
        %get3A_130 = tpu.vector_load %arg8[%get3A_128, %get3A_129] {strides = array<i32>} : memref<256x128xf32, #tpu.memory_space<vmem>>, vector<1x16xf32>,
        %get3A_131 = vector.shape_cast %get3A_130 : vector<1x16xf32> to vector<16xf32>
        %mul3A_132 = arith.mulf %get3A_131, %gather3A_90 : vector<16xf32>
        %mul3A_133 = arith.mulf %get3A_13, %gather3A_92 : vector<16xf32>
        %add3A_134 = arith.addf %mul3A_132, %mul3A_133 : vector<16xf32>
        %swap3A_135 = arith.index_cast %add3A_87 : i32 to index
        %swap3A_136 = arith.constant 48 : index
        %swap3A_137 = tpu.vector_load %arg8[%swap3A_135, %swap3A_136] {strides = array<i32>} : memref<256x128xf32, #tpu.memory_space<vmem>>, vector<1x16xf32>,
        %swap3A_138 = vector.shape_cast %swap3A_137 : vector<1x16xf32> to vector<16xf32>
        %swap3A_139 = vector.shape_cast %add3A_134 : vector<16xf32> to vector<1x16xf32>
        tpu.vector_store %arg8[%swap3A_135, %swap3A_136], %swap3A_139 {strides = array<i32>} : memref<256x128xf32, #tpu.memory_space<vmem>>, vector<1x16xf32>,
        %mul3A_140 = arith.constant 16 : i32
        %mul3A_141 = arith.muli %scan3A_71, %mul3A_140 : i32
        %add3A_142 = arith.constant 1 : i32
        %add3A_143 = arith.addi %mul3A_141, %add3A_142 : i32
        %broadcast_in_dim3A_144 = arith.constant 1 : i32
        %broadcast_in_dim3A_145 = vector.broadcast %broadcast_in_dim3A_144 : i32 to vector<16x1xi32>
        %gather3A_146 = vector.shape_cast %broadcast_in_dim3A_145 : vector<16x1xi32> to vector<16xi32>
        %gather3A_147 = tpu.dynamic_gather %sub3A_83[%gather3A_146] in [0] : vector<16xf32>, vector<16xi32> -> vector<16xf32>
        %gather3A_148 = vector.shape_cast %broadcast_in_dim3A_145 : vector<16x1xi32> to vector<16xi32>
        %gather3A_149 = tpu.dynamic_gather %select_n3A[%gather3A_148] in [0] : vector<16xf32>, vector<16xi32> -> vector<16xf32>
        %get3A_150 = arith.index_cast %add3A_143 : i32 to index
        %get3A_151 = arith.constant 0 : index
        %get3A_152 = tpu.vector_load %arg8[%get3A_150, %get3A_151] {strides = array<i32>} : memref<256x128xf32, #tpu.memory_space<vmem>>, vector<1x16xf32>,
        %get3A_153 = vector.shape_cast %get3A_152 : vector<1x16xf32> to vector<16xf32>
        %mul3A_154 = arith.mulf %get3A_153, %gather3A_147 : vector<16xf32>
        %mul3A_155 = arith.mulf %get3A_4, %gather3A_149 : vector<16xf32>
        %add3A_156 = arith.addf %mul3A_154, %mul3A_155 : vector<16xf32>
        %swap3A_157 = arith.index_cast %add3A_143 : i32 to index
        %swap3A_158 = arith.constant 0 : index
        %swap3A_159 = tpu.vector_load %arg8[%swap3A_157, %swap3A_158] {strides = array<i32>} : memref<256x128xf32, #tpu.memory_space<vmem>>, vector<1x16xf32>,
        %swap3A_160 = vector.shape_cast %swap3A_159 : vector<1x16xf32> to vector<16xf32>
        %swap3A_161 = vector.shape_cast %add3A_156 : vector<16xf32> to vector<1x16xf32>
        tpu.vector_store %arg8[%swap3A_157, %swap3A_158], %swap3A_161 {strides = array<i32>} : memref<256x128xf32, #tpu.memory_space<vmem>>, vector<1x16xf32>,
        %get3A_162 = arith.index_cast %add3A_143 : i32 to index
        %get3A_163 = arith.constant 16 : index
        %get3A_164 = tpu.vector_load %arg8[%get3A_162, %get3A_163] {strides = array<i32>} : memref<256x128xf32, #tpu.memory_space<vmem>>, vector<1x16xf32>,
        %get3A_165 = vector.shape_cast %get3A_164 : vector<1x16xf32> to vector<16xf32>
        %mul3A_166 = arith.mulf %get3A_165, %gather3A_147 : vector<16xf32>
        %mul3A_167 = arith.mulf %get3A_7, %gather3A_149 : vector<16xf32>
        %add3A_168 = arith.addf %mul3A_166, %mul3A_167 : vector<16xf32>
        %swap3A_169 = arith.index_cast %add3A_143 : i32 to index
        %swap3A_170 = arith.constant 16 : index
        %swap3A_171 = tpu.vector_load %arg8[%swap3A_169, %swap3A_170] {strides = array<i32>} : memref<256x128xf32, #tpu.memory_space<vmem>>, vector<1x16xf32>,
        %swap3A_172 = vector.shape_cast %swap3A_171 : vector<1x16xf32> to vector<16xf32>
        %swap3A_173 = vector.shape_cast %add3A_168 : vector<16xf32> to vector<1x16xf32>
        tpu.vector_store %arg8[%swap3A_169, %swap3A_170], %swap3A_173 {strides = array<i32>} : memref<256x128xf32, #tpu.memory_space<vmem>>, vector<1x16xf32>,
        %get3A_174 = arith.index_cast %add3A_143 : i32 to index
        %get3A_175 = arith.constant 32 : index
        %get3A_176 = tpu.vector_load %arg8[%get3A_174, %get3A_175] {strides = array<i32>} : memref<256x128xf32, #tpu.memory_space<vmem>>, vector<1x16xf32>,
        %get3A_177 = vector.shape_cast %get3A_176 : vector<1x16xf32> to vector<16xf32>
        %mul3A_178 = arith.mulf %get3A_177, %gather3A_147 : vector<16xf32>
        %mul3A_179 = arith.mulf %get3A_10, %gather3A_149 : vector<16xf32>
        %add3A_180 = arith.addf %mul3A_178, %mul3A_179 : vector<16xf32>
        %swap3A_181 = arith.index_cast %add3A_143 : i32 to index
        %swap3A_182 = arith.constant 32 : index
        %swap3A_183 = tpu.vector_load %arg8[%swap3A_181, %swap3A_182] {strides = array<i32>} : memref<256x128xf32, #tpu.memory_space<vmem>>, vector<1x16xf32>,
        %swap3A_184 = vector.shape_cast %swap3A_183 : vector<1x16xf32> to vector<16xf32>
        %swap3A_185 = vector.shape_cast %add3A_180 : vector<16xf32> to vector<1x16xf32>
        tpu.vector_store %arg8[%swap3A_181, %swap3A_182], %swap3A_185 {strides = array<i32>} : memref<256x128xf32, #tpu.memory_space<vmem>>, vector<1x16xf32>,
        %get3A_186 = arith.index_cast %add3A_143 : i32 to index
        %get3A_187 = arith.constant 48 : index
        %get3A_188 = tpu.vector_load %arg8[%get3A_186, %get3A_187] {strides = array<i32>} : memref<256x128xf32, #tpu.memory_space<vmem>>, vector<1x16xf32>,
        %get3A_189 = vector.shape_cast %get3A_188 : vector<1x16xf32> to vector<16xf32>
        %mul3A_190 = arith.mulf %get3A_189, %gather3A_147 : vector<16xf32>
        %mul3A_191 = arith.mulf %get3A_13, %gather3A_149 : vector<16xf32>
        %add3A_192 = arith.addf %mul3A_190, %mul3A_191 : vector<16xf32>
        %swap3A_193 = arith.index_cast %add3A_143 : i32 to index
        %swap3A_194 = arith.constant 48 : index
        %swap3A_195 = tpu.vector_load %arg8[%swap3A_193, %swap3A_194] {strides = array<i32>} : memref<256x128xf32, #tpu.memory_space<vmem>>, vector<1x16xf32>,
        %swap3A_196 = vector.shape_cast %swap3A_195 : vector<1x16xf32> to vector<16xf32>
        %swap3A_197 = vector.shape_cast %add3A_192 : vector<16xf32> to vector<1x16xf32>
        tpu.vector_store %arg8[%swap3A_193, %swap3A_194], %swap3A_197 {strides = array<i32>} : memref<256x128xf32, #tpu.memory_space<vmem>>, vector<1x16xf32>,
        %mul3A_198 = arith.constant 16 : i32
        %mul3A_199 = arith.muli %scan3A_71, %mul3A_198 : i32
        %add3A_200 = arith.constant 2 : i32
        %add3A_201 = arith.addi %mul3A_199, %add3A_200 : i32
        %broadcast_in_dim3A_202 = arith.constant 2 : i32
        %broadcast_in_dim3A_203 = vector.broadcast %broadcast_in_dim3A_202 : i32 to vector<16x1xi32>
        %gather3A_204 = vector.shape_cast %broadcast_in_dim3A_203 : vector<16x1xi32> to vector<16xi32>
        %gather3A_205 = tpu.dynamic_gather %sub3A_83[%gather3A_204] in [0] : vector<16xf32>, vector<16xi32> -> vector<16xf32>
        %gather3A_206 = vector.shape_cast %broadcast_in_dim3A_203 : vector<16x1xi32> to vector<16xi32>
        %gather3A_207 = tpu.dynamic_gather %select_n3A[%gather3A_206] in [0] : vector<16xf32>, vector<16xi32> -> vector<16xf32>
        %get3A_208 = arith.index_cast %add3A_201 : i32 to index
        %get3A_209 = arith.constant 0 : index
        %get3A_210 = tpu.vector_load %arg8[%get3A_208, %get3A_209] {strides = array<i32>} : memref<256x128xf32, #tpu.memory_space<vmem>>, vector<1x16xf32>,
        %get3A_211 = vector.shape_cast %get3A_210 : vector<1x16xf32> to vector<16xf32>
        %mul3A_212 = arith.mulf %get3A_211, %gather3A_205 : vector<16xf32>
        %mul3A_213 = arith.mulf %get3A_4, %gather3A_207 : vector<16xf32>
        %add3A_214 = arith.addf %mul3A_212, %mul3A_213 : vector<16xf32>
        %swap3A_215 = arith.index_cast %add3A_201 : i32 to index
        %swap3A_216 = arith.constant 0 : index
        %swap3A_217 = tpu.vector_load %arg8[%swap3A_215, %swap3A_216] {strides = array<i32>} : memref<256x128xf32, #tpu.memory_space<vmem>>, vector<1x16xf32>,
        %swap3A_218 = vector.shape_cast %swap3A_217 : vector<1x16xf32> to vector<16xf32>
        %swap3A_219 = vector.shape_cast %add3A_214 : vector<16xf32> to vector<1x16xf32>
        tpu.vector_store %arg8[%swap3A_215, %swap3A_216], %swap3A_219 {strides = array<i32>} : memref<256x128xf32, #tpu.memory_space<vmem>>, vector<1x16xf32>,
        %get3A_220 = arith.index_cast %add3A_201 : i32 to index
        %get3A_221 = arith.constant 16 : index
        %get3A_222 = tpu.vector_load %arg8[%get3A_220, %get3A_221] {strides = array<i32>} : memref<256x128xf32, #tpu.memory_space<vmem>>, vector<1x16xf32>,
        %get3A_223 = vector.shape_cast %get3A_222 : vector<1x16xf32> to vector<16xf32>
        %mul3A_224 = arith.mulf %get3A_223, %gather3A_205 : vector<16xf32>
        %mul3A_225 = arith.mulf %get3A_7, %gather3A_207 : vector<16xf32>
        %add3A_226 = arith.addf %mul3A_224, %mul3A_225 : vector<16xf32>
        %swap3A_227 = arith.index_cast %add3A_201 : i32 to index
        %swap3A_228 = arith.constant 16 : index
        %swap3A_229 = tpu.vector_load %arg8[%swap3A_227, %swap3A_228] {strides = array<i32>} : memref<256x128xf32, #tpu.memory_space<vmem>>, vector<1x16xf32>,
        %swap3A_230 = vector.shape_cast %swap3A_229 : vector<1x16xf32> to vector<16xf32>
        %swap3A_231 = vector.shape_cast %add3A_226 : vector<16xf32> to vector<1x16xf32>
        tpu.vector_store %arg8[%swap3A_227, %swap3A_228], %swap3A_231 {strides = array<i32>} : memref<256x128xf32, #tpu.memory_space<vmem>>, vector<1x16xf32>,
        %get3A_232 = arith.index_cast %add3A_201 : i32 to index
        %get3A_233 = arith.constant 32 : index
        %get3A_234 = tpu.vector_load %arg8[%get3A_232, %get3A_233] {strides = array<i32>} : memref<256x128xf32, #tpu.memory_space<vmem>>, vector<1x16xf32>,
        %get3A_235 = vector.shape_cast %get3A_234 : vector<1x16xf32> to vector<16xf32>
        %mul3A_236 = arith.mulf %get3A_235, %gather3A_205 : vector<16xf32>
        %mul3A_237 = arith.mulf %get3A_10, %gather3A_207 : vector<16xf32>
        %add3A_238 = arith.addf %mul3A_236, %mul3A_237 : vector<16xf32>
        %swap3A_239 = arith.index_cast %add3A_201 : i32 to index
        %swap3A_240 = arith.constant 32 : index
        %swap3A_241 = tpu.vector_load %arg8[%swap3A_239, %swap3A_240] {strides = array<i32>} : memref<256x128xf32, #tpu.memory_space<vmem>>, vector<1x16xf32>,
        %swap3A_242 = vector.shape_cast %swap3A_241 : vector<1x16xf32> to vector<16xf32>
        %swap3A_243 = vector.shape_cast %add3A_238 : vector<16xf32> to vector<1x16xf32>
        tpu.vector_store %arg8[%swap3A_239, %swap3A_240], %swap3A_243 {strides = array<i32>} : memref<256x128xf32, #tpu.memory_space<vmem>>, vector<1x16xf32>,
        %get3A_244 = arith.index_cast %add3A_201 : i32 to index
        %get3A_245 = arith.constant 48 : index
        %get3A_246 = tpu.vector_load %arg8[%get3A_244, %get3A_245] {strides = array<i32>} : memref<256x128xf32, #tpu.memory_space<vmem>>, vector<1x16xf32>,
        %get3A_247 = vector.shape_cast %get3A_246 : vector<1x16xf32> to vector<16xf32>
        %mul3A_248 = arith.mulf %get3A_247, %gather3A_205 : vector<16xf32>
        %mul3A_249 = arith.mulf %get3A_13, %gather3A_207 : vector<16xf32>
        %add3A_250 = arith.addf %mul3A_248, %mul3A_249 : vector<16xf32>
        %swap3A_251 = arith.index_cast %add3A_201 : i32 to index
        %swap3A_252 = arith.constant 48 : index
        %swap3A_253 = tpu.vector_load %arg8[%swap3A_251, %swap3A_252] {strides = array<i32>} : memref<256x128xf32, #tpu.memory_space<vmem>>, vector<1x16xf32>,
        %swap3A_254 = vector.shape_cast %swap3A_253 : vector<1x16xf32> to vector<16xf32>
        %swap3A_255 = vector.shape_cast %add3A_250 : vector<16xf32> to vector<1x16xf32>
        tpu.vector_store %arg8[%swap3A_251, %swap3A_252], %swap3A_255 {strides = array<i32>} : memref<256x128xf32, #tpu.memory_space<vmem>>, vector<1x16xf32>,
        %mul3A_256 = arith.constant 16 : i32
        %mul3A_257 = arith.muli %scan3A_71, %mul3A_256 : i32
        %add3A_258 = arith.constant 3 : i32
        %add3A_259 = arith.addi %mul3A_257, %add3A_258 : i32
        %broadcast_in_dim3A_260 = arith.constant 3 : i32
        %broadcast_in_dim3A_261 = vector.broadcast %broadcast_in_dim3A_260 : i32 to vector<16x1xi32>
        %gather3A_262 = vector.shape_cast %broadcast_in_dim3A_261 : vector<16x1xi32> to vector<16xi32>
        %gather3A_263 = tpu.dynamic_gather %sub3A_83[%gather3A_262] in [0] : vector<16xf32>, vector<16xi32> -> vector<16xf32>
        %gather3A_264 = vector.shape_cast %broadcast_in_dim3A_261 : vector<16x1xi32> to vector<16xi32>
        %gather3A_265 = tpu.dynamic_gather %select_n3A[%gather3A_264] in [0] : vector<16xf32>, vector<16xi32> -> vector<16xf32>
        %get3A_266 = arith.index_cast %add3A_259 : i32 to index
        %get3A_267 = arith.constant 0 : index
        %get3A_268 = tpu.vector_load %arg8[%get3A_266, %get3A_267] {strides = array<i32>} : memref<256x128xf32, #tpu.memory_space<vmem>>, vector<1x16xf32>,
        %get3A_269 = vector.shape_cast %get3A_268 : vector<1x16xf32> to vector<16xf32>
        %mul3A_270 = arith.mulf %get3A_269, %gather3A_263 : vector<16xf32>
        %mul3A_271 = arith.mulf %get3A_4, %gather3A_265 : vector<16xf32>
        %add3A_272 = arith.addf %mul3A_270, %mul3A_271 : vector<16xf32>
        %swap3A_273 = arith.index_cast %add3A_259 : i32 to index
        %swap3A_274 = arith.constant 0 : index
        %swap3A_275 = tpu.vector_load %arg8[%swap3A_273, %swap3A_274] {strides = array<i32>} : memref<256x128xf32, #tpu.memory_space<vmem>>, vector<1x16xf32>,
        %swap3A_276 = vector.shape_cast %swap3A_275 : vector<1x16xf32> to vector<16xf32>
        %swap3A_277 = vector.shape_cast %add3A_272 : vector<16xf32> to vector<1x16xf32>
        tpu.vector_store %arg8[%swap3A_273, %swap3A_274], %swap3A_277 {strides = array<i32>} : memref<256x128xf32, #tpu.memory_space<vmem>>, vector<1x16xf32>,
        %get3A_278 = arith.index_cast %add3A_259 : i32 to index
        %get3A_279 = arith.constant 16 : index
        %get3A_280 = tpu.vector_load %arg8[%get3A_278, %get3A_279] {strides = array<i32>} : memref<256x128xf32, #tpu.memory_space<vmem>>, vector<1x16xf32>,
        %get3A_281 = vector.shape_cast %get3A_280 : vector<1x16xf32> to vector<16xf32>
        %mul3A_282 = arith.mulf %get3A_281, %gather3A_263 : vector<16xf32>
        %mul3A_283 = arith.mulf %get3A_7, %gather3A_265 : vector<16xf32>
        %add3A_284 = arith.addf %mul3A_282, %mul3A_283 : vector<16xf32>
        %swap3A_285 = arith.index_cast %add3A_259 : i32 to index
        %swap3A_286 = arith.constant 16 : index
        %swap3A_287 = tpu.vector_load %arg8[%swap3A_285, %swap3A_286] {strides = array<i32>} : memref<256x128xf32, #tpu.memory_space<vmem>>, vector<1x16xf32>,
        %swap3A_288 = vector.shape_cast %swap3A_287 : vector<1x16xf32> to vector<16xf32>
        %swap3A_289 = vector.shape_cast %add3A_284 : vector<16xf32> to vector<1x16xf32>
        tpu.vector_store %arg8[%swap3A_285, %swap3A_286], %swap3A_289 {strides = array<i32>} : memref<256x128xf32, #tpu.memory_space<vmem>>, vector<1x16xf32>,
        %get3A_290 = arith.index_cast %add3A_259 : i32 to index
        %get3A_291 = arith.constant 32 : index
        %get3A_292 = tpu.vector_load %arg8[%get3A_290, %get3A_291] {strides = array<i32>} : memref<256x128xf32, #tpu.memory_space<vmem>>, vector<1x16xf32>,
        %get3A_293 = vector.shape_cast %get3A_292 : vector<1x16xf32> to vector<16xf32>
        %mul3A_294 = arith.mulf %get3A_293, %gather3A_263 : vector<16xf32>
        %mul3A_295 = arith.mulf %get3A_10, %gather3A_265 : vector<16xf32>
        %add3A_296 = arith.addf %mul3A_294, %mul3A_295 : vector<16xf32>
        %swap3A_297 = arith.index_cast %add3A_259 : i32 to index
        %swap3A_298 = arith.constant 32 : index
        %swap3A_299 = tpu.vector_load %arg8[%swap3A_297, %swap3A_298] {strides = array<i32>} : memref<256x128xf32, #tpu.memory_space<vmem>>, vector<1x16xf32>,
        %swap3A_300 = vector.shape_cast %swap3A_299 : vector<1x16xf32> to vector<16xf32>
        %swap3A_301 = vector.shape_cast %add3A_296 : vector<16xf32> to vector<1x16xf32>
        tpu.vector_store %arg8[%swap3A_297, %swap3A_298], %swap3A_301 {strides = array<i32>} : memref<256x128xf32, #tpu.memory_space<vmem>>, vector<1x16xf32>,
        %get3A_302 = arith.index_cast %add3A_259 : i32 to index
        %get3A_303 = arith.constant 48 : index
        %get3A_304 = tpu.vector_load %arg8[%get3A_302, %get3A_303] {strides = array<i32>} : memref<256x128xf32, #tpu.memory_space<vmem>>, vector<1x16xf32>,
        %get3A_305 = vector.shape_cast %get3A_304 : vector<1x16xf32> to vector<16xf32>
        %mul3A_306 = arith.mulf %get3A_305, %gather3A_263 : vector<16xf32>
        %mul3A_307 = arith.mulf %get3A_13, %gather3A_265 : vector<16xf32>
        %add3A_308 = arith.addf %mul3A_306, %mul3A_307 : vector<16xf32>
        %swap3A_309 = arith.index_cast %add3A_259 : i32 to index
        %swap3A_310 = arith.constant 48 : index
        %swap3A_311 = tpu.vector_load %arg8[%swap3A_309, %swap3A_310] {strides = array<i32>} : memref<256x128xf32, #tpu.memory_space<vmem>>, vector<1x16xf32>,
        %swap3A_312 = vector.shape_cast %swap3A_311 : vector<1x16xf32> to vector<16xf32>
        %swap3A_313 = vector.shape_cast %add3A_308 : vector<16xf32> to vector<1x16xf32>
        tpu.vector_store %arg8[%swap3A_309, %swap3A_310], %swap3A_313 {strides = array<i32>} : memref<256x128xf32, #tpu.memory_space<vmem>>, vector<1x16xf32>,
        %mul3A_314 = arith.constant 16 : i32
        %mul3A_315 = arith.muli %scan3A_71, %mul3A_314 : i32
        %add3A_316 = arith.constant 4 : i32
        %add3A_317 = arith.addi %mul3A_315, %add3A_316 : i32
        %broadcast_in_dim3A_318 = arith.constant 4 : i32
        %broadcast_in_dim3A_319 = vector.broadcast %broadcast_in_dim3A_318 : i32 to vector<16x1xi32>
        %gather3A_320 = vector.shape_cast %broadcast_in_dim3A_319 : vector<16x1xi32> to vector<16xi32>
        %gather3A_321 = tpu.dynamic_gather %sub3A_83[%gather3A_320] in [0] : vector<16xf32>, vector<16xi32> -> vector<16xf32>
        %gather3A_322 = vector.shape_cast %broadcast_in_dim3A_319 : vector<16x1xi32> to vector<16xi32>
        %gather3A_323 = tpu.dynamic_gather %select_n3A[%gather3A_322] in [0] : vector<16xf32>, vector<16xi32> -> vector<16xf32>
        %get3A_324 = arith.index_cast %add3A_317 : i32 to index
        %get3A_325 = arith.constant 0 : index
        %get3A_326 = tpu.vector_load %arg8[%get3A_324, %get3A_325] {strides = array<i32>} : memref<256x128xf32, #tpu.memory_space<vmem>>, vector<1x16xf32>,
        %get3A_327 = vector.shape_cast %get3A_326 : vector<1x16xf32> to vector<16xf32>
        %mul3A_328 = arith.mulf %get3A_327, %gather3A_321 : vector<16xf32>
        %mul3A_329 = arith.mulf %get3A_4, %gather3A_323 : vector<16xf32>
        %add3A_330 = arith.addf %mul3A_328, %mul3A_329 : vector<16xf32>
        %swap3A_331 = arith.index_cast %add3A_317 : i32 to index
        %swap3A_332 = arith.constant 0 : index
        %swap3A_333 = tpu.vector_load %arg8[%swap3A_331, %swap3A_332] {strides = array<i32>} : memref<256x128xf32, #tpu.memory_space<vmem>>, vector<1x16xf32>,
        %swap3A_334 = vector.shape_cast %swap3A_333 : vector<1x16xf32> to vector<16xf32>
        %swap3A_335 = vector.shape_cast %add3A_330 : vector<16xf32> to vector<1x16xf32>
        tpu.vector_store %arg8[%swap3A_331, %swap3A_332], %swap3A_335 {strides = array<i32>} : memref<256x128xf32, #tpu.memory_space<vmem>>, vector<1x16xf32>,
        %get3A_336 = arith.index_cast %add3A_317 : i32 to index
        %get3A_337 = arith.constant 16 : index
        %get3A_338 = tpu.vector_load %arg8[%get3A_336, %get3A_337] {strides = array<i32>} : memref<256x128xf32, #tpu.memory_space<vmem>>, vector<1x16xf32>,
        %get3A_339 = vector.shape_cast %get3A_338 : vector<1x16xf32> to vector<16xf32>
        %mul3A_340 = arith.mulf %get3A_339, %gather3A_321 : vector<16xf32>
        %mul3A_341 = arith.mulf %get3A_7, %gather3A_323 : vector<16xf32>
        %add3A_342 = arith.addf %mul3A_340, %mul3A_341 : vector<16xf32>
        %swap3A_343 = arith.index_cast %add3A_317 : i32 to index
        %swap3A_344 = arith.constant 16 : index
        %swap3A_345 = tpu.vector_load %arg8[%swap3A_343, %swap3A_344] {strides = array<i32>} : memref<256x128xf32, #tpu.memory_space<vmem>>, vector<1x16xf32>,
        %swap3A_346 = vector.shape_cast %swap3A_345 : vector<1x16xf32> to vector<16xf32>
        %swap3A_347 = vector.shape_cast %add3A_342 : vector<16xf32> to vector<1x16xf32>
        tpu.vector_store %arg8[%swap3A_343, %swap3A_344], %swap3A_347 {strides = array<i32>} : memref<256x128xf32, #tpu.memory_space<vmem>>, vector<1x16xf32>,
        %get3A_348 = arith.index_cast %add3A_317 : i32 to index
        %get3A_349 = arith.constant 32 : index
        %get3A_350 = tpu.vector_load %arg8[%get3A_348, %get3A_349] {strides = array<i32>} : memref<256x128xf32, #tpu.memory_space<vmem>>, vector<1x16xf32>,
        %get3A_351 = vector.shape_cast %get3A_350 : vector<1x16xf32> to vector<16xf32>
        %mul3A_352 = arith.mulf %get3A_351, %gather3A_321 : vector<16xf32>
        %mul3A_353 = arith.mulf %get3A_10, %gather3A_323 : vector<16xf32>
        %add3A_354 = arith.addf %mul3A_352, %mul3A_353 : vector<16xf32>
        %swap3A_355 = arith.index_cast %add3A_317 : i32 to index
        %swap3A_356 = arith.constant 32 : index
        %swap3A_357 = tpu.vector_load %arg8[%swap3A_355, %swap3A_356] {strides = array<i32>} : memref<256x128xf32, #tpu.memory_space<vmem>>, vector<1x16xf32>,
        %swap3A_358 = vector.shape_cast %swap3A_357 : vector<1x16xf32> to vector<16xf32>
        %swap3A_359 = vector.shape_cast %add3A_354 : vector<16xf32> to vector<1x16xf32>
        tpu.vector_store %arg8[%swap3A_355, %swap3A_356], %swap3A_359 {strides = array<i32>} : memref<256x128xf32, #tpu.memory_space<vmem>>, vector<1x16xf32>,
        %get3A_360 = arith.index_cast %add3A_317 : i32 to index
        %get3A_361 = arith.constant 48 : index
        %get3A_362 = tpu.vector_load %arg8[%get3A_360, %get3A_361] {strides = array<i32>} : memref<256x128xf32, #tpu.memory_space<vmem>>, vector<1x16xf32>,
        %get3A_363 = vector.shape_cast %get3A_362 : vector<1x16xf32> to vector<16xf32>
        %mul3A_364 = arith.mulf %get3A_363, %gather3A_321 : vector<16xf32>
        %mul3A_365 = arith.mulf %get3A_13, %gather3A_323 : vector<16xf32>
        %add3A_366 = arith.addf %mul3A_364, %mul3A_365 : vector<16xf32>
        %swap3A_367 = arith.index_cast %add3A_317 : i32 to index
        %swap3A_368 = arith.constant 48 : index
        %swap3A_369 = tpu.vector_load %arg8[%swap3A_367, %swap3A_368] {strides = array<i32>} : memref<256x128xf32, #tpu.memory_space<vmem>>, vector<1x16xf32>,
        %swap3A_370 = vector.shape_cast %swap3A_369 : vector<1x16xf32> to vector<16xf32>
        %swap3A_371 = vector.shape_cast %add3A_366 : vector<16xf32> to vector<1x16xf32>
        tpu.vector_store %arg8[%swap3A_367, %swap3A_368], %swap3A_371 {strides = array<i32>} : memref<256x128xf32, #tpu.memory_space<vmem>>, vector<1x16xf32>,
        %mul3A_372 = arith.constant 16 : i32
        %mul3A_373 = arith.muli %scan3A_71, %mul3A_372 : i32
        %add3A_374 = arith.constant 5 : i32
        %add3A_375 = arith.addi %mul3A_373, %add3A_374 : i32
        %broadcast_in_dim3A_376 = arith.constant 5 : i32
        %broadcast_in_dim3A_377 = vector.broadcast %broadcast_in_dim3A_376 : i32 to vector<16x1xi32>
        %gather3A_378 = vector.shape_cast %broadcast_in_dim3A_377 : vector<16x1xi32> to vector<16xi32>
        %gather3A_379 = tpu.dynamic_gather %sub3A_83[%gather3A_378] in [0] : vector<16xf32>, vector<16xi32> -> vector<16xf32>
        %gather3A_380 = vector.shape_cast %broadcast_in_dim3A_377 : vector<16x1xi32> to vector<16xi32>
        %gather3A_381 = tpu.dynamic_gather %select_n3A[%gather3A_380] in [0] : vector<16xf32>, vector<16xi32> -> vector<16xf32>
        %get3A_382 = arith.index_cast %add3A_375 : i32 to index
        %get3A_383 = arith.constant 0 : index
        %get3A_384 = tpu.vector_load %arg8[%get3A_382, %get3A_383] {strides = array<i32>} : memref<256x128xf32, #tpu.memory_space<vmem>>, vector<1x16xf32>,
        %get3A_385 = vector.shape_cast %get3A_384 : vector<1x16xf32> to vector<16xf32>
        %mul3A_386 = arith.mulf %get3A_385, %gather3A_379 : vector<16xf32>
        %mul3A_387 = arith.mulf %get3A_4, %gather3A_381 : vector<16xf32>
        %add3A_388 = arith.addf %mul3A_386, %mul3A_387 : vector<16xf32>
        %swap3A_389 = arith.index_cast %add3A_375 : i32 to index
        %swap3A_390 = arith.constant 0 : index
        %swap3A_391 = tpu.vector_load %arg8[%swap3A_389, %swap3A_390] {strides = array<i32>} : memref<256x128xf32, #tpu.memory_space<vmem>>, vector<1x16xf32>,
        %swap3A_392 = vector.shape_cast %swap3A_391 : vector<1x16xf32> to vector<16xf32>
        %swap3A_393 = vector.shape_cast %add3A_388 : vector<16xf32> to vector<1x16xf32>
        tpu.vector_store %arg8[%swap3A_389, %swap3A_390], %swap3A_393 {strides = array<i32>} : memref<256x128xf32, #tpu.memory_space<vmem>>, vector<1x16xf32>,
        %get3A_394 = arith.index_cast %add3A_375 : i32 to index
        %get3A_395 = arith.constant 16 : index
        %get3A_396 = tpu.vector_load %arg8[%get3A_394, %get3A_395] {strides = array<i32>} : memref<256x128xf32, #tpu.memory_space<vmem>>, vector<1x16xf32>,
        %get3A_397 = vector.shape_cast %get3A_396 : vector<1x16xf32> to vector<16xf32>
        %mul3A_398 = arith.mulf %get3A_397, %gather3A_379 : vector<16xf32>
        %mul3A_399 = arith.mulf %get3A_7, %gather3A_381 : vector<16xf32>
        %add3A_400 = arith.addf %mul3A_398, %mul3A_399 : vector<16xf32>
        %swap3A_401 = arith.index_cast %add3A_375 : i32 to index
        %swap3A_402 = arith.constant 16 : index
        %swap3A_403 = tpu.vector_load %arg8[%swap3A_401, %swap3A_402] {strides = array<i32>} : memref<256x128xf32, #tpu.memory_space<vmem>>, vector<1x16xf32>,
        %swap3A_404 = vector.shape_cast %swap3A_403 : vector<1x16xf32> to vector<16xf32>
        %swap3A_405 = vector.shape_cast %add3A_400 : vector<16xf32> to vector<1x16xf32>
        tpu.vector_store %arg8[%swap3A_401, %swap3A_402], %swap3A_405 {strides = array<i32>} : memref<256x128xf32, #tpu.memory_space<vmem>>, vector<1x16xf32>,
        %get3A_406 = arith.index_cast %add3A_375 : i32 to index
        %get3A_407 = arith.constant 32 : index
        %get3A_408 = tpu.vector_load %arg8[%get3A_406, %get3A_407] {strides = array<i32>} : memref<256x128xf32, #tpu.memory_space<vmem>>, vector<1x16xf32>,
        %get3A_409 = vector.shape_cast %get3A_408 : vector<1x16xf32> to vector<16xf32>
        %mul3A_410 = arith.mulf %get3A_409, %gather3A_379 : vector<16xf32>
        %mul3A_411 = arith.mulf %get3A_10, %gather3A_381 : vector<16xf32>
        %add3A_412 = arith.addf %mul3A_410, %mul3A_411 : vector<16xf32>
        %swap3A_413 = arith.index_cast %add3A_375 : i32 to index
        %swap3A_414 = arith.constant 32 : index
        %swap3A_415 = tpu.vector_load %arg8[%swap3A_413, %swap3A_414] {strides = array<i32>} : memref<256x128xf32, #tpu.memory_space<vmem>>, vector<1x16xf32>,
        %swap3A_416 = vector.shape_cast %swap3A_415 : vector<1x16xf32> to vector<16xf32>
        %swap3A_417 = vector.shape_cast %add3A_412 : vector<16xf32> to vector<1x16xf32>
        tpu.vector_store %arg8[%swap3A_413, %swap3A_414], %swap3A_417 {strides = array<i32>} : memref<256x128xf32, #tpu.memory_space<vmem>>, vector<1x16xf32>,
        %get3A_418 = arith.index_cast %add3A_375 : i32 to index
        %get3A_419 = arith.constant 48 : index
        %get3A_420 = tpu.vector_load %arg8[%get3A_418, %get3A_419] {strides = array<i32>} : memref<256x128xf32, #tpu.memory_space<vmem>>, vector<1x16xf32>,
        %get3A_421 = vector.shape_cast %get3A_420 : vector<1x16xf32> to vector<16xf32>
        %mul3A_422 = arith.mulf %get3A_421, %gather3A_379 : vector<16xf32>
        %mul3A_423 = arith.mulf %get3A_13, %gather3A_381 : vector<16xf32>
        %add3A_424 = arith.addf %mul3A_422, %mul3A_423 : vector<16xf32>
        %swap3A_425 = arith.index_cast %add3A_375 : i32 to index
        %swap3A_426 = arith.constant 48 : index
        %swap3A_427 = tpu.vector_load %arg8[%swap3A_425, %swap3A_426] {strides = array<i32>} : memref<256x128xf32, #tpu.memory_space<vmem>>, vector<1x16xf32>,
        %swap3A_428 = vector.shape_cast %swap3A_427 : vector<1x16xf32> to vector<16xf32>
        %swap3A_429 = vector.shape_cast %add3A_424 : vector<16xf32> to vector<1x16xf32>
        tpu.vector_store %arg8[%swap3A_425, %swap3A_426], %swap3A_429 {strides = array<i32>} : memref<256x128xf32, #tpu.memory_space<vmem>>, vector<1x16xf32>,
        %mul3A_430 = arith.constant 16 : i32
        %mul3A_431 = arith.muli %scan3A_71, %mul3A_430 : i32
        %add3A_432 = arith.constant 6 : i32
        %add3A_433 = arith.addi %mul3A_431, %add3A_432 : i32
        %broadcast_in_dim3A_434 = arith.constant 6 : i32
        %broadcast_in_dim3A_435 = vector.broadcast %broadcast_in_dim3A_434 : i32 to vector<16x1xi32>
        %gather3A_436 = vector.shape_cast %broadcast_in_dim3A_435 : vector<16x1xi32> to vector<16xi32>
        %gather3A_437 = tpu.dynamic_gather %sub3A_83[%gather3A_436] in [0] : vector<16xf32>, vector<16xi32> -> vector<16xf32>
        %gather3A_438 = vector.shape_cast %broadcast_in_dim3A_435 : vector<16x1xi32> to vector<16xi32>
        %gather3A_439 = tpu.dynamic_gather %select_n3A[%gather3A_438] in [0] : vector<16xf32>, vector<16xi32> -> vector<16xf32>
        %get3A_440 = arith.index_cast %add3A_433 : i32 to index
        %get3A_441 = arith.constant 0 : index
        %get3A_442 = tpu.vector_load %arg8[%get3A_440, %get3A_441] {strides = array<i32>} : memref<256x128xf32, #tpu.memory_space<vmem>>, vector<1x16xf32>,
        %get3A_443 = vector.shape_cast %get3A_442 : vector<1x16xf32> to vector<16xf32>
        %mul3A_444 = arith.mulf %get3A_443, %gather3A_437 : vector<16xf32>
        %mul3A_445 = arith.mulf %get3A_4, %gather3A_439 : vector<16xf32>
        %add3A_446 = arith.addf %mul3A_444, %mul3A_445 : vector<16xf32>
        %swap3A_447 = arith.index_cast %add3A_433 : i32 to index
        %swap3A_448 = arith.constant 0 : index
        %swap3A_449 = tpu.vector_load %arg8[%swap3A_447, %swap3A_448] {strides = array<i32>} : memref<256x128xf32, #tpu.memory_space<vmem>>, vector<1x16xf32>,
        %swap3A_450 = vector.shape_cast %swap3A_449 : vector<1x16xf32> to vector<16xf32>
        %swap3A_451 = vector.shape_cast %add3A_446 : vector<16xf32> to vector<1x16xf32>
        tpu.vector_store %arg8[%swap3A_447, %swap3A_448], %swap3A_451 {strides = array<i32>} : memref<256x128xf32, #tpu.memory_space<vmem>>, vector<1x16xf32>,
        %get3A_452 = arith.index_cast %add3A_433 : i32 to index
        %get3A_453 = arith.constant 16 : index
        %get3A_454 = tpu.vector_load %arg8[%get3A_452, %get3A_453] {strides = array<i32>} : memref<256x128xf32, #tpu.memory_space<vmem>>, vector<1x16xf32>,
        %get3A_455 = vector.shape_cast %get3A_454 : vector<1x16xf32> to vector<16xf32>
        %mul3A_456 = arith.mulf %get3A_455, %gather3A_437 : vector<16xf32>
        %mul3A_457 = arith.mulf %get3A_7, %gather3A_439 : vector<16xf32>
        %add3A_458 = arith.addf %mul3A_456, %mul3A_457 : vector<16xf32>
        %swap3A_459 = arith.index_cast %add3A_433 : i32 to index
        %swap3A_460 = arith.constant 16 : index
        %swap3A_461 = tpu.vector_load %arg8[%swap3A_459, %swap3A_460] {strides = array<i32>} : memref<256x128xf32, #tpu.memory_space<vmem>>, vector<1x16xf32>,
        %swap3A_462 = vector.shape_cast %swap3A_461 : vector<1x16xf32> to vector<16xf32>
        %swap3A_463 = vector.shape_cast %add3A_458 : vector<16xf32> to vector<1x16xf32>
        tpu.vector_store %arg8[%swap3A_459, %swap3A_460], %swap3A_463 {strides = array<i32>} : memref<256x128xf32, #tpu.memory_space<vmem>>, vector<1x16xf32>,
        %get3A_464 = arith.index_cast %add3A_433 : i32 to index
        %get3A_465 = arith.constant 32 : index
        %get3A_466 = tpu.vector_load %arg8[%get3A_464, %get3A_465] {strides = array<i32>} : memref<256x128xf32, #tpu.memory_space<vmem>>, vector<1x16xf32>,
        %get3A_467 = vector.shape_cast %get3A_466 : vector<1x16xf32> to vector<16xf32>
        %mul3A_468 = arith.mulf %get3A_467, %gather3A_437 : vector<16xf32>
        %mul3A_469 = arith.mulf %get3A_10, %gather3A_439 : vector<16xf32>
        %add3A_470 = arith.addf %mul3A_468, %mul3A_469 : vector<16xf32>
        %swap3A_471 = arith.index_cast %add3A_433 : i32 to index
        %swap3A_472 = arith.constant 32 : index
        %swap3A_473 = tpu.vector_load %arg8[%swap3A_471, %swap3A_472] {strides = array<i32>} : memref<256x128xf32, #tpu.memory_space<vmem>>, vector<1x16xf32>,
        %swap3A_474 = vector.shape_cast %swap3A_473 : vector<1x16xf32> to vector<16xf32>
        %swap3A_475 = vector.shape_cast %add3A_470 : vector<16xf32> to vector<1x16xf32>
        tpu.vector_store %arg8[%swap3A_471, %swap3A_472], %swap3A_475 {strides = array<i32>} : memref<256x128xf32, #tpu.memory_space<vmem>>, vector<1x16xf32>,
        %get3A_476 = arith.index_cast %add3A_433 : i32 to index
        %get3A_477 = arith.constant 48 : index
        %get3A_478 = tpu.vector_load %arg8[%get3A_476, %get3A_477] {strides = array<i32>} : memref<256x128xf32, #tpu.memory_space<vmem>>, vector<1x16xf32>,
        %get3A_479 = vector.shape_cast %get3A_478 : vector<1x16xf32> to vector<16xf32>
        %mul3A_480 = arith.mulf %get3A_479, %gather3A_437 : vector<16xf32>
        %mul3A_481 = arith.mulf %get3A_13, %gather3A_439 : vector<16xf32>
        %add3A_482 = arith.addf %mul3A_480, %mul3A_481 : vector<16xf32>
        %swap3A_483 = arith.index_cast %add3A_433 : i32 to index
        %swap3A_484 = arith.constant 48 : index
        %swap3A_485 = tpu.vector_load %arg8[%swap3A_483, %swap3A_484] {strides = array<i32>} : memref<256x128xf32, #tpu.memory_space<vmem>>, vector<1x16xf32>,
        %swap3A_486 = vector.shape_cast %swap3A_485 : vector<1x16xf32> to vector<16xf32>
        %swap3A_487 = vector.shape_cast %add3A_482 : vector<16xf32> to vector<1x16xf32>
        tpu.vector_store %arg8[%swap3A_483, %swap3A_484], %swap3A_487 {strides = array<i32>} : memref<256x128xf32, #tpu.memory_space<vmem>>, vector<1x16xf32>,
        %mul3A_488 = arith.constant 16 : i32
        %mul3A_489 = arith.muli %scan3A_71, %mul3A_488 : i32
        %add3A_490 = arith.constant 7 : i32
        %add3A_491 = arith.addi %mul3A_489, %add3A_490 : i32
        %broadcast_in_dim3A_492 = arith.constant 7 : i32
        %broadcast_in_dim3A_493 = vector.broadcast %broadcast_in_dim3A_492 : i32 to vector<16x1xi32>
        %gather3A_494 = vector.shape_cast %broadcast_in_dim3A_493 : vector<16x1xi32> to vector<16xi32>
        %gather3A_495 = tpu.dynamic_gather %sub3A_83[%gather3A_494] in [0] : vector<16xf32>, vector<16xi32> -> vector<16xf32>
        %gather3A_496 = vector.shape_cast %broadcast_in_dim3A_493 : vector<16x1xi32> to vector<16xi32>
        %gather3A_497 = tpu.dynamic_gather %select_n3A[%gather3A_496] in [0] : vector<16xf32>, vector<16xi32> -> vector<16xf32>
        %get3A_498 = arith.index_cast %add3A_491 : i32 to index
        %get3A_499 = arith.constant 0 : index
        %get3A_500 = tpu.vector_load %arg8[%get3A_498, %get3A_499] {strides = array<i32>} : memref<256x128xf32, #tpu.memory_space<vmem>>, vector<1x16xf32>,
        %get3A_501 = vector.shape_cast %get3A_500 : vector<1x16xf32> to vector<16xf32>
        %mul3A_502 = arith.mulf %get3A_501, %gather3A_495 : vector<16xf32>
        %mul3A_503 = arith.mulf %get3A_4, %gather3A_497 : vector<16xf32>
        %add3A_504 = arith.addf %mul3A_502, %mul3A_503 : vector<16xf32>
        %swap3A_505 = arith.index_cast %add3A_491 : i32 to index
        %swap3A_506 = arith.constant 0 : index
        %swap3A_507 = tpu.vector_load %arg8[%swap3A_505, %swap3A_506] {strides = array<i32>} : memref<256x128xf32, #tpu.memory_space<vmem>>, vector<1x16xf32>,
        %swap3A_508 = vector.shape_cast %swap3A_507 : vector<1x16xf32> to vector<16xf32>
        %swap3A_509 = vector.shape_cast %add3A_504 : vector<16xf32> to vector<1x16xf32>
        tpu.vector_store %arg8[%swap3A_505, %swap3A_506], %swap3A_509 {strides = array<i32>} : memref<256x128xf32, #tpu.memory_space<vmem>>, vector<1x16xf32>,
        %get3A_510 = arith.index_cast %add3A_491 : i32 to index
        %get3A_511 = arith.constant 16 : index
        %get3A_512 = tpu.vector_load %arg8[%get3A_510, %get3A_511] {strides = array<i32>} : memref<256x128xf32, #tpu.memory_space<vmem>>, vector<1x16xf32>,
        %get3A_513 = vector.shape_cast %get3A_512 : vector<1x16xf32> to vector<16xf32>
        %mul3A_514 = arith.mulf %get3A_513, %gather3A_495 : vector<16xf32>
        %mul3A_515 = arith.mulf %get3A_7, %gather3A_497 : vector<16xf32>
        %add3A_516 = arith.addf %mul3A_514, %mul3A_515 : vector<16xf32>
        %swap3A_517 = arith.index_cast %add3A_491 : i32 to index
        %swap3A_518 = arith.constant 16 : index
        %swap3A_519 = tpu.vector_load %arg8[%swap3A_517, %swap3A_518] {strides = array<i32>} : memref<256x128xf32, #tpu.memory_space<vmem>>, vector<1x16xf32>,
        %swap3A_520 = vector.shape_cast %swap3A_519 : vector<1x16xf32> to vector<16xf32>
        %swap3A_521 = vector.shape_cast %add3A_516 : vector<16xf32> to vector<1x16xf32>
        tpu.vector_store %arg8[%swap3A_517, %swap3A_518], %swap3A_521 {strides = array<i32>} : memref<256x128xf32, #tpu.memory_space<vmem>>, vector<1x16xf32>,
        %get3A_522 = arith.index_cast %add3A_491 : i32 to index
        %get3A_523 = arith.constant 32 : index
        %get3A_524 = tpu.vector_load %arg8[%get3A_522, %get3A_523] {strides = array<i32>} : memref<256x128xf32, #tpu.memory_space<vmem>>, vector<1x16xf32>,
        %get3A_525 = vector.shape_cast %get3A_524 : vector<1x16xf32> to vector<16xf32>
        %mul3A_526 = arith.mulf %get3A_525, %gather3A_495 : vector<16xf32>
        %mul3A_527 = arith.mulf %get3A_10, %gather3A_497 : vector<16xf32>
        %add3A_528 = arith.addf %mul3A_526, %mul3A_527 : vector<16xf32>
        %swap3A_529 = arith.index_cast %add3A_491 : i32 to index
        %swap3A_530 = arith.constant 32 : index
        %swap3A_531 = tpu.vector_load %arg8[%swap3A_529, %swap3A_530] {strides = array<i32>} : memref<256x128xf32, #tpu.memory_space<vmem>>, vector<1x16xf32>,
        %swap3A_532 = vector.shape_cast %swap3A_531 : vector<1x16xf32> to vector<16xf32>
        %swap3A_533 = vector.shape_cast %add3A_528 : vector<16xf32> to vector<1x16xf32>
        tpu.vector_store %arg8[%swap3A_529, %swap3A_530], %swap3A_533 {strides = array<i32>} : memref<256x128xf32, #tpu.memory_space<vmem>>, vector<1x16xf32>,
        %get3A_534 = arith.index_cast %add3A_491 : i32 to index
        %get3A_535 = arith.constant 48 : index
        %get3A_536 = tpu.vector_load %arg8[%get3A_534, %get3A_535] {strides = array<i32>} : memref<256x128xf32, #tpu.memory_space<vmem>>, vector<1x16xf32>,
        %get3A_537 = vector.shape_cast %get3A_536 : vector<1x16xf32> to vector<16xf32>
        %mul3A_538 = arith.mulf %get3A_537, %gather3A_495 : vector<16xf32>
        %mul3A_539 = arith.mulf %get3A_13, %gather3A_497 : vector<16xf32>
        %add3A_540 = arith.addf %mul3A_538, %mul3A_539 : vector<16xf32>
        %swap3A_541 = arith.index_cast %add3A_491 : i32 to index
        %swap3A_542 = arith.constant 48 : index
        %swap3A_543 = tpu.vector_load %arg8[%swap3A_541, %swap3A_542] {strides = array<i32>} : memref<256x128xf32, #tpu.memory_space<vmem>>, vector<1x16xf32>,
        %swap3A_544 = vector.shape_cast %swap3A_543 : vector<1x16xf32> to vector<16xf32>
        %swap3A_545 = vector.shape_cast %add3A_540 : vector<16xf32> to vector<1x16xf32>
        tpu.vector_store %arg8[%swap3A_541, %swap3A_542], %swap3A_545 {strides = array<i32>} : memref<256x128xf32, #tpu.memory_space<vmem>>, vector<1x16xf32>,
        %mul3A_546 = arith.constant 16 : i32
        %mul3A_547 = arith.muli %scan3A_71, %mul3A_546 : i32
        %add3A_548 = arith.constant 8 : i32
        %add3A_549 = arith.addi %mul3A_547, %add3A_548 : i32
        %broadcast_in_dim3A_550 = arith.constant 8 : i32
        %broadcast_in_dim3A_551 = vector.broadcast %broadcast_in_dim3A_550 : i32 to vector<16x1xi32>
        %gather3A_552 = vector.shape_cast %broadcast_in_dim3A_551 : vector<16x1xi32> to vector<16xi32>
        %gather3A_553 = tpu.dynamic_gather %sub3A_83[%gather3A_552] in [0] : vector<16xf32>, vector<16xi32> -> vector<16xf32>
        %gather3A_554 = vector.shape_cast %broadcast_in_dim3A_551 : vector<16x1xi32> to vector<16xi32>
        %gather3A_555 = tpu.dynamic_gather %select_n3A[%gather3A_554] in [0] : vector<16xf32>, vector<16xi32> -> vector<16xf32>
        %get3A_556 = arith.index_cast %add3A_549 : i32 to index
        %get3A_557 = arith.constant 0 : index
        %get3A_558 = tpu.vector_load %arg8[%get3A_556, %get3A_557] {strides = array<i32>} : memref<256x128xf32, #tpu.memory_space<vmem>>, vector<1x16xf32>,
        %get3A_559 = vector.shape_cast %get3A_558 : vector<1x16xf32> to vector<16xf32>
        %mul3A_560 = arith.mulf %get3A_559, %gather3A_553 : vector<16xf32>
        %mul3A_561 = arith.mulf %get3A_4, %gather3A_555 : vector<16xf32>
        %add3A_562 = arith.addf %mul3A_560, %mul3A_561 : vector<16xf32>
        %swap3A_563 = arith.index_cast %add3A_549 : i32 to index
        %swap3A_564 = arith.constant 0 : index
        %swap3A_565 = tpu.vector_load %arg8[%swap3A_563, %swap3A_564] {strides = array<i32>} : memref<256x128xf32, #tpu.memory_space<vmem>>, vector<1x16xf32>,
        %swap3A_566 = vector.shape_cast %swap3A_565 : vector<1x16xf32> to vector<16xf32>
        %swap3A_567 = vector.shape_cast %add3A_562 : vector<16xf32> to vector<1x16xf32>
        tpu.vector_store %arg8[%swap3A_563, %swap3A_564], %swap3A_567 {strides = array<i32>} : memref<256x128xf32, #tpu.memory_space<vmem>>, vector<1x16xf32>,
        %get3A_568 = arith.index_cast %add3A_549 : i32 to index
        %get3A_569 = arith.constant 16 : index
        %get3A_570 = tpu.vector_load %arg8[%get3A_568, %get3A_569] {strides = array<i32>} : memref<256x128xf32, #tpu.memory_space<vmem>>, vector<1x16xf32>,
        %get3A_571 = vector.shape_cast %get3A_570 : vector<1x16xf32> to vector<16xf32>
        %mul3A_572 = arith.mulf %get3A_571, %gather3A_553 : vector<16xf32>
        %mul3A_573 = arith.mulf %get3A_7, %gather3A_555 : vector<16xf32>
        %add3A_574 = arith.addf %mul3A_572, %mul3A_573 : vector<16xf32>
        %swap3A_575 = arith.index_cast %add3A_549 : i32 to index
        %swap3A_576 = arith.constant 16 : index
        %swap3A_577 = tpu.vector_load %arg8[%swap3A_575, %swap3A_576] {strides = array<i32>} : memref<256x128xf32, #tpu.memory_space<vmem>>, vector<1x16xf32>,
        %swap3A_578 = vector.shape_cast %swap3A_577 : vector<1x16xf32> to vector<16xf32>
        %swap3A_579 = vector.shape_cast %add3A_574 : vector<16xf32> to vector<1x16xf32>
        tpu.vector_store %arg8[%swap3A_575, %swap3A_576], %swap3A_579 {strides = array<i32>} : memref<256x128xf32, #tpu.memory_space<vmem>>, vector<1x16xf32>,
        %get3A_580 = arith.index_cast %add3A_549 : i32 to index
        %get3A_581 = arith.constant 32 : index
        %get3A_582 = tpu.vector_load %arg8[%get3A_580, %get3A_581] {strides = array<i32>} : memref<256x128xf32, #tpu.memory_space<vmem>>, vector<1x16xf32>,
        %get3A_583 = vector.shape_cast %get3A_582 : vector<1x16xf32> to vector<16xf32>
        %mul3A_584 = arith.mulf %get3A_583, %gather3A_553 : vector<16xf32>
        %mul3A_585 = arith.mulf %get3A_10, %gather3A_555 : vector<16xf32>
        %add3A_586 = arith.addf %mul3A_584, %mul3A_585 : vector<16xf32>
        %swap3A_587 = arith.index_cast %add3A_549 : i32 to index
        %swap3A_588 = arith.constant 32 : index
        %swap3A_589 = tpu.vector_load %arg8[%swap3A_587, %swap3A_588] {strides = array<i32>} : memref<256x128xf32, #tpu.memory_space<vmem>>, vector<1x16xf32>,
        %swap3A_590 = vector.shape_cast %swap3A_589 : vector<1x16xf32> to vector<16xf32>
        %swap3A_591 = vector.shape_cast %add3A_586 : vector<16xf32> to vector<1x16xf32>
        tpu.vector_store %arg8[%swap3A_587, %swap3A_588], %swap3A_591 {strides = array<i32>} : memref<256x128xf32, #tpu.memory_space<vmem>>, vector<1x16xf32>,
        %get3A_592 = arith.index_cast %add3A_549 : i32 to index
        %get3A_593 = arith.constant 48 : index
        %get3A_594 = tpu.vector_load %arg8[%get3A_592, %get3A_593] {strides = array<i32>} : memref<256x128xf32, #tpu.memory_space<vmem>>, vector<1x16xf32>,
        %get3A_595 = vector.shape_cast %get3A_594 : vector<1x16xf32> to vector<16xf32>
        %mul3A_596 = arith.mulf %get3A_595, %gather3A_553 : vector<16xf32>
        %mul3A_597 = arith.mulf %get3A_13, %gather3A_555 : vector<16xf32>
        %add3A_598 = arith.addf %mul3A_596, %mul3A_597 : vector<16xf32>
        %swap3A_599 = arith.index_cast %add3A_549 : i32 to index
        %swap3A_600 = arith.constant 48 : index
        %swap3A_601 = tpu.vector_load %arg8[%swap3A_599, %swap3A_600] {strides = array<i32>} : memref<256x128xf32, #tpu.memory_space<vmem>>, vector<1x16xf32>,
        %swap3A_602 = vector.shape_cast %swap3A_601 : vector<1x16xf32> to vector<16xf32>
        %swap3A_603 = vector.shape_cast %add3A_598 : vector<16xf32> to vector<1x16xf32>
        tpu.vector_store %arg8[%swap3A_599, %swap3A_600], %swap3A_603 {strides = array<i32>} : memref<256x128xf32, #tpu.memory_space<vmem>>, vector<1x16xf32>,
        %mul3A_604 = arith.constant 16 : i32
        %mul3A_605 = arith.muli %scan3A_71, %mul3A_604 : i32
        %add3A_606 = arith.constant 9 : i32
        %add3A_607 = arith.addi %mul3A_605, %add3A_606 : i32
        %broadcast_in_dim3A_608 = arith.constant 9 : i32
        %broadcast_in_dim3A_609 = vector.broadcast %broadcast_in_dim3A_608 : i32 to vector<16x1xi32>
        %gather3A_610 = vector.shape_cast %broadcast_in_dim3A_609 : vector<16x1xi32> to vector<16xi32>
        %gather3A_611 = tpu.dynamic_gather %sub3A_83[%gather3A_610] in [0] : vector<16xf32>, vector<16xi32> -> vector<16xf32>
        %gather3A_612 = vector.shape_cast %broadcast_in_dim3A_609 : vector<16x1xi32> to vector<16xi32>
        %gather3A_613 = tpu.dynamic_gather %select_n3A[%gather3A_612] in [0] : vector<16xf32>, vector<16xi32> -> vector<16xf32>
        %get3A_614 = arith.index_cast %add3A_607 : i32 to index
        %get3A_615 = arith.constant 0 : index
        %get3A_616 = tpu.vector_load %arg8[%get3A_614, %get3A_615] {strides = array<i32>} : memref<256x128xf32, #tpu.memory_space<vmem>>, vector<1x16xf32>,
        %get3A_617 = vector.shape_cast %get3A_616 : vector<1x16xf32> to vector<16xf32>
        %mul3A_618 = arith.mulf %get3A_617, %gather3A_611 : vector<16xf32>
        %mul3A_619 = arith.mulf %get3A_4, %gather3A_613 : vector<16xf32>
        %add3A_620 = arith.addf %mul3A_618, %mul3A_619 : vector<16xf32>
        %swap3A_621 = arith.index_cast %add3A_607 : i32 to index
        %swap3A_622 = arith.constant 0 : index
        %swap3A_623 = tpu.vector_load %arg8[%swap3A_621, %swap3A_622] {strides = array<i32>} : memref<256x128xf32, #tpu.memory_space<vmem>>, vector<1x16xf32>,
        %swap3A_624 = vector.shape_cast %swap3A_623 : vector<1x16xf32> to vector<16xf32>
        %swap3A_625 = vector.shape_cast %add3A_620 : vector<16xf32> to vector<1x16xf32>
        tpu.vector_store %arg8[%swap3A_621, %swap3A_622], %swap3A_625 {strides = array<i32>} : memref<256x128xf32, #tpu.memory_space<vmem>>, vector<1x16xf32>,
        %get3A_626 = arith.index_cast %add3A_607 : i32 to index
        %get3A_627 = arith.constant 16 : index
        %get3A_628 = tpu.vector_load %arg8[%get3A_626, %get3A_627] {strides = array<i32>} : memref<256x128xf32, #tpu.memory_space<vmem>>, vector<1x16xf32>,
        %get3A_629 = vector.shape_cast %get3A_628 : vector<1x16xf32> to vector<16xf32>
        %mul3A_630 = arith.mulf %get3A_629, %gather3A_611 : vector<16xf32>
        %mul3A_631 = arith.mulf %get3A_7, %gather3A_613 : vector<16xf32>
        %add3A_632 = arith.addf %mul3A_630, %mul3A_631 : vector<16xf32>
        %swap3A_633 = arith.index_cast %add3A_607 : i32 to index
        %swap3A_634 = arith.constant 16 : index
        %swap3A_635 = tpu.vector_load %arg8[%swap3A_633, %swap3A_634] {strides = array<i32>} : memref<256x128xf32, #tpu.memory_space<vmem>>, vector<1x16xf32>,
        %swap3A_636 = vector.shape_cast %swap3A_635 : vector<1x16xf32> to vector<16xf32>
        %swap3A_637 = vector.shape_cast %add3A_632 : vector<16xf32> to vector<1x16xf32>
        tpu.vector_store %arg8[%swap3A_633, %swap3A_634], %swap3A_637 {strides = array<i32>} : memref<256x128xf32, #tpu.memory_space<vmem>>, vector<1x16xf32>,
        %get3A_638 = arith.index_cast %add3A_607 : i32 to index
        %get3A_639 = arith.constant 32 : index
        %get3A_640 = tpu.vector_load %arg8[%get3A_638, %get3A_639] {strides = array<i32>} : memref<256x128xf32, #tpu.memory_space<vmem>>, vector<1x16xf32>,
        %get3A_641 = vector.shape_cast %get3A_640 : vector<1x16xf32> to vector<16xf32>
        %mul3A_642 = arith.mulf %get3A_641, %gather3A_611 : vector<16xf32>
        %mul3A_643 = arith.mulf %get3A_10, %gather3A_613 : vector<16xf32>
        %add3A_644 = arith.addf %mul3A_642, %mul3A_643 : vector<16xf32>
        %swap3A_645 = arith.index_cast %add3A_607 : i32 to index
        %swap3A_646 = arith.constant 32 : index
        %swap3A_647 = tpu.vector_load %arg8[%swap3A_645, %swap3A_646] {strides = array<i32>} : memref<256x128xf32, #tpu.memory_space<vmem>>, vector<1x16xf32>,
        %swap3A_648 = vector.shape_cast %swap3A_647 : vector<1x16xf32> to vector<16xf32>
        %swap3A_649 = vector.shape_cast %add3A_644 : vector<16xf32> to vector<1x16xf32>
        tpu.vector_store %arg8[%swap3A_645, %swap3A_646], %swap3A_649 {strides = array<i32>} : memref<256x128xf32, #tpu.memory_space<vmem>>, vector<1x16xf32>,
        %get3A_650 = arith.index_cast %add3A_607 : i32 to index
        %get3A_651 = arith.constant 48 : index
        %get3A_652 = tpu.vector_load %arg8[%get3A_650, %get3A_651] {strides = array<i32>} : memref<256x128xf32, #tpu.memory_space<vmem>>, vector<1x16xf32>,
        %get3A_653 = vector.shape_cast %get3A_652 : vector<1x16xf32> to vector<16xf32>
        %mul3A_654 = arith.mulf %get3A_653, %gather3A_611 : vector<16xf32>
        %mul3A_655 = arith.mulf %get3A_13, %gather3A_613 : vector<16xf32>
        %add3A_656 = arith.addf %mul3A_654, %mul3A_655 : vector<16xf32>
        %swap3A_657 = arith.index_cast %add3A_607 : i32 to index
        %swap3A_658 = arith.constant 48 : index
        %swap3A_659 = tpu.vector_load %arg8[%swap3A_657, %swap3A_658] {strides = array<i32>} : memref<256x128xf32, #tpu.memory_space<vmem>>, vector<1x16xf32>,
        %swap3A_660 = vector.shape_cast %swap3A_659 : vector<1x16xf32> to vector<16xf32>
        %swap3A_661 = vector.shape_cast %add3A_656 : vector<16xf32> to vector<1x16xf32>
        tpu.vector_store %arg8[%swap3A_657, %swap3A_658], %swap3A_661 {strides = array<i32>} : memref<256x128xf32, #tpu.memory_space<vmem>>, vector<1x16xf32>,
        %mul3A_662 = arith.constant 16 : i32
        %mul3A_663 = arith.muli %scan3A_71, %mul3A_662 : i32
        %add3A_664 = arith.constant 10 : i32
        %add3A_665 = arith.addi %mul3A_663, %add3A_664 : i32
        %broadcast_in_dim3A_666 = arith.constant 10 : i32
        %broadcast_in_dim3A_667 = vector.broadcast %broadcast_in_dim3A_666 : i32 to vector<16x1xi32>
        %gather3A_668 = vector.shape_cast %broadcast_in_dim3A_667 : vector<16x1xi32> to vector<16xi32>
        %gather3A_669 = tpu.dynamic_gather %sub3A_83[%gather3A_668] in [0] : vector<16xf32>, vector<16xi32> -> vector<16xf32>
        %gather3A_670 = vector.shape_cast %broadcast_in_dim3A_667 : vector<16x1xi32> to vector<16xi32>
        %gather3A_671 = tpu.dynamic_gather %select_n3A[%gather3A_670] in [0] : vector<16xf32>, vector<16xi32> -> vector<16xf32>
        %get3A_672 = arith.index_cast %add3A_665 : i32 to index
        %get3A_673 = arith.constant 0 : index
        %get3A_674 = tpu.vector_load %arg8[%get3A_672, %get3A_673] {strides = array<i32>} : memref<256x128xf32, #tpu.memory_space<vmem>>, vector<1x16xf32>,
        %get3A_675 = vector.shape_cast %get3A_674 : vector<1x16xf32> to vector<16xf32>
        %mul3A_676 = arith.mulf %get3A_675, %gather3A_669 : vector<16xf32>
        %mul3A_677 = arith.mulf %get3A_4, %gather3A_671 : vector<16xf32>
        %add3A_678 = arith.addf %mul3A_676, %mul3A_677 : vector<16xf32>
        %swap3A_679 = arith.index_cast %add3A_665 : i32 to index
        %swap3A_680 = arith.constant 0 : index
        %swap3A_681 = tpu.vector_load %arg8[%swap3A_679, %swap3A_680] {strides = array<i32>} : memref<256x128xf32, #tpu.memory_space<vmem>>, vector<1x16xf32>,
        %swap3A_682 = vector.shape_cast %swap3A_681 : vector<1x16xf32> to vector<16xf32>
        %swap3A_683 = vector.shape_cast %add3A_678 : vector<16xf32> to vector<1x16xf32>
        tpu.vector_store %arg8[%swap3A_679, %swap3A_680], %swap3A_683 {strides = array<i32>} : memref<256x128xf32, #tpu.memory_space<vmem>>, vector<1x16xf32>,
        %get3A_684 = arith.index_cast %add3A_665 : i32 to index
        %get3A_685 = arith.constant 16 : index
        %get3A_686 = tpu.vector_load %arg8[%get3A_684, %get3A_685] {strides = array<i32>} : memref<256x128xf32, #tpu.memory_space<vmem>>, vector<1x16xf32>,
        %get3A_687 = vector.shape_cast %get3A_686 : vector<1x16xf32> to vector<16xf32>
        %mul3A_688 = arith.mulf %get3A_687, %gather3A_669 : vector<16xf32>
        %mul3A_689 = arith.mulf %get3A_7, %gather3A_671 : vector<16xf32>
        %add3A_690 = arith.addf %mul3A_688, %mul3A_689 : vector<16xf32>
        %swap3A_691 = arith.index_cast %add3A_665 : i32 to index
        %swap3A_692 = arith.constant 16 : index
        %swap3A_693 = tpu.vector_load %arg8[%swap3A_691, %swap3A_692] {strides = array<i32>} : memref<256x128xf32, #tpu.memory_space<vmem>>, vector<1x16xf32>,
        %swap3A_694 = vector.shape_cast %swap3A_693 : vector<1x16xf32> to vector<16xf32>
        %swap3A_695 = vector.shape_cast %add3A_690 : vector<16xf32> to vector<1x16xf32>
        tpu.vector_store %arg8[%swap3A_691, %swap3A_692], %swap3A_695 {strides = array<i32>} : memref<256x128xf32, #tpu.memory_space<vmem>>, vector<1x16xf32>,
        %get3A_696 = arith.index_cast %add3A_665 : i32 to index
        %get3A_697 = arith.constant 32 : index
        %get3A_698 = tpu.vector_load %arg8[%get3A_696, %get3A_697] {strides = array<i32>} : memref<256x128xf32, #tpu.memory_space<vmem>>, vector<1x16xf32>,
        %get3A_699 = vector.shape_cast %get3A_698 : vector<1x16xf32> to vector<16xf32>
        %mul3A_700 = arith.mulf %get3A_699, %gather3A_669 : vector<16xf32>
        %mul3A_701 = arith.mulf %get3A_10, %gather3A_671 : vector<16xf32>
        %add3A_702 = arith.addf %mul3A_700, %mul3A_701 : vector<16xf32>
        %swap3A_703 = arith.index_cast %add3A_665 : i32 to index
        %swap3A_704 = arith.constant 32 : index
        %swap3A_705 = tpu.vector_load %arg8[%swap3A_703, %swap3A_704] {strides = array<i32>} : memref<256x128xf32, #tpu.memory_space<vmem>>, vector<1x16xf32>,
        %swap3A_706 = vector.shape_cast %swap3A_705 : vector<1x16xf32> to vector<16xf32>
        %swap3A_707 = vector.shape_cast %add3A_702 : vector<16xf32> to vector<1x16xf32>
        tpu.vector_store %arg8[%swap3A_703, %swap3A_704], %swap3A_707 {strides = array<i32>} : memref<256x128xf32, #tpu.memory_space<vmem>>, vector<1x16xf32>,
        %get3A_708 = arith.index_cast %add3A_665 : i32 to index
        %get3A_709 = arith.constant 48 : index
        %get3A_710 = tpu.vector_load %arg8[%get3A_708, %get3A_709] {strides = array<i32>} : memref<256x128xf32, #tpu.memory_space<vmem>>, vector<1x16xf32>,
        %get3A_711 = vector.shape_cast %get3A_710 : vector<1x16xf32> to vector<16xf32>
        %mul3A_712 = arith.mulf %get3A_711, %gather3A_669 : vector<16xf32>
        %mul3A_713 = arith.mulf %get3A_13, %gather3A_671 : vector<16xf32>
        %add3A_714 = arith.addf %mul3A_712, %mul3A_713 : vector<16xf32>
        %swap3A_715 = arith.index_cast %add3A_665 : i32 to index
        %swap3A_716 = arith.constant 48 : index
        %swap3A_717 = tpu.vector_load %arg8[%swap3A_715, %swap3A_716] {strides = array<i32>} : memref<256x128xf32, #tpu.memory_space<vmem>>, vector<1x16xf32>,
        %swap3A_718 = vector.shape_cast %swap3A_717 : vector<1x16xf32> to vector<16xf32>
        %swap3A_719 = vector.shape_cast %add3A_714 : vector<16xf32> to vector<1x16xf32>
        tpu.vector_store %arg8[%swap3A_715, %swap3A_716], %swap3A_719 {strides = array<i32>} : memref<256x128xf32, #tpu.memory_space<vmem>>, vector<1x16xf32>,
        %mul3A_720 = arith.constant 16 : i32
        %mul3A_721 = arith.muli %scan3A_71, %mul3A_720 : i32
        %add3A_722 = arith.constant 11 : i32
        %add3A_723 = arith.addi %mul3A_721, %add3A_722 : i32
        %broadcast_in_dim3A_724 = arith.constant 11 : i32
        %broadcast_in_dim3A_725 = vector.broadcast %broadcast_in_dim3A_724 : i32 to vector<16x1xi32>
        %gather3A_726 = vector.shape_cast %broadcast_in_dim3A_725 : vector<16x1xi32> to vector<16xi32>
        %gather3A_727 = tpu.dynamic_gather %sub3A_83[%gather3A_726] in [0] : vector<16xf32>, vector<16xi32> -> vector<16xf32>
        %gather3A_728 = vector.shape_cast %broadcast_in_dim3A_725 : vector<16x1xi32> to vector<16xi32>
        %gather3A_729 = tpu.dynamic_gather %select_n3A[%gather3A_728] in [0] : vector<16xf32>, vector<16xi32> -> vector<16xf32>
        %get3A_730 = arith.index_cast %add3A_723 : i32 to index
        %get3A_731 = arith.constant 0 : index
        %get3A_732 = tpu.vector_load %arg8[%get3A_730, %get3A_731] {strides = array<i32>} : memref<256x128xf32, #tpu.memory_space<vmem>>, vector<1x16xf32>,
        %get3A_733 = vector.shape_cast %get3A_732 : vector<1x16xf32> to vector<16xf32>
        %mul3A_734 = arith.mulf %get3A_733, %gather3A_727 : vector<16xf32>
        %mul3A_735 = arith.mulf %get3A_4, %gather3A_729 : vector<16xf32>
        %add3A_736 = arith.addf %mul3A_734, %mul3A_735 : vector<16xf32>
        %swap3A_737 = arith.index_cast %add3A_723 : i32 to index
        %swap3A_738 = arith.constant 0 : index
        %swap3A_739 = tpu.vector_load %arg8[%swap3A_737, %swap3A_738] {strides = array<i32>} : memref<256x128xf32, #tpu.memory_space<vmem>>, vector<1x16xf32>,
        %swap3A_740 = vector.shape_cast %swap3A_739 : vector<1x16xf32> to vector<16xf32>
        %swap3A_741 = vector.shape_cast %add3A_736 : vector<16xf32> to vector<1x16xf32>
        tpu.vector_store %arg8[%swap3A_737, %swap3A_738], %swap3A_741 {strides = array<i32>} : memref<256x128xf32, #tpu.memory_space<vmem>>, vector<1x16xf32>,
        %get3A_742 = arith.index_cast %add3A_723 : i32 to index
        %get3A_743 = arith.constant 16 : index
        %get3A_744 = tpu.vector_load %arg8[%get3A_742, %get3A_743] {strides = array<i32>} : memref<256x128xf32, #tpu.memory_space<vmem>>, vector<1x16xf32>,
        %get3A_745 = vector.shape_cast %get3A_744 : vector<1x16xf32> to vector<16xf32>
        %mul3A_746 = arith.mulf %get3A_745, %gather3A_727 : vector<16xf32>
        %mul3A_747 = arith.mulf %get3A_7, %gather3A_729 : vector<16xf32>
        %add3A_748 = arith.addf %mul3A_746, %mul3A_747 : vector<16xf32>
        %swap3A_749 = arith.index_cast %add3A_723 : i32 to index
        %swap3A_750 = arith.constant 16 : index
        %swap3A_751 = tpu.vector_load %arg8[%swap3A_749, %swap3A_750] {strides = array<i32>} : memref<256x128xf32, #tpu.memory_space<vmem>>, vector<1x16xf32>,
        %swap3A_752 = vector.shape_cast %swap3A_751 : vector<1x16xf32> to vector<16xf32>
        %swap3A_753 = vector.shape_cast %add3A_748 : vector<16xf32> to vector<1x16xf32>
        tpu.vector_store %arg8[%swap3A_749, %swap3A_750], %swap3A_753 {strides = array<i32>} : memref<256x128xf32, #tpu.memory_space<vmem>>, vector<1x16xf32>,
        %get3A_754 = arith.index_cast %add3A_723 : i32 to index
        %get3A_755 = arith.constant 32 : index
        %get3A_756 = tpu.vector_load %arg8[%get3A_754, %get3A_755] {strides = array<i32>} : memref<256x128xf32, #tpu.memory_space<vmem>>, vector<1x16xf32>,
        %get3A_757 = vector.shape_cast %get3A_756 : vector<1x16xf32> to vector<16xf32>
        %mul3A_758 = arith.mulf %get3A_757, %gather3A_727 : vector<16xf32>
        %mul3A_759 = arith.mulf %get3A_10, %gather3A_729 : vector<16xf32>
        %add3A_760 = arith.addf %mul3A_758, %mul3A_759 : vector<16xf32>
        %swap3A_761 = arith.index_cast %add3A_723 : i32 to index
        %swap3A_762 = arith.constant 32 : index
        %swap3A_763 = tpu.vector_load %arg8[%swap3A_761, %swap3A_762] {strides = array<i32>} : memref<256x128xf32, #tpu.memory_space<vmem>>, vector<1x16xf32>,
        %swap3A_764 = vector.shape_cast %swap3A_763 : vector<1x16xf32> to vector<16xf32>
        %swap3A_765 = vector.shape_cast %add3A_760 : vector<16xf32> to vector<1x16xf32>
        tpu.vector_store %arg8[%swap3A_761, %swap3A_762], %swap3A_765 {strides = array<i32>} : memref<256x128xf32, #tpu.memory_space<vmem>>, vector<1x16xf32>,
        %get3A_766 = arith.index_cast %add3A_723 : i32 to index
        %get3A_767 = arith.constant 48 : index
        %get3A_768 = tpu.vector_load %arg8[%get3A_766, %get3A_767] {strides = array<i32>} : memref<256x128xf32, #tpu.memory_space<vmem>>, vector<1x16xf32>,
        %get3A_769 = vector.shape_cast %get3A_768 : vector<1x16xf32> to vector<16xf32>
        %mul3A_770 = arith.mulf %get3A_769, %gather3A_727 : vector<16xf32>
        %mul3A_771 = arith.mulf %get3A_13, %gather3A_729 : vector<16xf32>
        %add3A_772 = arith.addf %mul3A_770, %mul3A_771 : vector<16xf32>
        %swap3A_773 = arith.index_cast %add3A_723 : i32 to index
        %swap3A_774 = arith.constant 48 : index
        %swap3A_775 = tpu.vector_load %arg8[%swap3A_773, %swap3A_774] {strides = array<i32>} : memref<256x128xf32, #tpu.memory_space<vmem>>, vector<1x16xf32>,
        %swap3A_776 = vector.shape_cast %swap3A_775 : vector<1x16xf32> to vector<16xf32>
        %swap3A_777 = vector.shape_cast %add3A_772 : vector<16xf32> to vector<1x16xf32>
        tpu.vector_store %arg8[%swap3A_773, %swap3A_774], %swap3A_777 {strides = array<i32>} : memref<256x128xf32, #tpu.memory_space<vmem>>, vector<1x16xf32>,
        %mul3A_778 = arith.constant 16 : i32
        %mul3A_779 = arith.muli %scan3A_71, %mul3A_778 : i32
        %add3A_780 = arith.constant 12 : i32
        %add3A_781 = arith.addi %mul3A_779, %add3A_780 : i32
        %broadcast_in_dim3A_782 = arith.constant 12 : i32
        %broadcast_in_dim3A_783 = vector.broadcast %broadcast_in_dim3A_782 : i32 to vector<16x1xi32>
        %gather3A_784 = vector.shape_cast %broadcast_in_dim3A_783 : vector<16x1xi32> to vector<16xi32>
        %gather3A_785 = tpu.dynamic_gather %sub3A_83[%gather3A_784] in [0] : vector<16xf32>, vector<16xi32> -> vector<16xf32>
        %gather3A_786 = vector.shape_cast %broadcast_in_dim3A_783 : vector<16x1xi32> to vector<16xi32>
        %gather3A_787 = tpu.dynamic_gather %select_n3A[%gather3A_786] in [0] : vector<16xf32>, vector<16xi32> -> vector<16xf32>
        %get3A_788 = arith.index_cast %add3A_781 : i32 to index
        %get3A_789 = arith.constant 0 : index
        %get3A_790 = tpu.vector_load %arg8[%get3A_788, %get3A_789] {strides = array<i32>} : memref<256x128xf32, #tpu.memory_space<vmem>>, vector<1x16xf32>,
        %get3A_791 = vector.shape_cast %get3A_790 : vector<1x16xf32> to vector<16xf32>
        %mul3A_792 = arith.mulf %get3A_791, %gather3A_785 : vector<16xf32>
        %mul3A_793 = arith.mulf %get3A_4, %gather3A_787 : vector<16xf32>
        %add3A_794 = arith.addf %mul3A_792, %mul3A_793 : vector<16xf32>
        %swap3A_795 = arith.index_cast %add3A_781 : i32 to index
        %swap3A_796 = arith.constant 0 : index
        %swap3A_797 = tpu.vector_load %arg8[%swap3A_795, %swap3A_796] {strides = array<i32>} : memref<256x128xf32, #tpu.memory_space<vmem>>, vector<1x16xf32>,
        %swap3A_798 = vector.shape_cast %swap3A_797 : vector<1x16xf32> to vector<16xf32>
        %swap3A_799 = vector.shape_cast %add3A_794 : vector<16xf32> to vector<1x16xf32>
        tpu.vector_store %arg8[%swap3A_795, %swap3A_796], %swap3A_799 {strides = array<i32>} : memref<256x128xf32, #tpu.memory_space<vmem>>, vector<1x16xf32>,
        %get3A_800 = arith.index_cast %add3A_781 : i32 to index
        %get3A_801 = arith.constant 16 : index
        %get3A_802 = tpu.vector_load %arg8[%get3A_800, %get3A_801] {strides = array<i32>} : memref<256x128xf32, #tpu.memory_space<vmem>>, vector<1x16xf32>,
        %get3A_803 = vector.shape_cast %get3A_802 : vector<1x16xf32> to vector<16xf32>
        %mul3A_804 = arith.mulf %get3A_803, %gather3A_785 : vector<16xf32>
        %mul3A_805 = arith.mulf %get3A_7, %gather3A_787 : vector<16xf32>
        %add3A_806 = arith.addf %mul3A_804, %mul3A_805 : vector<16xf32>
        %swap3A_807 = arith.index_cast %add3A_781 : i32 to index
        %swap3A_808 = arith.constant 16 : index
        %swap3A_809 = tpu.vector_load %arg8[%swap3A_807, %swap3A_808] {strides = array<i32>} : memref<256x128xf32, #tpu.memory_space<vmem>>, vector<1x16xf32>,
        %swap3A_810 = vector.shape_cast %swap3A_809 : vector<1x16xf32> to vector<16xf32>
        %swap3A_811 = vector.shape_cast %add3A_806 : vector<16xf32> to vector<1x16xf32>
        tpu.vector_store %arg8[%swap3A_807, %swap3A_808], %swap3A_811 {strides = array<i32>} : memref<256x128xf32, #tpu.memory_space<vmem>>, vector<1x16xf32>,
        %get3A_812 = arith.index_cast %add3A_781 : i32 to index
        %get3A_813 = arith.constant 32 : index
        %get3A_814 = tpu.vector_load %arg8[%get3A_812, %get3A_813] {strides = array<i32>} : memref<256x128xf32, #tpu.memory_space<vmem>>, vector<1x16xf32>,
        %get3A_815 = vector.shape_cast %get3A_814 : vector<1x16xf32> to vector<16xf32>
        %mul3A_816 = arith.mulf %get3A_815, %gather3A_785 : vector<16xf32>
        %mul3A_817 = arith.mulf %get3A_10, %gather3A_787 : vector<16xf32>
        %add3A_818 = arith.addf %mul3A_816, %mul3A_817 : vector<16xf32>
        %swap3A_819 = arith.index_cast %add3A_781 : i32 to index
        %swap3A_820 = arith.constant 32 : index
        %swap3A_821 = tpu.vector_load %arg8[%swap3A_819, %swap3A_820] {strides = array<i32>} : memref<256x128xf32, #tpu.memory_space<vmem>>, vector<1x16xf32>,
        %swap3A_822 = vector.shape_cast %swap3A_821 : vector<1x16xf32> to vector<16xf32>
        %swap3A_823 = vector.shape_cast %add3A_818 : vector<16xf32> to vector<1x16xf32>
        tpu.vector_store %arg8[%swap3A_819, %swap3A_820], %swap3A_823 {strides = array<i32>} : memref<256x128xf32, #tpu.memory_space<vmem>>, vector<1x16xf32>,
        %get3A_824 = arith.index_cast %add3A_781 : i32 to index
        %get3A_825 = arith.constant 48 : index
        %get3A_826 = tpu.vector_load %arg8[%get3A_824, %get3A_825] {strides = array<i32>} : memref<256x128xf32, #tpu.memory_space<vmem>>, vector<1x16xf32>,
        %get3A_827 = vector.shape_cast %get3A_826 : vector<1x16xf32> to vector<16xf32>
        %mul3A_828 = arith.mulf %get3A_827, %gather3A_785 : vector<16xf32>
        %mul3A_829 = arith.mulf %get3A_13, %gather3A_787 : vector<16xf32>
        %add3A_830 = arith.addf %mul3A_828, %mul3A_829 : vector<16xf32>
        %swap3A_831 = arith.index_cast %add3A_781 : i32 to index
        %swap3A_832 = arith.constant 48 : index
        %swap3A_833 = tpu.vector_load %arg8[%swap3A_831, %swap3A_832] {strides = array<i32>} : memref<256x128xf32, #tpu.memory_space<vmem>>, vector<1x16xf32>,
        %swap3A_834 = vector.shape_cast %swap3A_833 : vector<1x16xf32> to vector<16xf32>
        %swap3A_835 = vector.shape_cast %add3A_830 : vector<16xf32> to vector<1x16xf32>
        tpu.vector_store %arg8[%swap3A_831, %swap3A_832], %swap3A_835 {strides = array<i32>} : memref<256x128xf32, #tpu.memory_space<vmem>>, vector<1x16xf32>,
        %mul3A_836 = arith.constant 16 : i32
        %mul3A_837 = arith.muli %scan3A_71, %mul3A_836 : i32
        %add3A_838 = arith.constant 13 : i32
        %add3A_839 = arith.addi %mul3A_837, %add3A_838 : i32
        %broadcast_in_dim3A_840 = arith.constant 13 : i32
        %broadcast_in_dim3A_841 = vector.broadcast %broadcast_in_dim3A_840 : i32 to vector<16x1xi32>
        %gather3A_842 = vector.shape_cast %broadcast_in_dim3A_841 : vector<16x1xi32> to vector<16xi32>
        %gather3A_843 = tpu.dynamic_gather %sub3A_83[%gather3A_842] in [0] : vector<16xf32>, vector<16xi32> -> vector<16xf32>
        %gather3A_844 = vector.shape_cast %broadcast_in_dim3A_841 : vector<16x1xi32> to vector<16xi32>
        %gather3A_845 = tpu.dynamic_gather %select_n3A[%gather3A_844] in [0] : vector<16xf32>, vector<16xi32> -> vector<16xf32>
        %get3A_846 = arith.index_cast %add3A_839 : i32 to index
        %get3A_847 = arith.constant 0 : index
        %get3A_848 = tpu.vector_load %arg8[%get3A_846, %get3A_847] {strides = array<i32>} : memref<256x128xf32, #tpu.memory_space<vmem>>, vector<1x16xf32>,
        %get3A_849 = vector.shape_cast %get3A_848 : vector<1x16xf32> to vector<16xf32>
        %mul3A_850 = arith.mulf %get3A_849, %gather3A_843 : vector<16xf32>
        %mul3A_851 = arith.mulf %get3A_4, %gather3A_845 : vector<16xf32>
        %add3A_852 = arith.addf %mul3A_850, %mul3A_851 : vector<16xf32>
        %swap3A_853 = arith.index_cast %add3A_839 : i32 to index
        %swap3A_854 = arith.constant 0 : index
        %swap3A_855 = tpu.vector_load %arg8[%swap3A_853, %swap3A_854] {strides = array<i32>} : memref<256x128xf32, #tpu.memory_space<vmem>>, vector<1x16xf32>,
        %swap3A_856 = vector.shape_cast %swap3A_855 : vector<1x16xf32> to vector<16xf32>
        %swap3A_857 = vector.shape_cast %add3A_852 : vector<16xf32> to vector<1x16xf32>
        tpu.vector_store %arg8[%swap3A_853, %swap3A_854], %swap3A_857 {strides = array<i32>} : memref<256x128xf32, #tpu.memory_space<vmem>>, vector<1x16xf32>,
        %get3A_858 = arith.index_cast %add3A_839 : i32 to index
        %get3A_859 = arith.constant 16 : index
        %get3A_860 = tpu.vector_load %arg8[%get3A_858, %get3A_859] {strides = array<i32>} : memref<256x128xf32, #tpu.memory_space<vmem>>, vector<1x16xf32>,
        %get3A_861 = vector.shape_cast %get3A_860 : vector<1x16xf32> to vector<16xf32>
        %mul3A_862 = arith.mulf %get3A_861, %gather3A_843 : vector<16xf32>
        %mul3A_863 = arith.mulf %get3A_7, %gather3A_845 : vector<16xf32>
        %add3A_864 = arith.addf %mul3A_862, %mul3A_863 : vector<16xf32>
        %swap3A_865 = arith.index_cast %add3A_839 : i32 to index
        %swap3A_866 = arith.constant 16 : index
        %swap3A_867 = tpu.vector_load %arg8[%swap3A_865, %swap3A_866] {strides = array<i32>} : memref<256x128xf32, #tpu.memory_space<vmem>>, vector<1x16xf32>,
        %swap3A_868 = vector.shape_cast %swap3A_867 : vector<1x16xf32> to vector<16xf32>
        %swap3A_869 = vector.shape_cast %add3A_864 : vector<16xf32> to vector<1x16xf32>
        tpu.vector_store %arg8[%swap3A_865, %swap3A_866], %swap3A_869 {strides = array<i32>} : memref<256x128xf32, #tpu.memory_space<vmem>>, vector<1x16xf32>,
        %get3A_870 = arith.index_cast %add3A_839 : i32 to index
        %get3A_871 = arith.constant 32 : index
        %get3A_872 = tpu.vector_load %arg8[%get3A_870, %get3A_871] {strides = array<i32>} : memref<256x128xf32, #tpu.memory_space<vmem>>, vector<1x16xf32>,
        %get3A_873 = vector.shape_cast %get3A_872 : vector<1x16xf32> to vector<16xf32>
        %mul3A_874 = arith.mulf %get3A_873, %gather3A_843 : vector<16xf32>
        %mul3A_875 = arith.mulf %get3A_10, %gather3A_845 : vector<16xf32>
        %add3A_876 = arith.addf %mul3A_874, %mul3A_875 : vector<16xf32>
        %swap3A_877 = arith.index_cast %add3A_839 : i32 to index
        %swap3A_878 = arith.constant 32 : index
        %swap3A_879 = tpu.vector_load %arg8[%swap3A_877, %swap3A_878] {strides = array<i32>} : memref<256x128xf32, #tpu.memory_space<vmem>>, vector<1x16xf32>,
        %swap3A_880 = vector.shape_cast %swap3A_879 : vector<1x16xf32> to vector<16xf32>
        %swap3A_881 = vector.shape_cast %add3A_876 : vector<16xf32> to vector<1x16xf32>
        tpu.vector_store %arg8[%swap3A_877, %swap3A_878], %swap3A_881 {strides = array<i32>} : memref<256x128xf32, #tpu.memory_space<vmem>>, vector<1x16xf32>,
        %get3A_882 = arith.index_cast %add3A_839 : i32 to index
        %get3A_883 = arith.constant 48 : index
        %get3A_884 = tpu.vector_load %arg8[%get3A_882, %get3A_883] {strides = array<i32>} : memref<256x128xf32, #tpu.memory_space<vmem>>, vector<1x16xf32>,
        %get3A_885 = vector.shape_cast %get3A_884 : vector<1x16xf32> to vector<16xf32>
        %mul3A_886 = arith.mulf %get3A_885, %gather3A_843 : vector<16xf32>
        %mul3A_887 = arith.mulf %get3A_13, %gather3A_845 : vector<16xf32>
        %add3A_888 = arith.addf %mul3A_886, %mul3A_887 : vector<16xf32>
        %swap3A_889 = arith.index_cast %add3A_839 : i32 to index
        %swap3A_890 = arith.constant 48 : index
        %swap3A_891 = tpu.vector_load %arg8[%swap3A_889, %swap3A_890] {strides = array<i32>} : memref<256x128xf32, #tpu.memory_space<vmem>>, vector<1x16xf32>,
        %swap3A_892 = vector.shape_cast %swap3A_891 : vector<1x16xf32> to vector<16xf32>
        %swap3A_893 = vector.shape_cast %add3A_888 : vector<16xf32> to vector<1x16xf32>
        tpu.vector_store %arg8[%swap3A_889, %swap3A_890], %swap3A_893 {strides = array<i32>} : memref<256x128xf32, #tpu.memory_space<vmem>>, vector<1x16xf32>,
        %mul3A_894 = arith.constant 16 : i32
        %mul3A_895 = arith.muli %scan3A_71, %mul3A_894 : i32
        %add3A_896 = arith.constant 14 : i32
        %add3A_897 = arith.addi %mul3A_895, %add3A_896 : i32
        %broadcast_in_dim3A_898 = arith.constant 14 : i32
        %broadcast_in_dim3A_899 = vector.broadcast %broadcast_in_dim3A_898 : i32 to vector<16x1xi32>
        %gather3A_900 = vector.shape_cast %broadcast_in_dim3A_899 : vector<16x1xi32> to vector<16xi32>
        %gather3A_901 = tpu.dynamic_gather %sub3A_83[%gather3A_900] in [0] : vector<16xf32>, vector<16xi32> -> vector<16xf32>
        %gather3A_902 = vector.shape_cast %broadcast_in_dim3A_899 : vector<16x1xi32> to vector<16xi32>
        %gather3A_903 = tpu.dynamic_gather %select_n3A[%gather3A_902] in [0] : vector<16xf32>, vector<16xi32> -> vector<16xf32>
        %get3A_904 = arith.index_cast %add3A_897 : i32 to index
        %get3A_905 = arith.constant 0 : index
        %get3A_906 = tpu.vector_load %arg8[%get3A_904, %get3A_905] {strides = array<i32>} : memref<256x128xf32, #tpu.memory_space<vmem>>, vector<1x16xf32>,
        %get3A_907 = vector.shape_cast %get3A_906 : vector<1x16xf32> to vector<16xf32>
        %mul3A_908 = arith.mulf %get3A_907, %gather3A_901 : vector<16xf32>
        %mul3A_909 = arith.mulf %get3A_4, %gather3A_903 : vector<16xf32>
        %add3A_910 = arith.addf %mul3A_908, %mul3A_909 : vector<16xf32>
        %swap3A_911 = arith.index_cast %add3A_897 : i32 to index
        %swap3A_912 = arith.constant 0 : index
        %swap3A_913 = tpu.vector_load %arg8[%swap3A_911, %swap3A_912] {strides = array<i32>} : memref<256x128xf32, #tpu.memory_space<vmem>>, vector<1x16xf32>,
        %swap3A_914 = vector.shape_cast %swap3A_913 : vector<1x16xf32> to vector<16xf32>
        %swap3A_915 = vector.shape_cast %add3A_910 : vector<16xf32> to vector<1x16xf32>
        tpu.vector_store %arg8[%swap3A_911, %swap3A_912], %swap3A_915 {strides = array<i32>} : memref<256x128xf32, #tpu.memory_space<vmem>>, vector<1x16xf32>,
        %get3A_916 = arith.index_cast %add3A_897 : i32 to index
        %get3A_917 = arith.constant 16 : index
        %get3A_918 = tpu.vector_load %arg8[%get3A_916, %get3A_917] {strides = array<i32>} : memref<256x128xf32, #tpu.memory_space<vmem>>, vector<1x16xf32>,
        %get3A_919 = vector.shape_cast %get3A_918 : vector<1x16xf32> to vector<16xf32>
        %mul3A_920 = arith.mulf %get3A_919, %gather3A_901 : vector<16xf32>
        %mul3A_921 = arith.mulf %get3A_7, %gather3A_903 : vector<16xf32>
        %add3A_922 = arith.addf %mul3A_920, %mul3A_921 : vector<16xf32>
        %swap3A_923 = arith.index_cast %add3A_897 : i32 to index
        %swap3A_924 = arith.constant 16 : index
        %swap3A_925 = tpu.vector_load %arg8[%swap3A_923, %swap3A_924] {strides = array<i32>} : memref<256x128xf32, #tpu.memory_space<vmem>>, vector<1x16xf32>,
        %swap3A_926 = vector.shape_cast %swap3A_925 : vector<1x16xf32> to vector<16xf32>
        %swap3A_927 = vector.shape_cast %add3A_922 : vector<16xf32> to vector<1x16xf32>
        tpu.vector_store %arg8[%swap3A_923, %swap3A_924], %swap3A_927 {strides = array<i32>} : memref<256x128xf32, #tpu.memory_space<vmem>>, vector<1x16xf32>,
        %get3A_928 = arith.index_cast %add3A_897 : i32 to index
        %get3A_929 = arith.constant 32 : index
        %get3A_930 = tpu.vector_load %arg8[%get3A_928, %get3A_929] {strides = array<i32>} : memref<256x128xf32, #tpu.memory_space<vmem>>, vector<1x16xf32>,
        %get3A_931 = vector.shape_cast %get3A_930 : vector<1x16xf32> to vector<16xf32>
        %mul3A_932 = arith.mulf %get3A_931, %gather3A_901 : vector<16xf32>
        %mul3A_933 = arith.mulf %get3A_10, %gather3A_903 : vector<16xf32>
        %add3A_934 = arith.addf %mul3A_932, %mul3A_933 : vector<16xf32>
        %swap3A_935 = arith.index_cast %add3A_897 : i32 to index
        %swap3A_936 = arith.constant 32 : index
        %swap3A_937 = tpu.vector_load %arg8[%swap3A_935, %swap3A_936] {strides = array<i32>} : memref<256x128xf32, #tpu.memory_space<vmem>>, vector<1x16xf32>,
        %swap3A_938 = vector.shape_cast %swap3A_937 : vector<1x16xf32> to vector<16xf32>
        %swap3A_939 = vector.shape_cast %add3A_934 : vector<16xf32> to vector<1x16xf32>
        tpu.vector_store %arg8[%swap3A_935, %swap3A_936], %swap3A_939 {strides = array<i32>} : memref<256x128xf32, #tpu.memory_space<vmem>>, vector<1x16xf32>,
        %get3A_940 = arith.index_cast %add3A_897 : i32 to index
        %get3A_941 = arith.constant 48 : index
        %get3A_942 = tpu.vector_load %arg8[%get3A_940, %get3A_941] {strides = array<i32>} : memref<256x128xf32, #tpu.memory_space<vmem>>, vector<1x16xf32>,
        %get3A_943 = vector.shape_cast %get3A_942 : vector<1x16xf32> to vector<16xf32>
        %mul3A_944 = arith.mulf %get3A_943, %gather3A_901 : vector<16xf32>
        %mul3A_945 = arith.mulf %get3A_13, %gather3A_903 : vector<16xf32>
        %add3A_946 = arith.addf %mul3A_944, %mul3A_945 : vector<16xf32>
        %swap3A_947 = arith.index_cast %add3A_897 : i32 to index
        %swap3A_948 = arith.constant 48 : index
        %swap3A_949 = tpu.vector_load %arg8[%swap3A_947, %swap3A_948] {strides = array<i32>} : memref<256x128xf32, #tpu.memory_space<vmem>>, vector<1x16xf32>,
        %swap3A_950 = vector.shape_cast %swap3A_949 : vector<1x16xf32> to vector<16xf32>
        %swap3A_951 = vector.shape_cast %add3A_946 : vector<16xf32> to vector<1x16xf32>
        tpu.vector_store %arg8[%swap3A_947, %swap3A_948], %swap3A_951 {strides = array<i32>} : memref<256x128xf32, #tpu.memory_space<vmem>>, vector<1x16xf32>,
        %mul3A_952 = arith.constant 16 : i32
        %mul3A_953 = arith.muli %scan3A_71, %mul3A_952 : i32
        %add3A_954 = arith.constant 15 : i32
        %add3A_955 = arith.addi %mul3A_953, %add3A_954 : i32
        %broadcast_in_dim3A_956 = arith.constant 15 : i32
        %broadcast_in_dim3A_957 = vector.broadcast %broadcast_in_dim3A_956 : i32 to vector<16x1xi32>
        %gather3A_958 = vector.shape_cast %broadcast_in_dim3A_957 : vector<16x1xi32> to vector<16xi32>
        %gather3A_959 = tpu.dynamic_gather %sub3A_83[%gather3A_958] in [0] : vector<16xf32>, vector<16xi32> -> vector<16xf32>
        %gather3A_960 = vector.shape_cast %broadcast_in_dim3A_957 : vector<16x1xi32> to vector<16xi32>
        %gather3A_961 = tpu.dynamic_gather %select_n3A[%gather3A_960] in [0] : vector<16xf32>, vector<16xi32> -> vector<16xf32>
        %get3A_962 = arith.index_cast %add3A_955 : i32 to index
        %get3A_963 = arith.constant 0 : index
        %get3A_964 = tpu.vector_load %arg8[%get3A_962, %get3A_963] {strides = array<i32>} : memref<256x128xf32, #tpu.memory_space<vmem>>, vector<1x16xf32>,
        %get3A_965 = vector.shape_cast %get3A_964 : vector<1x16xf32> to vector<16xf32>
        %mul3A_966 = arith.mulf %get3A_965, %gather3A_959 : vector<16xf32>
        %mul3A_967 = arith.mulf %get3A_4, %gather3A_961 : vector<16xf32>
        %add3A_968 = arith.addf %mul3A_966, %mul3A_967 : vector<16xf32>
        %swap3A_969 = arith.index_cast %add3A_955 : i32 to index
        %swap3A_970 = arith.constant 0 : index
        %swap3A_971 = tpu.vector_load %arg8[%swap3A_969, %swap3A_970] {strides = array<i32>} : memref<256x128xf32, #tpu.memory_space<vmem>>, vector<1x16xf32>,
        %swap3A_972 = vector.shape_cast %swap3A_971 : vector<1x16xf32> to vector<16xf32>
        %swap3A_973 = vector.shape_cast %add3A_968 : vector<16xf32> to vector<1x16xf32>
        tpu.vector_store %arg8[%swap3A_969, %swap3A_970], %swap3A_973 {strides = array<i32>} : memref<256x128xf32, #tpu.memory_space<vmem>>, vector<1x16xf32>,
        %get3A_974 = arith.index_cast %add3A_955 : i32 to index
        %get3A_975 = arith.constant 16 : index
        %get3A_976 = tpu.vector_load %arg8[%get3A_974, %get3A_975] {strides = array<i32>} : memref<256x128xf32, #tpu.memory_space<vmem>>, vector<1x16xf32>,
        %get3A_977 = vector.shape_cast %get3A_976 : vector<1x16xf32> to vector<16xf32>
        %mul3A_978 = arith.mulf %get3A_977, %gather3A_959 : vector<16xf32>
        %mul3A_979 = arith.mulf %get3A_7, %gather3A_961 : vector<16xf32>
        %add3A_980 = arith.addf %mul3A_978, %mul3A_979 : vector<16xf32>
        %swap3A_981 = arith.index_cast %add3A_955 : i32 to index
        %swap3A_982 = arith.constant 16 : index
        %swap3A_983 = tpu.vector_load %arg8[%swap3A_981, %swap3A_982] {strides = array<i32>} : memref<256x128xf32, #tpu.memory_space<vmem>>, vector<1x16xf32>,
        %swap3A_984 = vector.shape_cast %swap3A_983 : vector<1x16xf32> to vector<16xf32>
        %swap3A_985 = vector.shape_cast %add3A_980 : vector<16xf32> to vector<1x16xf32>
        tpu.vector_store %arg8[%swap3A_981, %swap3A_982], %swap3A_985 {strides = array<i32>} : memref<256x128xf32, #tpu.memory_space<vmem>>, vector<1x16xf32>,
        %get3A_986 = arith.index_cast %add3A_955 : i32 to index
        %get3A_987 = arith.constant 32 : index
        %get3A_988 = tpu.vector_load %arg8[%get3A_986, %get3A_987] {strides = array<i32>} : memref<256x128xf32, #tpu.memory_space<vmem>>, vector<1x16xf32>,
        %get3A_989 = vector.shape_cast %get3A_988 : vector<1x16xf32> to vector<16xf32>
        %mul3A_990 = arith.mulf %get3A_989, %gather3A_959 : vector<16xf32>
        %mul3A_991 = arith.mulf %get3A_10, %gather3A_961 : vector<16xf32>
        %add3A_992 = arith.addf %mul3A_990, %mul3A_991 : vector<16xf32>
        %swap3A_993 = arith.index_cast %add3A_955 : i32 to index
        %swap3A_994 = arith.constant 32 : index
        %swap3A_995 = tpu.vector_load %arg8[%swap3A_993, %swap3A_994] {strides = array<i32>} : memref<256x128xf32, #tpu.memory_space<vmem>>, vector<1x16xf32>,
        %swap3A_996 = vector.shape_cast %swap3A_995 : vector<1x16xf32> to vector<16xf32>
        %swap3A_997 = vector.shape_cast %add3A_992 : vector<16xf32> to vector<1x16xf32>
        tpu.vector_store %arg8[%swap3A_993, %swap3A_994], %swap3A_997 {strides = array<i32>} : memref<256x128xf32, #tpu.memory_space<vmem>>, vector<1x16xf32>,
        %get3A_998 = arith.index_cast %add3A_955 : i32 to index
        %get3A_999 = arith.constant 48 : index
        %get3A_1000 = tpu.vector_load %arg8[%get3A_998, %get3A_999] {strides = array<i32>} : memref<256x128xf32, #tpu.memory_space<vmem>>, vector<1x16xf32>,
        %get3A_1001 = vector.shape_cast %get3A_1000 : vector<1x16xf32> to vector<16xf32>
        %mul3A_1002 = arith.mulf %get3A_1001, %gather3A_959 : vector<16xf32>
        %mul3A_1003 = arith.mulf %get3A_13, %gather3A_961 : vector<16xf32>
        %add3A_1004 = arith.addf %mul3A_1002, %mul3A_1003 : vector<16xf32>
        %swap3A_1005 = arith.index_cast %add3A_955 : i32 to index
        %swap3A_1006 = arith.constant 48 : index
        %swap3A_1007 = tpu.vector_load %arg8[%swap3A_1005, %swap3A_1006] {strides = array<i32>} : memref<256x128xf32, #tpu.memory_space<vmem>>, vector<1x16xf32>,
        %swap3A_1008 = vector.shape_cast %swap3A_1007 : vector<1x16xf32> to vector<16xf32>
        %swap3A_1009 = vector.shape_cast %add3A_1004 : vector<16xf32> to vector<1x16xf32>
        tpu.vector_store %arg8[%swap3A_1005, %swap3A_1006], %swap3A_1009 {strides = array<i32>} : memref<256x128xf32, #tpu.memory_space<vmem>>, vector<1x16xf32>,
      }
      %scan3A_69 = arith.constant 16 : i32
      %add3A_70 = arith.addi %mul3A_2, %mul3A_63 : i32
      "tpu.region"() ({
        %run_scoped3A = tpu.sem_alloc : memref<!tpu.dma_semaphore, #tpu.memory_space<semaphore_mem>>
        %dma_start3A_71 = arith.constant 0 : i32
        %dma_start3A_72 = arith.constant 0 : i32
        %dma_start3A_73 = tpu.memref_slice %arg8[%dma_start3A_71, %dma_start3A_72] : memref<256x128xf32, #tpu.memory_space<vmem>> -> memref<256x64xf32, #tpu.memory_space<vmem>>
        %dma_start3A_74 = arith.constant 0 : i32
        %dma_start3A_75 = tpu.memref_slice %arg5[%add3A_70, %dma_start3A_74] : memref<819200x64xf32, #tpu.memory_space<hbm>> -> memref<256x64xf32, #tpu.memory_space<hbm>>
        %dma_start3A_76 = arith.constant 0 : i32
        %dma_start3A_77 = tpu.memref_slice %arg5[%add3A_70, %dma_start3A_76] : memref<819200x64xf32, #tpu.memory_space<hbm>> -> memref<256x64xf32, #tpu.memory_space<hbm>>
        %dma_start3A_78 = arith.constant 0 : i32
        %dma_start3A_79 = arith.constant 0 : i32
        %dma_start3A_80 = tpu.memref_slice %arg8[%dma_start3A_78, %dma_start3A_79] : memref<256x128xf32, #tpu.memory_space<vmem>> -> memref<256x64xf32, #tpu.memory_space<vmem>>
        tpu.enqueue_dma source(%dma_start3A_80 : memref<256x64xf32, #tpu.memory_space<vmem>>) target(%dma_start3A_77 : memref<256x64xf32, #tpu.memory_space<hbm>>) target_semaphore(%run_scoped3A : memref<!tpu.dma_semaphore, #tpu.memory_space<semaphore_mem>>)
        %dma_wait3A_81 = arith.constant 0 : i32
        %dma_wait3A_82 = arith.constant 0 : i32
        %dma_wait3A_83 = tpu.memref_slice %arg8[%dma_wait3A_81, %dma_wait3A_82] : memref<256x128xf32, #tpu.memory_space<vmem>> -> memref<256x64xf32, #tpu.memory_space<vmem>>
        %dma_wait3A_84 = arith.constant 0 : i32
        %dma_wait3A_85 = tpu.memref_slice %arg5[%add3A_70, %dma_wait3A_84] : memref<819200x64xf32, #tpu.memory_space<hbm>> -> memref<256x64xf32, #tpu.memory_space<hbm>>
        %dma_wait3A_86 = arith.constant 0 : i32
        %dma_wait3A_87 = tpu.memref_slice %arg5[%add3A_70, %dma_wait3A_86] : memref<819200x64xf32, #tpu.memory_space<hbm>> -> memref<256x64xf32, #tpu.memory_space<hbm>>
        %dma_wait3A_88 = arith.constant 0 : i32
        %dma_wait3A_89 = arith.constant 0 : i32
        %dma_wait3A_90 = tpu.memref_slice %arg8[%dma_wait3A_88, %dma_wait3A_89] : memref<256x128xf32, #tpu.memory_space<vmem>> -> memref<256x64xf32, #tpu.memory_space<vmem>>
        tpu.wait_dma2 semaphore(%run_scoped3A : memref<!tpu.dma_semaphore, #tpu.memory_space<semaphore_mem>>) src(%dma_wait3A_90 : memref<256x64xf32, #tpu.memory_space<vmem>>) dst(%dma_wait3A_87 : memref<256x64xf32, #tpu.memory_space<hbm>>)
        tpu.yield
      }) : () -> ()
    }
    %scan3A_22 = arith.constant 50 : i32
    return
  }
}

module attributes {stable_mosaic.version = 14 : i64} {
  func.func @body(%arg0: i32, %arg1: memref<64x16384xf32, #tpu.memory_space<vmem>>, %arg2: memref<64x64xf32, #tpu.memory_space<vmem>>, %arg3: memref<16384x128xf32, #tpu.memory_space<vmem>>) attributes {dimension_semantics = [#tpu.dimension_semantics<arbitrary>], iteration_bounds = array<i64: 62>, scalar_prefetch = 0 : i64, scratch_operands = 0 : i64, tpu.core_type = #tpu.core_type<tc>, window_params = [{transform_indices = @transform_0, window_bounds = array<i64: 64, 16384>}, {pipeline_mode = #tpu.pipeline_mode<synchronous>, transform_indices = @transform_1, window_bounds = array<i64: 64, 64>}, {transform_indices = @transform_2, window_bounds = array<i64: 16384, 128>}]} {
    %get3A = arith.constant 0 : index
    %get3A_0 = arith.constant 0 : index
    %get3A_1 = vector.load %arg1[%get3A, %get3A_0] : memref<64x16384xf32, #tpu.memory_space<vmem>>, vector<64x16384xf32>
    %get3A_2 = arith.constant 0 : index
    %get3A_3 = arith.constant 0 : index
    %get3A_4 = vector.load %arg2[%get3A_2, %get3A_3] : memref<64x64xf32, #tpu.memory_space<vmem>>, vector<64x64xf32>
    %dot_general3A = arith.constant dense<0.000000e+00> : vector<16384x64xf32>
    %dot_general3A_5 = tpu.matmul %get3A_1, %get3A_4, %dot_general3A {dimension_numbers = #tpu.dot_dimension_numbers<[0], [0], [1], [1], [0, 1, 1, 1], [], []>, transpose_lhs_hint = false} : vector<64x16384xf32>, vector<64x64xf32>, vector<16384x64xf32> -> vector<16384x64xf32>
    %swap3A = arith.constant 0 : index
    %swap3A_6 = arith.constant 0 : index
    %swap3A_7 = vector.load %arg3[%swap3A, %swap3A_6] : memref<16384x128xf32, #tpu.memory_space<vmem>>, vector<16384x64xf32>
    tpu.vector_store %arg3[%swap3A, %swap3A_6], %dot_general3A_5 {strides = array<i32>} : memref<16384x128xf32, #tpu.memory_space<vmem>>, vector<16384x64xf32>,
    %swap3A_8 = arith.constant 0 : index
    %swap3A_9 = arith.constant 64 : index
    %swap3A_10 = vector.load %arg3[%swap3A_8, %swap3A_9] : memref<16384x128xf32, #tpu.memory_space<vmem>>, vector<16384x64xf32>
    tpu.vector_store %arg3[%swap3A_8, %swap3A_9], %dot_general3A_5 {strides = array<i32>} : memref<16384x128xf32, #tpu.memory_space<vmem>>, vector<16384x64xf32>,
    return
  }
  func.func @transform_0(%arg0: i32) -> (i32, i32) {
    %c0_i32 = arith.constant 0 : i32
    %c0_i32_0 = arith.constant 0 : i32
    return %c0_i32, %arg0 : i32, i32
  }
  func.func @transform_1(%arg0: i32) -> (i32, i32) {
    %c0_i32 = arith.constant 0 : i32
    %c0_i32_0 = arith.constant 0 : i32
    %c0_i32_1 = arith.constant 0 : i32
    return %c0_i32, %c0_i32_0 : i32, i32
  }
  func.func @transform_2(%arg0: i32) -> (i32, i32) {
    %c0_i32 = arith.constant 0 : i32
    %c0_i32_0 = arith.constant 0 : i32
    return %arg0, %c0_i32 : i32, i32
  }
}

</mosaic_0001>

<sc_bundles>
// kernel: kernel.4.cloned.1.call-start
scs
__scs_entry_jumppad:
0x0: {  	(pc) =	sbr.rel $0x88, $3  }
0x1: {  	(tag) =	ssettag $0x0;
	lr =	simm.s32 $0x1  }
0x2: {  	[smem:$0x3F9E] =	sst lr;
	_ =	strace $0xD0000000  }
0x3: {  	_ = 	snop  }
0x4: {  	_ = 	snop  }
0x5: {  	_ = 	snop  }
0x6: {  	_ = 	snop  }
0x7: {  	_ = 	snop  }
__scs_overlays_trampoline_lowered:
0x8: {  	[smem:$0x3FAD] =	sst s0  }
0x9: {  	[smem:$0x3FAE] =	sst s1  }
0xa: {  	[smem:$0x3FAF] =	sst s2  }
0xb: {  	[smem:$0x3FB0] =	sst s3  }
0xc: {  	[smem:$0x3FB1] =	sst s4  }
0xd: {  	[smem:$0x3FB2] =	sst s5  }
0xe: {  	[smem:$0x3FB3] =	sst s6  }
0xf: {  	[smem:$0x3FB4] =	sst s7  }
0x10: {  	[smem:$0x3FB5] =	sst s8  }
0x11: {  	[smem:$0x3FB6] =	sst s9;
	s0 =	simm.s32 @!p0 $0x0  }
0x12: {  	s1 =	sld [smem:$0x3F9C];
	s0 =	simm.s32 @p0 $0x1  }
0x13: {  	[smem:$0x3FB7] =	sst s0;
	s0 =	simm.s32 @!p1 $0x0  }
0x14: {  	s2 =	sld [smem:$0x3F9B];
	s0 =	simm.s32 @p1 $0x1  }
0x15: {  	[smem:$0x3FB8] =	sst s0;
	s0 =	simm.s32 @!p2 $0x0  }
0x16: {  	s3 =	sld [smem:$0x3FDB];
	s0 =	simm.s32 @p2 $0x1  }
0x17: {  	s4 =	simm.s32 $0x1BF5;
	[smem:$0x3FBA] =	sst s0  }
0x18: {  	s0 =	sld [smem:$0x3F9D];
	_ =	swait.ge [sflag:s4], $0x0  }
0x19: {  	s7 =	sld [smem:$0x3F9E]  }
0x1a: {  	s8 =	sadd.s32 $0xFFFFE003, lr  }
0x1b: {  	s9 =	sadd.s32 $0xFFFFFEF7, lr;
	s5 =	simm.s32 $0xFFFFFFFF;
	p2 =	slt.u32 s8, $0xFFFFF086  }
0x1c: {  	p1 =	slt.u32 s9, $0xF7A;
	s5 =	simm.s32 @!p2 $0x0  }
0x1d: {  	s5 =	simm.s32 @p1 $0x1;
	p0 =	seq.s32 s7, s2  }
0x1e: {  	s7 =	smul.u32 @!p0 $0xF7A, s2;
	p2 =	seq.s32 @!p0 s5, $0x0  }
0x1f: {  	s9 =	smul.u32 $0xF7A, s1;
	s8 =	simm.s32 @!p0 $0x1BF5;
	p2 =	por !p2, p0  }
0x20: {  	[sflag:s8] =	ssyncset.s32 @!p0 $0xFFFFF086;
	s6 =	sadd.s32 @!p0 s3, s7;
	s7 =	simm.s32 @!p0 $0x108  }
0x21: {  	s3 =	sadd.s32 s3, s9;
	s6 =	sadd.s32 @!p0 $0x88, s6;
	s7 =	simm.s32 @p2 $0x1082  }
0x22: {  	[simem:s7], [sflag:s8] =	dma.local @!p0 [hbm:s6], $0xF7A  }
0x23: {  	s9 =	sor.u32 $0xD0000000, s2;
	s6 =	simm.s32 $0x108;
	_ =	swait.ge @!p0 [sflag:s8], $0x0  }
0x24: {  	s3 =	sadd.s32 $0x88, s3;
	s6 =	simm.s32 @!p1 $0x1082;
	[sflag:s4] =	ssyncset.s32 $0xFFFFF086  }
0x25: {  	[simem:s6], [sflag:s4] =	dma.local [hbm:s3], $0xF7A  }
0x26: {  	[smem:$0x3F9E] =	sst s1;
	(tag) =	ssettag s2;
	_ =	strace s9  }
0x27: {  	s1 =	sld [smem:$0x3FAE]  }
0x28: {  	s2 =	sld [smem:$0x3FAF]  }
0x29: {  	s4 =	sld [smem:$0x3FB1]  }
0x2a: {  	p0 =	seq.s32 s5, $0x0;
	s5 =	sld [smem:$0x3FB2]  }
0x2b: {  	s6 =	sld [smem:$0x3FB3]  }
0x2c: {  	s7 =	sld [smem:$0x3FB4]  }
0x2d: {  	s3 =	simm.s32 $0x108;
	s8 =	sld [smem:$0x3FB5]  }
0x2e: {  	s3 =	simm.s32 @!p0 $0x1082;
	s9 =	sld [smem:$0x3FB6]  }
0x2f: {  	lr =	sadd.s32 s0, s3;
	s0 =	sld [smem:$0x3FAD]  }
0x30: {  	s3 =	sld [smem:$0x3FB0]  }
0x31: {  	[smem:$0x3FB9] =	sst s10  }
0x32: {  	s10 =	sld [smem:$0x3FB7];
	_ =	sdelay $0x3  }
0x33: {  	p0 =	seq.s32 s10, $0x1;
	s10 =	sld [smem:$0x3FB9];
	_ =	sdelay $0x3  }
0x34: {  	[smem:$0x3FB9] =	sst s10  }
0x35: {  	s10 =	sld [smem:$0x3FB8];
	_ =	sdelay $0x3  }
0x36: {  	p1 =	seq.s32 s10, $0x1;
	s10 =	sld [smem:$0x3FB9];
	_ =	sdelay $0x3  }
0x37: {  	[smem:$0x3FB9] =	sst s10  }
0x38: {  	s10 =	sld [smem:$0x3FBA]  }
0x39: {  	_ = 	snop;
	(pc) =	sbr.ind lr, $3  }
0x3a: {  	_ = 	snop  }
0x3b: {  	_ = 	snop  }
0x3c: {  	p2 =	seq.s32 s10, $0x1;
	s10 =	sld [smem:$0x3FB9]  }
0x3d: {  	_ =	shalt  }
0x3e: {  	_ =	shalt  }
0x3f: {  	_ =	shalt  }
0x40: {  	_ =	shalt  }
0x41: {  	_ =	shalt  }
0x42: {  	_ =	shalt  }
0x43: {  	_ =	shalt  }
0x44: {  	_ =	shalt  }
0x45: {  	_ =	shalt  }
0x46: {  	_ =	shalt  }
0x47: {  	_ =	shalt  }
0x48: {  	_ =	shalt  }
0x49: {  	_ =	shalt  }
0x4a: {  	_ =	shalt  }
0x4b: {  	_ =	shalt  }
0x4c: {  	_ =	shalt  }
0x4d: {  	_ =	shalt  }
0x4e: {  	_ =	shalt  }
0x4f: {  	_ =	shalt  }
0x50: {  	_ =	shalt  }
0x51: {  	_ =	shalt  }
0x52: {  	_ =	shalt  }
0x53: {  	_ =	shalt  }
0x54: {  	_ =	shalt  }
0x55: {  	_ =	shalt  }
0x56: {  	_ =	shalt  }
0x57: {  	_ =	shalt  }
0x58: {  	_ =	shalt  }
0x59: {  	_ =	shalt  }
0x5a: {  	_ =	shalt  }
0x5b: {  	_ =	shalt  }
0x5c: {  	_ =	shalt  }
0x5d: {  	_ =	shalt  }
0x5e: {  	_ =	shalt  }
0x5f: {  	_ =	shalt  }
0x60: {  	_ =	shalt  }
0x61: {  	_ =	shalt  }
0x62: {  	_ =	shalt  }
0x63: {  	_ =	shalt  }
0x64: {  	_ =	shalt  }
0x65: {  	_ =	shalt  }
0x66: {  	_ =	shalt  }
0x67: {  	_ =	shalt  }
0x68: {  	_ =	shalt  }
0x69: {  	_ =	shalt  }
0x6a: {  	_ =	shalt  }
0x6b: {  	_ =	shalt  }
0x6c: {  	_ =	shalt  }
0x6d: {  	_ =	shalt  }
0x6e: {  	_ =	shalt  }
0x6f: {  	_ =	shalt  }
0x70: {  	_ =	shalt  }
0x71: {  	_ =	shalt  }
0x72: {  	_ =	shalt  }
0x73: {  	_ =	shalt  }
0x74: {  	_ =	shalt  }
0x75: {  	_ =	shalt  }
0x76: {  	_ =	shalt  }
0x77: {  	_ =	shalt  }
0x78: {  	_ =	shalt  }
0x79: {  	_ =	shalt  }
0x7a: {  	_ =	shalt  }
0x7b: {  	_ =	shalt  }
0x7c: {  	_ =	shalt  }
0x7d: {  	_ =	shalt  }
0x7e: {  	_ =	shalt  }
0x7f: {  	_ =	shalt  }
0x80: {  	_ =	shalt  }
0x81: {  	_ =	shalt  }
0x82: {  	_ =	shalt  }
0x83: {  	_ =	shalt  }
0x84: {  	_ =	shalt  }
0x85: {  	_ =	shalt  }
0x86: {  	_ =	shalt  }
0x87: {  	_ =	shalt  }
.Lfunc_end0:
.L_simem_size_0:
called_computation.1_lowered:
.L_overlay_start_0:
0x88: {  	s2 =	sld [smem:$0x3FD9]  }
0x89: {  	s3 =	sld [smem:$0x3FFE];
	_ =	sdelay $0x1  }
0x8a: {  	s1 =	srdreg.scid  }
0x8b: {  	s0 =	sand.u32 $0x1, s1  }
0x8c: {  	s17 =	sshll.u32 s0, $0xA;
	s2 =	sadd.s32 s3, s2  }
0x8d: {  	s2 =	sadd.s32 s2, s17  }
0x8e: {  	[smem:$0x3FC5] =	sst s2  }
0x8f: {  	_ = 	snop  }
0x90: {  	s2 =	sld [smem:$0x3FC7]  }
0x91: {  	s18 =	sld [smem:$0x3FD0];
	(tm) =	ssettm $0x1  }
0x92: {  	s4 =	sld [smem:$0x3FFB];
	_ =	sdelay $0x3  }
0x93: {  	_ =	strace s4  }
0x94: {  	s4 =	sld [smem:$0x3FFC];
	_ =	sdelay $0x3  }
0x95: {  	_ =	strace s4  }
0x96: {  	s4 =	sld [smem:$0x3FFD];
	_ =	sdelay $0x3  }
0x97: {  	_ =	strace s4  }
0x98: {  	_ =	strace $0x8FFFFFFF  }
0x99: {  	s19 =	sld [smem:$0x3FDB];
	_ =	sdelay $0x1  }
0x9a: {  	s5 =	simm.s32 $_scs_section_size  }
0x9b: {  	s6 =	simm.s32 $_size__tile_overlayer_lowered;
	s7 =	simm.s32 $_tile_overlayer_lowered  }
0x9c: {  	s22 =	simm.s32 $0x1BFF;
	s21 =	sshll.u32 s7, $0x1;
	s4 =	sadd.s32 s5, s19  }
0x9d: {  	s8 =	simm.s32 $0x0;
	s20 =	sshll.u32 s6, $0x1;
	s6 =	sadd.s32 s21, s4  }
0x9e: {  	[timem:s8], [sflag:s22] =	dma.local [hbm:s6], s20  }
0x9f: {  	_ =	swait.ge [sflag:s22], s20  }
0xa0: {  	s5 =	ssub.s32 $0x0, s20;
	[sflag:s22] =	ssyncset.done $0x0  }
0xa1: {  	[sflag:s22] =	ssyncadd.s32 s5;
	_ =	sdelay $0x1  }
0xa2: {  	s23 =	simm.s32 $0x1B8B  }
0xa3: {  	_ =	swait.ge [sflag:s23], $0x1  }
0xa4: {  	[sflag:s23] =	ssyncset.done $0x0  }
0xa5: {  	s25 =	simm.s32 $0x1B8E;
	s24 =	sld [smem:$0x3FFE];
	[sflag:s23] =	ssyncadd.s32 $0xFFFFFFFF  }
0xa6: {  	s26 =	simm.s32 $execute0_lowered;
	[smem:$0x3FD2] =	sst s25  }
0xa7: {  	s6 =	sshll.u32 s26, $0x1;
	_ =	strace $0x80000046;
	[dreg:$0x1] =	wrdreg $0xFFFFFFFF  }
0xa8: {  	s28 =	simm.s32 $_size_execute0_lowered;
	s4 =	sadd.s32 s4, s6;
	[dreg:$0x0] =	wrdreg $0x0  }
0xa9: {  	s6 =	sshll.u32 s28, $0x1;
	[dreg:$0x2] =	wrdreg s4  }
0xaa: {  	[dreg:$0x3] =	wrdreg s6  }
0xab: {  	[dreg:$0x4] =	wrdreg $0xC0  }
0xac: {  	_ =	task [dreg:s8], $0x5FFFF  }
0xad: {  	[dreg:$0x1] =	wrdreg $0xFFFFFFFF  }
0xae: {  	[dreg:$0x0] =	wrdreg $0x60  }
0xaf: {  	[dreg:$0x2] =	wrdreg s24  }
0xb0: {  	[dreg:$0x3] =	wrdreg s2  }
0xb1: {  	[dreg:$0x4] =	wrdreg s18  }
0xb2: {  	[dreg:$0x5] =	wrdreg $0x9  }
0xb3: {  	_ =	task.clear_ibuf [dreg:s8], $0x6FFFF;
	_ =	strace $0x90000046  }
0xb4: {  	s29 =	simm.s32 $0x9;
	_ =	strace $0x80000048  }
0xb5: {  	_ =	swait.ge [sflag:s29], $0x1  }
0xb6: {  	[sflag:s29] =	ssyncadd.s32 $0xFFFFFFFF  }
0xb7: {  	_ =	strace $0x90000048  }
0xb8: {  	_ =	sfence  }
0xb9: {  	s30 =	sld [smem:$0x0];
	_ =	sdelay $0x2  }
0xba: {  	s31 =	sshll.u32 s1, $0xD;
	s1 =	sshrl.u32 s1, $0x2  }
0xbb: {  	s3 =	sand.u32 $0x4000, s31;
	s1 =	sadd.s32 s1, s30  }
0xbc: {  	s0 =	sor.u32 s3, s0;
	s1 =	sshll.u32 s1, $0x11  }
0xbd: {  	s0 =	sor.u32 s1, s0  }
0xbe: {  	s0 =	sadd.s32 $0x8F2B, s0  }
0xbf: {  	[sflag:s0] =	ssyncadd.remote.s32 $0x1  }
0xc0: {  	_ =	sfence.sel $0xFFFF  }
0xc1: {  	[dreg:$0x0] =	wrdreg $0xFFFFFFFF;
	(pc) =	sbr.abs _section_cstart, $3  }
0xc2: {  	[dreg:$0x1] =	wrdreg $0xFFFFFFFF  }
0xc3: {  	_ =	task.clear_ibuf [dreg:s8], $0x2FFFF;
	_ =	strace $0x9FFFFFFF  }
0xc4: {  	(tm) =	ssettm $0x7FFFFFFF  }
0xc5: {  	_ =	shalt  }
tec
execute0_lowered:
.L_overlay_start_1:
0x0: {  	(tag) =	ssettag $0x1  }
0x1: {  	s6 =	rddreg [dreg:$0x0]  }
0x2: {  	s1 =	srdreg.scid;
	s2 =	rddreg [dreg:$0x1]  }
0x3: {  	s0 =	stileid.u32;
	s3 =	rddreg [dreg:$0x2]  }
0x4: {  	s5 =	simm.s32 $0x0;
	s10 =	simm.s32 $0x16400;
	s11 =	simm.s32 $0x6400  }
0x5: {  	s12 =	simm.s32 $0x100;
	s7 =	sand.u32 $0x1, s1;
	s31 =	sshll.u32 s0, $0x1  }
0x6: {  	v0 =	vimm.f32 $0.0e+00;
	v1 =	vimm.s32 $0x0;
	s13 =	simm.s32 $0xE400;
	s14 =	simm.s32 $0x1;
	s1 =	sor.u32 s7, s31  }
0x7: {  	v2 =	vimm.s32 $0x1;
	v3 =	vimm.s32 $0x2;
	v4 =	vimm.s32 $0x3;
	s15 =	simm.s32 $0x2;
	[smem:$0x7FF] =	sst s5;
	s4 =	smul.u32 $0x6400, s1  }
0x8: {  	v5 =	vimm.s32 $0x4;
	v6 =	vimm.s32 $0x5;
	v7 =	vimm.s32 $0x6;
	s16 =	simm.s32 $0x0;
	s7 =	ssub.s32 $0x2, s7;
	s1 =	rddreg [dreg:$0x3]  }
0x9: {  	v8 =	vimm.s32 $0x7;
	v9 =	vimm.s32 $0x8;
	v10 =	vimm.s32 $0x9;
	_ =	strace $0x80000047;
	s9 =	sshrl.u32 s7, $0x1;
	s8 =	sshrl.u32 s4, $0x3  }
0xa: {  	v11 =	vimm.s32 $0xA;
	v12 =	vimm.s32 $0xB;
	v13 =	vimm.s32 $0xC;
	s9 =	ssub.s32 s7, s9;
	s8 =	sadd.s32 s8, s6;
	s6 =	sadd.s32 $0x19800, s6  }
0xb: {  	v14 =	vimm.s32 $0xD;
	v15 =	vimm.s32 $0xE;
	v16 =	vimm.s32 $0xF;
	s7 =	sadd.s32 $0x800, s8;
	s8 =	smax.u32 s9, $0x1;
	s9 =	simm.s32 $0x3  }
.LBB2_1:
0xc: {  	[tilespmem:s5], [sflag:$0x3] =	stream.linear.gather [hbm4b:s7+s5], $0x6400, $0x38;
	[tilespmem:$0x16440] =	vst v63  }
0xd: {  	_ =	swait.ge [sflag:s9], $0x6400  }
0xe: {  	[sflag:s9] =	ssyncset.done $0x0  }
0xf: {  	[sflag:s9] =	ssyncadd.s32 $0xFFFF9C00  }
0x10: {  	[tilespmem:s10], [sflag:$0x3] =	stream.linear.gather [hbm4b:s2+s5], $0x40, $0x38;
	[tilespmem:$0x16440] =	vst v63  }
0x11: {  	_ =	swait.ge [sflag:s9], $0x40  }
0x12: {  	[sflag:s9] =	ssyncset.done $0x0  }
0x13: {  	[sflag:s9] =	ssyncadd.s32 $0xFFFFFFC0  }
0x14: {  	v17 =	vld [tilespmem:$0x16400]  }
0x15: {  	v18 =	vld [tilespmem:$0x16410]  }
0x16: {  	s17 =	simm.s32 $0x100;
	s18 =	simm.s32 $0x0;
	s20 =	simm.s32 $0x0;
	v19 =	vld [tilespmem:$0x16420]  }
0x17: {  	v20 =	vld [tilespmem:$0x16430];
	[tilespmem:s11], [sflag:$0x1] =	stream.indirect.gather [hbm4b:s6+s12], $0x80, s5, s12, $0xb8  }
.LBB2_2:
0x18: {  	s21 =	sshll.u32 s20, $0x9  }
0x19: {  	s19 =	sor.u32 $0x100, s21  }
0x1a: {  	v21 =	vmov s18;
	[tilespmem:s13], [sflag:$0x2] =	stream.indirect.gather [hbm4b:s6+s12], $0x80, s19, s12, $0xb8;
	[tilespmem:$0x16440] =	vst v63  }
0x1b: {  	_ =	swait.ge [sflag:s14], $0x8000  }
0x1c: {  	[sflag:s14] =	ssyncset.done $0x0  }
0x1d: {  	s22 =	simm.s32 $0x0;
	s23 =	simm.s32 $0x6800;
	[sflag:s14] =	ssyncadd.s32 $0xFFFF8000  }
.LBB2_3:
0x1e: {  	s24 =	sshra.s32 s22, $0x2  }
0x1f: {  	v22 =	vld.idx.msk [tilespmem:v21+s24+$0x0 ss:$0x1], $0xffff;
	_ =	sdelay $0x4  }
0x20: {  	vm0 =	veq.s32 v22, $0x3E800  }
0x21: {  	v22 =	vsel vm0, $0x3F800000, v0  }
0x22: {  	v27 =	vperm.xlane v22, v1  }
0x23: {  	v23 =	vsub.f32 $1.000000000e+00, v22;
	v29 =	vperm.xlane v22, v2;
	v35 =	vperm.xlane v22, v3  }
0x24: {  	v24 =	vld [tilespmem:s23+$0xFFFFFC00];
	v37 =	vperm.xlane v22, v4;
	v42 =	vperm.xlane v22, v5  }
0x25: {  	v25 =	vld [tilespmem:s23+$0xFFFFFC80];
	v43 =	vperm.xlane v22, v6;
	v26 =	vperm.xlane v23, v1  }
0x26: {  	v30 =	vld [tilespmem:s23+$0xFFFFFD00];
	v28 =	vperm.xlane v23, v2;
	v31 =	vmul.f32 v27, v17  }
0x27: {  	v32 =	vld [tilespmem:s23+$0xFFFFFD80];
	v33 =	vmul.f32 v29, v17;
	v34 =	vperm.xlane v23, v3  }
0x28: {  	v38 =	vld [tilespmem:s23+$0xFFFFFE00];
	v36 =	vperm.xlane v23, v4;
	v39 =	vmul.f32 v35, v17  }
0x29: {  	v53 =	vld [tilespmem:s23+$0xFFFFFC10];
	v41 =	vmul.f32 v37, v17;
	v52 =	vmul.f32 v42, v17  }
0x2a: {  	v57 =	vld [tilespmem:s23+$0xFFFFFC90];
	v56 =	vmul.f32 v43, v17;
	v44 =	vmul.f32 v27, v18  }
0x2b: {  	v40 =	vld [tilespmem:s23+$0xFFFFFE80];
	v47 =	vmul.f32 v29, v18;
	v48 =	vmul.f32 v35, v18  }
0x2c: {  	v59 =	vld [tilespmem:s23+$0xFFFFFD10];
	v49 =	vmul.f32 v37, v18;
	v24 =	vmul.f32 v24, v26  }
0x2d: {  	v61 =	vld [tilespmem:s23+$0xFFFFFD90];
	v25 =	vmul.f32 v25, v28;
	v30 =	vmul.f32 v30, v34  }
0x2e: {  	v62 =	vld [tilespmem:s23+$0xFFFFFE10];
	v32 =	vmul.f32 v32, v36;
	v63 =	vmul.f32 v53, v26  }
0x2f: {  	v45 =	vld [tilespmem:s23+$0xFFFFFE90];
	v46 =	vmul.f32 v57, v28;
	v53 =	vmul.f32 v43, v18  }
0x30: {  	v24 =	vadd.f32 v24, v31;
	v31 =	vperm.xlane v23, v5;
	v25 =	vadd.f32 v25, v33  }
0x31: {  	v33 =	vperm.xlane v23, v6;
	v50 =	vadd.f32 v30, v39;
	v30 =	vmul.f32 v59, v34  }
0x32: {  	v54 =	vadd.f32 v32, v41;
	v32 =	vmul.f32 v61, v36;
	[tilespmem:s23+$0xFFFFFC00] =	vst v24;
	v51 =	vmul.f32 v38, v31  }
0x33: {  	v57 =	vld [tilespmem:s23+$0xFFFFFDA0];
	[tilespmem:s23+$0xFFFFFC80] =	vst v25;
	v55 =	vmul.f32 v40, v33;
	v25 =	vadd.f32 v63, v44;
	v24 =	vmul.f32 v62, v31  }
0x34: {  	v40 =	vadd.f32 v46, v47;
	v39 =	vmul.f32 v45, v33;
	v63 =	vmul.f32 v29, v19  }
0x35: {  	v61 =	vld [tilespmem:s23+$0xFFFFFEA0];
	[tilespmem:s23+$0xFFFFFD00] =	vst v50;
	v50 =	vadd.f32 v30, v48;
	v44 =	vmul.f32 v35, v19;
	v45 =	vmul.f32 v37, v19  }
0x36: {  	[tilespmem:s23+$0xFFFFFD80] =	vst v54;
	v32 =	vadd.f32 v32, v49;
	v54 =	vld [tilespmem:s23+$0xFFFFFCA0];
	v46 =	vmul.f32 v42, v19;
	v48 =	vmul.f32 v43, v19  }
0x37: {  	v47 =	vld [tilespmem:s23+$0xFFFFFC30];
	v35 =	vmul.f32 v35, v20;
	v43 =	vmul.f32 v43, v20  }
0x38: {  	v49 =	vld [tilespmem:s23+$0xFFFFFCB0];
	v58 =	vadd.f32 v51, v52;
	v51 =	vmul.f32 v42, v18;
	[tilespmem:s23+$0xFFFFFD90] =	vst v32;
	v32 =	vmul.f32 v57, v36  }
0x39: {  	v60 =	vadd.f32 v55, v56;
	v52 =	vld [tilespmem:s23+$0xFFFFFC20];
	v57 =	vmul.f32 v29, v20;
	v42 =	vmul.f32 v42, v20  }
0x3a: {  	[tilespmem:s23+$0xFFFFFD10] =	vst v50;
	v55 =	vld [tilespmem:s23+$0xFFFFFD20];
	v56 =	vadd.f32 v39, v53;
	v29 =	vperm.xlane v23, v9;
	v39 =	vmul.f32 v61, v33  }
0x3b: {  	v50 =	vld [tilespmem:s23+$0xFFFFFD30];
	[tilespmem:s23+$0xFFFFFE80] =	vst v60;
	v60 =	vmul.f32 v27, v19;
	v62 =	vmul.f32 v54, v28  }
0x3c: {  	v61 =	vld [tilespmem:s23+$0xFFFFFF80];
	[tilespmem:s23+$0xFFFFFE00] =	vst v58;
	v38 =	vmul.f32 v47, v26;
	v54 =	vmul.f32 v27, v20  }
0x3d: {  	v24 =	vadd.f32 v24, v51;
	v58 =	vld [tilespmem:s23+$0xFFFFFE20];
	[tilespmem:s23+$0xFFFFFE90] =	vst v56;
	v56 =	vmul.f32 v49, v28;
	v28 =	vperm.xlane v22, v7  }
0x3e: {  	v53 =	vld [tilespmem:s23+$0xFFFFFE30];
	v51 =	vadd.f32 v39, v48;
	v27 =	vperm.xlane v23, v8;
	v39 =	vperm.xlane v22, v14  }
0x3f: {  	[tilespmem:s23+$0xFFFFFC10] =	vst v25;
	v59 =	vmul.f32 v52, v26;
	v25 =	vmul.f32 v55, v34  }
0x40: {  	v32 =	vadd.f32 v32, v45;
	v52 =	vld [tilespmem:s23+$0xFFFFFDB0];
	v34 =	vmul.f32 v50, v34;
	v26 =	vperm.xlane v22, v10  }
0x41: {  	[tilespmem:s23+$0xFFFFFC90] =	vst v40;
	v55 =	vld [tilespmem:s23+$0xFFFFFEB0];
	v38 =	vadd.f32 v38, v54;
	v54 =	vmul.f32 v39, v17;
	v48 =	vmul.f32 v61, v27  }
0x42: {  	[tilespmem:s23+$0xFFFFFE10] =	vst v24;
	v40 =	vadd.f32 v62, v63;
	v62 =	vld [tilespmem:s23+$0x0];
	v24 =	vmul.f32 v58, v31;
	v58 =	vmul.f32 v37, v20  }
0x43: {  	[tilespmem:s23+$0xFFFFFDA0] =	vst v32;
	v30 =	vadd.f32 v59, v60;
	v60 =	vmul.f32 v53, v31;
	v31 =	vperm.xlane v23, v7  }
0x44: {  	v25 =	vadd.f32 v25, v44;
	v41 =	vmul.f32 v26, v17;
	[tilespmem:s23+$0xFFFFFC30] =	vst v38;
	v38 =	vperm.xlane v23, v14  }
0x45: {  	[tilespmem:s23+$0xFFFFFC20] =	vst v30;
	v24 =	vadd.f32 v24, v46;
	v46 =	vmul.f32 v28, v17;
	v30 =	vperm.xlane v22, v9  }
0x46: {  	v47 =	vld [tilespmem:s23+$0x80];
	[tilespmem:s23+$0xFFFFFD20] =	vst v25;
	v25 =	vperm.xlane v23, v10;
	v32 =	vmul.f32 v52, v36  }
0x47: {  	[tilespmem:s23+$0xFFFFFEA0] =	vst v51;
	v59 =	vld [tilespmem:s23+$0xFFFFFF00];
	v44 =	vmul.f32 v55, v33;
	v51 =	vmul.f32 v62, v29  }
0x48: {  	v50 =	vld [tilespmem:s23+$0x100];
	v55 =	vadd.f32 v56, v57;
	v56 =	vadd.f32 v34, v35;
	v34 =	vperm.xlane v23, v11  }
0x49: {  	[tilespmem:s23+$0xFFFFFCA0] =	vst v40;
	v53 =	vld [tilespmem:s23+$0x280];
	v37 =	vadd.f32 v60, v42;
	v35 =	vperm.xlane v22, v11;
	v33 =	vperm.xlane v22, v12  }
0x4a: {  	[tilespmem:s23+$0xFFFFFE20] =	vst v24;
	v24 =	vperm.xlane v22, v8;
	v52 =	vmul.f32 v30, v17  }
0x4b: {  	v63 =	vld [tilespmem:s23+$0x180];
	v40 =	vmul.f32 v47, v25;
	[tilespmem:s23+$0xFFFFFE30] =	vst v37;
	v37 =	vperm.xlane v22, v13  }
0x4c: {  	v45 =	vmul.f32 v59, v31;
	[tilespmem:s23+$0xFFFFFCB0] =	vst v55;
	v36 =	vadd.f32 v32, v58;
	v32 =	vperm.xlane v23, v12  }
0x4d: {  	v57 =	vld [tilespmem:s23+$0x200];
	[tilespmem:s23+$0xFFFFFD30] =	vst v56;
	v42 =	vmul.f32 v50, v34;
	v50 =	vmul.f32 v35, v17;
	v58 =	vadd.f32 v44, v43  }
0x4e: {  	v60 =	vld [tilespmem:s23+$0x300];
	v44 =	vmul.f32 v33, v17;
	v53 =	vmul.f32 v53, v38;
	v61 =	vadd.f32 v51, v52;
	[tilespmem:s23+$0xFFFFFDB0] =	vst v36  }
0x4f: {  	v55 =	vld [tilespmem:s23+$0xFFFFFF90];
	v49 =	vmul.f32 v24, v17;
	v62 =	vmul.f32 v37, v17;
	v45 =	vadd.f32 v45, v46;
	[tilespmem:s23+$0xFFFFFEB0] =	vst v58  }
0x50: {  	v43 =	vmul.f32 v63, v32;
	v36 =	vperm.xlane v23, v13;
	v63 =	vld [tilespmem:s23+$0x380];
	v58 =	vadd.f32 v40, v41;
	[tilespmem:s23+$0x0] =	vst v61  }
0x51: {  	v42 =	vadd.f32 v42, v50;
	v40 =	vperm.xlane v23, v15;
	v41 =	vperm.xlane v22, v15;
	v50 =	vld [tilespmem:s23+$0x3B0];
	[tilespmem:s23+$0xFFFFFF00] =	vst v45  }
0x52: {  	v22 =	vperm.xlane v22, v16;
	v59 =	vadd.f32 v48, v49;
	v47 =	vmul.f32 v57, v36;
	v57 =	vld [tilespmem:s23+$0xFFFFFF10];
	[tilespmem:s23+$0x80] =	vst v58  }
0x53: {  	v23 =	vperm.xlane v23, v16;
	v43 =	vadd.f32 v43, v44;
	v44 =	vld [tilespmem:s23+$0x10];
	[tilespmem:s23+$0x100] =	vst v42;
	v60 =	vmul.f32 v60, v40  }
0x54: {  	v42 =	vld [tilespmem:s23+$0x90];
	v61 =	vmul.f32 v41, v17;
	v56 =	vmul.f32 v22, v17;
	[tilespmem:s23+$0xFFFFFF80] =	vst v59;
	v59 =	vadd.f32 v47, v62  }
0x55: {  	v58 =	vmul.f32 v28, v18;
	[tilespmem:s23+$0x180] =	vst v43;
	v43 =	vld [tilespmem:s23+$0x110];
	v62 =	vadd.f32 v53, v54;
	v63 =	vmul.f32 v63, v23  }
0x56: {  	v46 =	vadd.f32 v60, v61;
	v47 =	vld [tilespmem:s23+$0x190];
	v60 =	vmul.f32 v24, v18;
	[tilespmem:s23+$0x200] =	vst v59;
	v59 =	vmul.f32 v55, v27  }
0x57: {  	v61 =	vld [tilespmem:s23+$0x210];
	v53 =	vmul.f32 v33, v20;
	[tilespmem:s23+$0x280] =	vst v62;
	v57 =	vmul.f32 v57, v31;
	v49 =	vadd.f32 v63, v56  }
0x58: {  	v62 =	vmul.f32 v30, v18;
	[tilespmem:s23+$0x300] =	vst v46;
	v46 =	vld [tilespmem:s23+$0x290];
	v44 =	vmul.f32 v44, v29;
	v48 =	vadd.f32 v59, v60  }
0x59: {  	v42 =	vmul.f32 v42, v25;
	v63 =	vmul.f32 v26, v18;
	v45 =	vadd.f32 v57, v58;
	[tilespmem:s23+$0x380] =	vst v49;
	v49 =	vld [tilespmem:s23+$0x310]  }
0x5a: {  	v56 =	vmul.f32 v35, v18;
	v44 =	vadd.f32 v44, v62;
	v43 =	vmul.f32 v43, v34;
	v57 =	vld [tilespmem:s23+$0x390];
	[tilespmem:s23+$0xFFFFFF90] =	vst v48  }
0x5b: {  	v59 =	vmul.f32 v33, v18;
	v58 =	vld [tilespmem:s23+$0xFFFFFF20];
	v42 =	vadd.f32 v42, v63;
	v47 =	vmul.f32 v47, v32;
	[tilespmem:s23+$0xFFFFFF10] =	vst v45  }
0x5c: {  	v60 =	vmul.f32 v61, v36;
	v61 =	vmul.f32 v37, v18;
	v62 =	vld [tilespmem:s23+$0x20];
	[tilespmem:s23+$0x10] =	vst v44;
	v43 =	vadd.f32 v43, v56  }
0x5d: {  	v63 =	vmul.f32 v39, v18;
	v44 =	vld [tilespmem:s23+$0xFFFFFFA0];
	[tilespmem:s23+$0x90] =	vst v42;
	v47 =	vadd.f32 v47, v59;
	v46 =	vmul.f32 v46, v38  }
0x5e: {  	v45 =	vadd.f32 v60, v61;
	v56 =	vmul.f32 v41, v18;
	v61 =	vld [tilespmem:s23+$0x220];
	[tilespmem:s23+$0x110] =	vst v43;
	v49 =	vmul.f32 v49, v40  }
0x5f: {  	v43 =	vld [tilespmem:s23+$0xA0];
	[tilespmem:s23+$0x190] =	vst v47;
	v46 =	vadd.f32 v46, v63;
	v51 =	vmul.f32 v57, v23;
	v57 =	vmul.f32 v22, v18  }
0x60: {  	v47 =	vld [tilespmem:s23+$0x120];
	[tilespmem:s23+$0x210] =	vst v45;
	v48 =	vmul.f32 v58, v31;
	v58 =	vmul.f32 v28, v19;
	v49 =	vadd.f32 v49, v56  }
0x61: {  	v59 =	vld [tilespmem:s23+$0x1A0];
	v42 =	vmul.f32 v62, v29;
	v62 =	vmul.f32 v30, v19;
	[tilespmem:s23+$0x290] =	vst v46;
	v51 =	vadd.f32 v51, v57  }
0x62: {  	v60 =	vmul.f32 v24, v19;
	v63 =	vld [tilespmem:s23+$0x2A0];
	v44 =	vmul.f32 v44, v27;
	v45 =	vadd.f32 v48, v58;
	[tilespmem:s23+$0x310] =	vst v49  }
0x63: {  	v42 =	vadd.f32 v42, v62;
	v48 =	vld [tilespmem:s23+$0x3A0];
	v61 =	vmul.f32 v61, v36;
	v62 =	vmul.f32 v37, v19;
	[tilespmem:s23+$0x390] =	vst v51  }
0x64: {  	v56 =	vmul.f32 v26, v19;
	v44 =	vadd.f32 v44, v60;
	v43 =	vmul.f32 v43, v25;
	v51 =	vld [tilespmem:s23+$0x320];
	[tilespmem:s23+$0xFFFFFF20] =	vst v45  }
0x65: {  	v58 =	vmul.f32 v35, v19;
	v57 =	vmul.f32 v47, v34;
	[tilespmem:s23+$0x20] =	vst v42;
	v42 =	vld [tilespmem:s23+$0xFFFFFFB0];
	v47 =	vadd.f32 v61, v62  }
0x66: {  	v59 =	vmul.f32 v59, v32;
	v60 =	vmul.f32 v33, v19;
	v61 =	vld [tilespmem:s23+$0x1B0];
	[tilespmem:s23+$0xFFFFFFA0] =	vst v44;
	v43 =	vadd.f32 v43, v56  }
0x67: {  	v49 =	vmul.f32 v63, v38;
	v63 =	vmul.f32 v39, v19;
	v44 =	vld [tilespmem:s23+$0xFFFFFF30];
	v45 =	vadd.f32 v57, v58;
	[tilespmem:s23+$0x220] =	vst v47  }
0x68: {  	v46 =	vadd.f32 v59, v60;
	v56 =	vld [tilespmem:s23+$0xB0];
	v59 =	vmul.f32 v22, v19;
	v48 =	vmul.f32 v48, v23;
	[tilespmem:s23+$0xA0] =	vst v43  }
0x69: {  	v49 =	vadd.f32 v49, v63;
	v22 =	vmul.f32 v22, v20;
	v23 =	vmul.f32 v50, v23;
	v43 =	vld [tilespmem:s23+$0x30];
	[tilespmem:s23+$0x120] =	vst v45  }
0x6a: {  	v57 =	vmul.f32 v41, v19;
	v58 =	vld [tilespmem:s23+$0x130];
	[tilespmem:s23+$0x1A0] =	vst v46;
	v51 =	vmul.f32 v51, v40;
	v62 =	vadd.f32 v48, v59  }
0x6b: {  	v24 =	vmul.f32 v24, v20;
	v63 =	vld [tilespmem:s23+$0x230];
	[tilespmem:s23+$0x2A0] =	vst v49;
	v27 =	vmul.f32 v42, v27;
	v22 =	vadd.f32 v23, v22  }
0x6c: {  	v28 =	vmul.f32 v28, v20;
	v52 =	vmul.f32 v61, v32;
	v60 =	vadd.f32 v51, v57;
	[tilespmem:s23+$0x3A0] =	vst v62  }
0x6d: {  	v26 =	vmul.f32 v26, v20;
	v31 =	vmul.f32 v44, v31;
	v24 =	vadd.f32 v27, v24;
	v44 =	vld [tilespmem:s23+$0x330];
	[tilespmem:s23+$0x3B0] =	vst v22  }
0x6e: {  	v25 =	vmul.f32 v56, v25;
	v57 =	vadd.f32 v52, v53;
	v29 =	vmul.f32 v43, v29;
	[tilespmem:s23+$0x320] =	vst v60;
	v43 =	vld [tilespmem:s23+$0x2B0]  }
0x6f: {  	v49 =	vmul.f32 v35, v20;
	v46 =	vmul.f32 v58, v34;
	v28 =	vadd.f32 v31, v28;
	[tilespmem:s23+$0xFFFFFFB0] =	vst v24  }
0x70: {  	v55 =	vmul.f32 v63, v36;
	v56 =	vmul.f32 v37, v20;
	v51 =	vadd.f32 v25, v26;
	[tilespmem:s23+$0x1B0] =	vst v57  }
0x71: {  	v30 =	vmul.f32 v30, v20;
	v54 =	vadd.f32 v46, v49;
	[tilespmem:s23+$0xFFFFFF30] =	vst v28  }
0x72: {  	p0 =	sne.s32 s22, $0x3C0;
	v61 =	vmul.f32 v41, v20;
	v60 =	vadd.f32 v55, v56;
	[tilespmem:s23+$0xB0] =	vst v51;
	v27 =	vmul.f32 v44, v40  }
.Ltmp0:
0x73: {  	v59 =	vmul.f32 v39, v20;
	v45 =	vadd.f32 v29, v30;
	[tilespmem:s23+$0x130] =	vst v54;
	v58 =	vmul.f32 v43, v38;
	(pc) =	sbr.rel @p0 .LBB2_3-.Ltmp0, $4  }
0x74: {  	[tilespmem:s23+$0x230] =	vst v60;
	v63 =	vadd.f32 v27, v61  }
0x75: {  	[tilespmem:s23+$0x30] =	vst v45;
	v62 =	vadd.f32 v58, v59  }
0x76: {  	[tilespmem:s23+$0x330] =	vst v63  }
0x77: {  	s22 =	sadd.s32 $0x40, s22;
	[tilespmem:s23+$0x2B0] =	vst v62;
	s23 =	sadd.s32 $0x800, s23  }
0x78: {  	s21 =	sadd.s32 s4, s21  }
0x79: {  	s21 =	sshll.u32 s21, $0x3  }
0x7a: {  	s22 =	simm.s32 $0x6400;
	s21 =	sadd.s32 s3, s21  }
0x7b: {  	s23 =	simm.s32 $0x8;
	s24 =	simm.s32 $0x6480;
	s25 =	sadd.s32 $0x0, s21  }
.LBB2_5:
0x7c: {  	[hbm4b:s25+s5] =	stream.linear.scatter [tilespmem:s22], [sflag:$0x3], $0x40, $0x38;
	[tilespmem:$0x16440] =	vst v63  }
0x7d: {  	s25 =	smov.u32 s23;
	s22 =	smov.u32 s24;
	p0 =	sne.s32 s23, $0x7F8  }
.Ltmp1:
0x7e: {  	s23 =	sadd.s32 $0x8, s23;
	(pc) =	sbr.rel @p0 .LBB2_5-.Ltmp1, $2  }
0x7f: {  	_ =	sdelay $0x2  }
0x80: {  	s24 =	sadd.s32 $0x80, s24;
	s25 =	sadd.s32 s25, s21  }
0x81: {  	[hbm4b:s25+s5] =	stream.linear.scatter [tilespmem:s22], [sflag:$0x3], $0x40, $0x38;
	[tilespmem:$0x16440] =	vst v63  }
0x82: {  	p0 =	seq.s32 s20, $0x31  }
0x83: {  	_ =	swait.ge [sflag:s9], $0x4000;
	s21 =	sshll.u32 @!p0 s20, $0x9  }
0x84: {  	s22 =	simm.s32 @!p0 $0x100;
	[sflag:s9] =	ssyncset.done $0x0;
	s21 =	sand.u32 @!p0 $0x3FFFFE00, s21  }
0x85: {  	s23 =	simm.s32 @!p0 $0x6400;
	[sflag:s9] =	ssyncadd.s32 $0xFFFFC000;
	s21 =	sadd.s32 @!p0 $0x200, s21  }
0x86: {  	v21 =	vmov s17;
	[tilespmem:s23], [sflag:$0x1] =	stream.indirect.gather @!p0 [hbm4b:s6+s22], $0x80, s21, s22, $0xb8;
	[tilespmem:$0x16440] =	vst v63  }
0x87: {  	_ =	swait.ge [sflag:s15], $0x8000  }
0x88: {  	s20 =	sadd.s32 $0x1, s20;
	[sflag:s15] =	ssyncset.done $0x0  }
0x89: {  	s21 =	simm.s32 $0x0;
	s22 =	simm.s32 $0xE800;
	[sflag:s15] =	ssyncadd.s32 $0xFFFF8000  }
.LBB2_7:
0x8a: {  	s23 =	sshra.s32 s21, $0x2  }
0x8b: {  	v22 =	vld.idx.msk [tilespmem:v21+s23+$0x0 ss:$0x1], $0xffff;
	_ =	sdelay $0x4  }
0x8c: {  	vm0 =	veq.s32 v22, $0x3E800  }
0x8d: {  	v22 =	vsel vm0, $0x3F800000, v0  }
0x8e: {  	v27 =	vperm.xlane v22, v1  }
0x8f: {  	v23 =	vsub.f32 $1.000000000e+00, v22;
	v29 =	vperm.xlane v22, v2;
	v35 =	vperm.xlane v22, v3  }
0x90: {  	v24 =	vld [tilespmem:s22+$0xFFFFFC00];
	v37 =	vperm.xlane v22, v4;
	v42 =	vperm.xlane v22, v5  }
0x91: {  	v25 =	vld [tilespmem:s22+$0xFFFFFC80];
	v43 =	vperm.xlane v22, v6;
	v26 =	vperm.xlane v23, v1  }
0x92: {  	v30 =	vld [tilespmem:s22+$0xFFFFFD00];
	v28 =	vperm.xlane v23, v2;
	v31 =	vmul.f32 v27, v17  }
0x93: {  	v32 =	vld [tilespmem:s22+$0xFFFFFD80];
	v33 =	vmul.f32 v29, v17;
	v34 =	vperm.xlane v23, v3  }
0x94: {  	v38 =	vld [tilespmem:s22+$0xFFFFFE00];
	v36 =	vperm.xlane v23, v4;
	v39 =	vmul.f32 v35, v17  }
0x95: {  	v53 =	vld [tilespmem:s22+$0xFFFFFC10];
	v41 =	vmul.f32 v37, v17;
	v52 =	vmul.f32 v42, v17  }
0x96: {  	v57 =	vld [tilespmem:s22+$0xFFFFFC90];
	v56 =	vmul.f32 v43, v17;
	v44 =	vmul.f32 v27, v18  }
0x97: {  	v40 =	vld [tilespmem:s22+$0xFFFFFE80];
	v47 =	vmul.f32 v29, v18;
	v48 =	vmul.f32 v35, v18  }
0x98: {  	v59 =	vld [tilespmem:s22+$0xFFFFFD10];
	v49 =	vmul.f32 v37, v18;
	v24 =	vmul.f32 v24, v26  }
0x99: {  	v61 =	vld [tilespmem:s22+$0xFFFFFD90];
	v25 =	vmul.f32 v25, v28;
	v30 =	vmul.f32 v30, v34  }
0x9a: {  	v62 =	vld [tilespmem:s22+$0xFFFFFE10];
	v32 =	vmul.f32 v32, v36;
	v63 =	vmul.f32 v53, v26  }
0x9b: {  	v45 =	vld [tilespmem:s22+$0xFFFFFE90];
	v46 =	vmul.f32 v57, v28;
	v53 =	vmul.f32 v43, v18  }
0x9c: {  	v24 =	vadd.f32 v24, v31;
	v31 =	vperm.xlane v23, v5;
	v25 =	vadd.f32 v25, v33  }
0x9d: {  	v33 =	vperm.xlane v23, v6;
	v50 =	vadd.f32 v30, v39;
	v30 =	vmul.f32 v59, v34  }
0x9e: {  	v54 =	vadd.f32 v32, v41;
	v32 =	vmul.f32 v61, v36;
	[tilespmem:s22+$0xFFFFFC00] =	vst v24;
	v51 =	vmul.f32 v38, v31  }
0x9f: {  	v57 =	vld [tilespmem:s22+$0xFFFFFDA0];
	[tilespmem:s22+$0xFFFFFC80] =	vst v25;
	v55 =	vmul.f32 v40, v33;
	v25 =	vadd.f32 v63, v44;
	v24 =	vmul.f32 v62, v31  }
0xa0: {  	v40 =	vadd.f32 v46, v47;
	v39 =	vmul.f32 v45, v33;
	v63 =	vmul.f32 v29, v19  }
0xa1: {  	v61 =	vld [tilespmem:s22+$0xFFFFFEA0];
	[tilespmem:s22+$0xFFFFFD00] =	vst v50;
	v50 =	vadd.f32 v30, v48;
	v44 =	vmul.f32 v35, v19;
	v45 =	vmul.f32 v37, v19  }
0xa2: {  	[tilespmem:s22+$0xFFFFFD80] =	vst v54;
	v32 =	vadd.f32 v32, v49;
	v54 =	vld [tilespmem:s22+$0xFFFFFCA0];
	v46 =	vmul.f32 v42, v19;
	v48 =	vmul.f32 v43, v19  }
0xa3: {  	v47 =	vld [tilespmem:s22+$0xFFFFFC30];
	v35 =	vmul.f32 v35, v20;
	v43 =	vmul.f32 v43, v20  }
0xa4: {  	v49 =	vld [tilespmem:s22+$0xFFFFFCB0];
	v58 =	vadd.f32 v51, v52;
	v51 =	vmul.f32 v42, v18;
	[tilespmem:s22+$0xFFFFFD90] =	vst v32;
	v32 =	vmul.f32 v57, v36  }
0xa5: {  	v60 =	vadd.f32 v55, v56;
	v52 =	vld [tilespmem:s22+$0xFFFFFC20];
	v57 =	vmul.f32 v29, v20;
	v42 =	vmul.f32 v42, v20  }
0xa6: {  	[tilespmem:s22+$0xFFFFFD10] =	vst v50;
	v55 =	vld [tilespmem:s22+$0xFFFFFD20];
	v56 =	vadd.f32 v39, v53;
	v29 =	vperm.xlane v23, v9;
	v39 =	vmul.f32 v61, v33  }
0xa7: {  	v50 =	vld [tilespmem:s22+$0xFFFFFD30];
	[tilespmem:s22+$0xFFFFFE80] =	vst v60;
	v60 =	vmul.f32 v27, v19;
	v62 =	vmul.f32 v54, v28  }
0xa8: {  	v61 =	vld [tilespmem:s22+$0xFFFFFF80];
	[tilespmem:s22+$0xFFFFFE00] =	vst v58;
	v38 =	vmul.f32 v47, v26;
	v54 =	vmul.f32 v27, v20  }
0xa9: {  	v24 =	vadd.f32 v24, v51;
	v58 =	vld [tilespmem:s22+$0xFFFFFE20];
	[tilespmem:s22+$0xFFFFFE90] =	vst v56;
	v56 =	vmul.f32 v49, v28;
	v28 =	vperm.xlane v22, v7  }
0xaa: {  	v53 =	vld [tilespmem:s22+$0xFFFFFE30];
	v51 =	vadd.f32 v39, v48;
	v27 =	vperm.xlane v23, v8;
	v39 =	vperm.xlane v22, v14  }
0xab: {  	[tilespmem:s22+$0xFFFFFC10] =	vst v25;
	v59 =	vmul.f32 v52, v26;
	v25 =	vmul.f32 v55, v34  }
0xac: {  	v32 =	vadd.f32 v32, v45;
	v52 =	vld [tilespmem:s22+$0xFFFFFDB0];
	v34 =	vmul.f32 v50, v34;
	v26 =	vperm.xlane v22, v10  }
0xad: {  	[tilespmem:s22+$0xFFFFFC90] =	vst v40;
	v55 =	vld [tilespmem:s22+$0xFFFFFEB0];
	v38 =	vadd.f32 v38, v54;
	v54 =	vmul.f32 v39, v17;
	v48 =	vmul.f32 v61, v27  }
0xae: {  	[tilespmem:s22+$0xFFFFFE10] =	vst v24;
	v40 =	vadd.f32 v62, v63;
	v62 =	vld [tilespmem:s22+$0x0];
	v24 =	vmul.f32 v58, v31;
	v58 =	vmul.f32 v37, v20  }
0xaf: {  	[tilespmem:s22+$0xFFFFFDA0] =	vst v32;
	v30 =	vadd.f32 v59, v60;
	v60 =	vmul.f32 v53, v31;
	v31 =	vperm.xlane v23, v7  }
0xb0: {  	v25 =	vadd.f32 v25, v44;
	v41 =	vmul.f32 v26, v17;
	[tilespmem:s22+$0xFFFFFC30] =	vst v38;
	v38 =	vperm.xlane v23, v14  }
0xb1: {  	[tilespmem:s22+$0xFFFFFC20] =	vst v30;
	v24 =	vadd.f32 v24, v46;
	v46 =	vmul.f32 v28, v17;
	v30 =	vperm.xlane v22, v9  }
0xb2: {  	v47 =	vld [tilespmem:s22+$0x80];
	[tilespmem:s22+$0xFFFFFD20] =	vst v25;
	v25 =	vperm.xlane v23, v10;
	v32 =	vmul.f32 v52, v36  }
0xb3: {  	[tilespmem:s22+$0xFFFFFEA0] =	vst v51;
	v59 =	vld [tilespmem:s22+$0xFFFFFF00];
	v44 =	vmul.f32 v55, v33;
	v51 =	vmul.f32 v62, v29  }
0xb4: {  	v50 =	vld [tilespmem:s22+$0x100];
	v55 =	vadd.f32 v56, v57;
	v56 =	vadd.f32 v34, v35;
	v34 =	vperm.xlane v23, v11  }
0xb5: {  	[tilespmem:s22+$0xFFFFFCA0] =	vst v40;
	v53 =	vld [tilespmem:s22+$0x280];
	v37 =	vadd.f32 v60, v42;
	v35 =	vperm.xlane v22, v11;
	v33 =	vperm.xlane v22, v12  }
0xb6: {  	[tilespmem:s22+$0xFFFFFE20] =	vst v24;
	v24 =	vperm.xlane v22, v8;
	v52 =	vmul.f32 v30, v17  }
0xb7: {  	v63 =	vld [tilespmem:s22+$0x180];
	v40 =	vmul.f32 v47, v25;
	[tilespmem:s22+$0xFFFFFE30] =	vst v37;
	v37 =	vperm.xlane v22, v13  }
0xb8: {  	v45 =	vmul.f32 v59, v31;
	[tilespmem:s22+$0xFFFFFCB0] =	vst v55;
	v36 =	vadd.f32 v32, v58;
	v32 =	vperm.xlane v23, v12  }
0xb9: {  	v57 =	vld [tilespmem:s22+$0x200];
	[tilespmem:s22+$0xFFFFFD30] =	vst v56;
	v42 =	vmul.f32 v50, v34;
	v50 =	vmul.f32 v35, v17;
	v58 =	vadd.f32 v44, v43  }
0xba: {  	v60 =	vld [tilespmem:s22+$0x300];
	v44 =	vmul.f32 v33, v17;
	v53 =	vmul.f32 v53, v38;
	v61 =	vadd.f32 v51, v52;
	[tilespmem:s22+$0xFFFFFDB0] =	vst v36  }
0xbb: {  	v55 =	vld [tilespmem:s22+$0xFFFFFF90];
	v49 =	vmul.f32 v24, v17;
	v62 =	vmul.f32 v37, v17;
	v45 =	vadd.f32 v45, v46;
	[tilespmem:s22+$0xFFFFFEB0] =	vst v58  }
0xbc: {  	v43 =	vmul.f32 v63, v32;
	v36 =	vperm.xlane v23, v13;
	v63 =	vld [tilespmem:s22+$0x380];
	v58 =	vadd.f32 v40, v41;
	[tilespmem:s22+$0x0] =	vst v61  }
0xbd: {  	v42 =	vadd.f32 v42, v50;
	v40 =	vperm.xlane v23, v15;
	v41 =	vperm.xlane v22, v15;
	v50 =	vld [tilespmem:s22+$0x3B0];
	[tilespmem:s22+$0xFFFFFF00] =	vst v45  }
0xbe: {  	v22 =	vperm.xlane v22, v16;
	v59 =	vadd.f32 v48, v49;
	v47 =	vmul.f32 v57, v36;
	v57 =	vld [tilespmem:s22+$0xFFFFFF10];
	[tilespmem:s22+$0x80] =	vst v58  }
0xbf: {  	v23 =	vperm.xlane v23, v16;
	v43 =	vadd.f32 v43, v44;
	v44 =	vld [tilespmem:s22+$0x10];
	[tilespmem:s22+$0x100] =	vst v42;
	v60 =	vmul.f32 v60, v40  }
0xc0: {  	v42 =	vld [tilespmem:s22+$0x90];
	v61 =	vmul.f32 v41, v17;
	v56 =	vmul.f32 v22, v17;
	[tilespmem:s22+$0xFFFFFF80] =	vst v59;
	v59 =	vadd.f32 v47, v62  }
0xc1: {  	v58 =	vmul.f32 v28, v18;
	[tilespmem:s22+$0x180] =	vst v43;
	v43 =	vld [tilespmem:s22+$0x110];
	v62 =	vadd.f32 v53, v54;
	v63 =	vmul.f32 v63, v23  }
0xc2: {  	v46 =	vadd.f32 v60, v61;
	v47 =	vld [tilespmem:s22+$0x190];
	v60 =	vmul.f32 v24, v18;
	[tilespmem:s22+$0x200] =	vst v59;
	v59 =	vmul.f32 v55, v27  }
0xc3: {  	v61 =	vld [tilespmem:s22+$0x210];
	v53 =	vmul.f32 v33, v20;
	[tilespmem:s22+$0x280] =	vst v62;
	v57 =	vmul.f32 v57, v31;
	v49 =	vadd.f32 v63, v56  }
0xc4: {  	v62 =	vmul.f32 v30, v18;
	[tilespmem:s22+$0x300] =	vst v46;
	v46 =	vld [tilespmem:s22+$0x290];
	v44 =	vmul.f32 v44, v29;
	v48 =	vadd.f32 v59, v60  }
0xc5: {  	v42 =	vmul.f32 v42, v25;
	v63 =	vmul.f32 v26, v18;
	v45 =	vadd.f32 v57, v58;
	[tilespmem:s22+$0x380] =	vst v49;
	v49 =	vld [tilespmem:s22+$0x310]  }
0xc6: {  	v56 =	vmul.f32 v35, v18;
	v44 =	vadd.f32 v44, v62;
	v43 =	vmul.f32 v43, v34;
	v57 =	vld [tilespmem:s22+$0x390];
	[tilespmem:s22+$0xFFFFFF90] =	vst v48  }
0xc7: {  	v59 =	vmul.f32 v33, v18;
	v58 =	vld [tilespmem:s22+$0xFFFFFF20];
	v42 =	vadd.f32 v42, v63;
	v47 =	vmul.f32 v47, v32;
	[tilespmem:s22+$0xFFFFFF10] =	vst v45  }
0xc8: {  	v60 =	vmul.f32 v61, v36;
	v61 =	vmul.f32 v37, v18;
	v62 =	vld [tilespmem:s22+$0x20];
	[tilespmem:s22+$0x10] =	vst v44;
	v43 =	vadd.f32 v43, v56  }
0xc9: {  	v63 =	vmul.f32 v39, v18;
	v44 =	vld [tilespmem:s22+$0xFFFFFFA0];
	[tilespmem:s22+$0x90] =	vst v42;
	v47 =	vadd.f32 v47, v59;
	v46 =	vmul.f32 v46, v38  }
0xca: {  	v45 =	vadd.f32 v60, v61;
	v56 =	vmul.f32 v41, v18;
	v61 =	vld [tilespmem:s22+$0x220];
	[tilespmem:s22+$0x110] =	vst v43;
	v49 =	vmul.f32 v49, v40  }
0xcb: {  	v43 =	vld [tilespmem:s22+$0xA0];
	[tilespmem:s22+$0x190] =	vst v47;
	v46 =	vadd.f32 v46, v63;
	v51 =	vmul.f32 v57, v23;
	v57 =	vmul.f32 v22, v18  }
0xcc: {  	v47 =	vld [tilespmem:s22+$0x120];
	[tilespmem:s22+$0x210] =	vst v45;
	v48 =	vmul.f32 v58, v31;
	v58 =	vmul.f32 v28, v19;
	v49 =	vadd.f32 v49, v56  }
0xcd: {  	v59 =	vld [tilespmem:s22+$0x1A0];
	v42 =	vmul.f32 v62, v29;
	v62 =	vmul.f32 v30, v19;
	[tilespmem:s22+$0x290] =	vst v46;
	v51 =	vadd.f32 v51, v57  }
0xce: {  	v60 =	vmul.f32 v24, v19;
	v63 =	vld [tilespmem:s22+$0x2A0];
	v44 =	vmul.f32 v44, v27;
	v45 =	vadd.f32 v48, v58;
	[tilespmem:s22+$0x310] =	vst v49  }
0xcf: {  	v42 =	vadd.f32 v42, v62;
	v48 =	vld [tilespmem:s22+$0x3A0];
	v61 =	vmul.f32 v61, v36;
	v62 =	vmul.f32 v37, v19;
	[tilespmem:s22+$0x390] =	vst v51  }
0xd0: {  	v56 =	vmul.f32 v26, v19;
	v44 =	vadd.f32 v44, v60;
	v43 =	vmul.f32 v43, v25;
	v51 =	vld [tilespmem:s22+$0x320];
	[tilespmem:s22+$0xFFFFFF20] =	vst v45  }
0xd1: {  	v58 =	vmul.f32 v35, v19;
	v57 =	vmul.f32 v47, v34;
	[tilespmem:s22+$0x20] =	vst v42;
	v42 =	vld [tilespmem:s22+$0xFFFFFFB0];
	v47 =	vadd.f32 v61, v62  }
0xd2: {  	v59 =	vmul.f32 v59, v32;
	v60 =	vmul.f32 v33, v19;
	v61 =	vld [tilespmem:s22+$0x1B0];
	[tilespmem:s22+$0xFFFFFFA0] =	vst v44;
	v43 =	vadd.f32 v43, v56  }
0xd3: {  	v49 =	vmul.f32 v63, v38;
	v63 =	vmul.f32 v39, v19;
	v44 =	vld [tilespmem:s22+$0xFFFFFF30];
	v45 =	vadd.f32 v57, v58;
	[tilespmem:s22+$0x220] =	vst v47  }
0xd4: {  	v46 =	vadd.f32 v59, v60;
	v56 =	vld [tilespmem:s22+$0xB0];
	v59 =	vmul.f32 v22, v19;
	v48 =	vmul.f32 v48, v23;
	[tilespmem:s22+$0xA0] =	vst v43  }
0xd5: {  	v49 =	vadd.f32 v49, v63;
	v22 =	vmul.f32 v22, v20;
	v23 =	vmul.f32 v50, v23;
	v43 =	vld [tilespmem:s22+$0x30];
	[tilespmem:s22+$0x120] =	vst v45  }
0xd6: {  	v57 =	vmul.f32 v41, v19;
	v58 =	vld [tilespmem:s22+$0x130];
	[tilespmem:s22+$0x1A0] =	vst v46;
	v51 =	vmul.f32 v51, v40;
	v62 =	vadd.f32 v48, v59  }
0xd7: {  	v24 =	vmul.f32 v24, v20;
	v63 =	vld [tilespmem:s22+$0x230];
	[tilespmem:s22+$0x2A0] =	vst v49;
	v27 =	vmul.f32 v42, v27;
	v22 =	vadd.f32 v23, v22  }
0xd8: {  	v28 =	vmul.f32 v28, v20;
	v52 =	vmul.f32 v61, v32;
	v60 =	vadd.f32 v51, v57;
	[tilespmem:s22+$0x3A0] =	vst v62  }
0xd9: {  	v26 =	vmul.f32 v26, v20;
	v31 =	vmul.f32 v44, v31;
	v24 =	vadd.f32 v27, v24;
	v44 =	vld [tilespmem:s22+$0x330];
	[tilespmem:s22+$0x3B0] =	vst v22  }
0xda: {  	v25 =	vmul.f32 v56, v25;
	v57 =	vadd.f32 v52, v53;
	v29 =	vmul.f32 v43, v29;
	[tilespmem:s22+$0x320] =	vst v60;
	v43 =	vld [tilespmem:s22+$0x2B0]  }
0xdb: {  	v49 =	vmul.f32 v35, v20;
	v46 =	vmul.f32 v58, v34;
	v28 =	vadd.f32 v31, v28;
	[tilespmem:s22+$0xFFFFFFB0] =	vst v24  }
0xdc: {  	v55 =	vmul.f32 v63, v36;
	v56 =	vmul.f32 v37, v20;
	v51 =	vadd.f32 v25, v26;
	[tilespmem:s22+$0x1B0] =	vst v57  }
0xdd: {  	v30 =	vmul.f32 v30, v20;
	v54 =	vadd.f32 v46, v49;
	[tilespmem:s22+$0xFFFFFF30] =	vst v28  }
0xde: {  	p0 =	sne.s32 s21, $0x3C0;
	v61 =	vmul.f32 v41, v20;
	v60 =	vadd.f32 v55, v56;
	[tilespmem:s22+$0xB0] =	vst v51;
	v27 =	vmul.f32 v44, v40  }
.Ltmp2:
0xdf: {  	v59 =	vmul.f32 v39, v20;
	v45 =	vadd.f32 v29, v30;
	[tilespmem:s22+$0x130] =	vst v54;
	v58 =	vmul.f32 v43, v38;
	(pc) =	sbr.rel @p0 .LBB2_7-.Ltmp2, $4  }
0xe0: {  	[tilespmem:s22+$0x230] =	vst v60;
	v63 =	vadd.f32 v27, v61  }
0xe1: {  	[tilespmem:s22+$0x30] =	vst v45;
	v62 =	vadd.f32 v58, v59  }
0xe2: {  	[tilespmem:s22+$0x330] =	vst v63  }
0xe3: {  	s21 =	sadd.s32 $0x40, s21;
	[tilespmem:s22+$0x2B0] =	vst v62;
	s22 =	sadd.s32 $0x800, s22  }
0xe4: {  	s19 =	sadd.s32 s4, s19  }
0xe5: {  	s19 =	sshll.u32 s19, $0x3  }
0xe6: {  	s19 =	sand.u32 $0x1FFFF800, s19  }
0xe7: {  	s21 =	simm.s32 $0xE400;
	s19 =	sadd.s32 s3, s19  }
0xe8: {  	s22 =	simm.s32 $0x8;
	s23 =	simm.s32 $0xE480;
	s24 =	sadd.s32 $0x0, s19  }
.LBB2_9:
0xe9: {  	[hbm4b:s24+s5] =	stream.linear.scatter [tilespmem:s21], [sflag:$0x3], $0x40, $0x38;
	[tilespmem:$0x16440] =	vst v63  }
0xea: {  	s24 =	smov.u32 s22;
	s21 =	smov.u32 s23;
	p0 =	sne.s32 s22, $0x7F8  }
.Ltmp3:
0xeb: {  	s22 =	sadd.s32 $0x8, s22;
	(pc) =	sbr.rel @p0 .LBB2_9-.Ltmp3, $2  }
0xec: {  	_ =	sdelay $0x2  }
0xed: {  	s23 =	sadd.s32 $0x80, s23;
	s24 =	sadd.s32 s24, s19  }
0xee: {  	p0 =	sne.s32 s20, $0x32  }
.Ltmp4:
0xef: {  	_ = 	snop;
	(pc) =	sbr.rel @p0 .LBB2_2-.Ltmp4, $4  }
0xf0: {  	[hbm4b:s24+s5] =	stream.linear.scatter [tilespmem:s21], [sflag:$0x3], $0x40, $0x38;
	[tilespmem:$0x16440] =	vst v63  }
0xf1: {  	_ =	swait.ge [sflag:s9], $0x4000  }
0xf2: {  	[sflag:s9] =	ssyncset.done $0x0  }
0xf3: {  	s18 =	sadd.s32 $0x200, s18;
	s17 =	sadd.s32 $0x200, s17;
	[sflag:s9] =	ssyncadd.s32 $0xFFFFC000  }
0xf4: {  	s16 =	sadd.s32 $0x1, s16  }
0xf5: {  	p0 =	sne.s32 s16, s8  }
.Ltmp5:
0xf6: {  	_ = 	snop;
	(pc) =	sbr.rel @p0 .LBB2_1-.Ltmp5, $1  }
0xf7: {  	_ =	sdelay $0x3  }
0xf8: {  	_ =	sfence.sel $0x180000  }
0xf9: {  	[bflag:$0x0] =	sbarrier.arrive $0xFFFF  }
0xfa: {  	p0 =	sne.s32 s0, $0x0;
	_ =	strace $0x90000047  }
0xfb: {  	s0 =	sadd.s32 @!p0 $0x100000, s1;
	[bflag:$0x2] =	sbarrier.arrive $0xFFFF  }
0xfc: {  	[sflag:s0] =	ssyncadd.tile.s32 @!p0 $0x1;
	_ =	shalt  }
.Lfunc_end2:
_tile_overlayer_lowered:
.L_overlay_start_2:
0xfd: {  	(tag) =	ssettag $0x2  }
0xfe: {  	s0 =	rddreg [dreg:$0x0];
	s2 =	stileid.u32  }
0xff: {  	s1 =	rddreg [dreg:$0x1];
	p0 =	sne.s32 s2, $0x0  }
0x100: {  	s3 =	rddreg [dreg:$0x2];
	[bflag:$0x3] =	sbarrier.arrive $0xFFFF;
	s2 =	simm.s32 @!p0 $0x1C03  }
0x101: {  	[timem:s3], [sflag:s2] =	dma.local @!p0 [hbm:s0], s1  }
0x102: {  	s0 =	simm.s32 @!p0 $0x3  }
0x103: {  	_ =	swait.ge @!p0 [sflag:s0], s1  }
0x104: {  	s1 =	ssub.s32 @!p0 $0x0, s1;
	[sflag:s0] =	ssyncset.done @!p0 $0x0  }
0x105: {  	[sflag:s0] =	ssyncadd.s32 @!p0 s1  }
0x106: {  	[bflag:$0x3] =	sbarrier.arrive $0xFFFF  }
0x107: {  	_ =	shalt  }

// kernel: sparse-core-data-format-call.cloned.1.call-start
scs
called_computation_lowered:
.L_overlay_start_0:
0x0: {  	s2 =	sld [smem:$0x3FD9]  }
0x1: {  	s3 =	sld [smem:$0x3FFE];
	_ =	sdelay $0x1  }
0x2: {  	s1 =	srdreg.scid  }
0x3: {  	s0 =	sand.u32 $0x1, s1  }
0x4: {  	s18 =	sshll.u32 s0, $0xA;
	s2 =	sadd.s32 s3, s2  }
0x5: {  	s2 =	sadd.s32 s2, s18  }
0x6: {  	[smem:$0x3FC5] =	sst s2  }
0x7: {  	_ = 	snop  }
0x8: {  	s2 =	sld [smem:$0x3FD0];
	(tm) =	ssettm $0x1  }
0x9: {  	s19 =	sld [smem:$0x3FFB];
	_ =	sdelay $0x3  }
0xa: {  	_ =	strace s19  }
0xb: {  	s3 =	sld [smem:$0x3FFC];
	_ =	sdelay $0x3  }
0xc: {  	_ =	strace s3  }
0xd: {  	s3 =	sld [smem:$0x3FFD];
	_ =	sdelay $0x3  }
0xe: {  	_ =	strace s3  }
0xf: {  	_ =	strace $0x8FFFFFFF  }
0x10: {  	s20 =	sld [smem:$0x3FDB];
	_ =	sdelay $0x1  }
0x11: {  	s4 =	simm.s32 $_scs_section_size  }
0x12: {  	s5 =	simm.s32 $_size__tile_overlayer_lowered;
	s6 =	simm.s32 $_tile_overlayer_lowered  }
0x13: {  	s23 =	simm.s32 $0x1BFF;
	s22 =	sshll.u32 s6, $0x1;
	s3 =	sadd.s32 s4, s20  }
0x14: {  	s7 =	simm.s32 $0x0;
	s21 =	sshll.u32 s5, $0x1;
	s5 =	sadd.s32 s22, s3  }
0x15: {  	[timem:s7], [sflag:s23] =	dma.local [hbm:s5], s21  }
0x16: {  	_ =	swait.ge [sflag:s23], s21  }
0x17: {  	s4 =	ssub.s32 $0x0, s21;
	[sflag:s23] =	ssyncset.done $0x0  }
0x18: {  	[sflag:s23] =	ssyncadd.s32 s4;
	_ =	sdelay $0x1  }
0x19: {  	s24 =	simm.s32 $0x1B8B  }
0x1a: {  	_ =	swait.ge [sflag:s24], $0x1  }
0x1b: {  	[sflag:s24] =	ssyncset.done $0x0  }
0x1c: {  	s26 =	simm.s32 $0x1B8E;
	s25 =	sld [smem:$0x3FFE];
	[sflag:s24] =	ssyncadd.s32 $0xFFFFFFFF  }
0x1d: {  	s27 =	simm.s32 $execute0_lowered;
	[smem:$0x3FD2] =	sst s26  }
0x1e: {  	s5 =	sshll.u32 s27, $0x1;
	_ =	strace $0x80000049;
	[dreg:$0x1] =	wrdreg $0xFFFFFFFF  }
0x1f: {  	s28 =	simm.s32 $_size_execute0_lowered;
	s3 =	sadd.s32 s3, s5;
	[dreg:$0x0] =	wrdreg $0x0  }
0x20: {  	s5 =	sshll.u32 s28, $0x1;
	[dreg:$0x2] =	wrdreg s3  }
0x21: {  	[dreg:$0x3] =	wrdreg s5  }
0x22: {  	[dreg:$0x4] =	wrdreg $0xC0  }
0x23: {  	_ =	task [dreg:s7], $0x5FFFF  }
0x24: {  	[dreg:$0x1] =	wrdreg $0xFFFFFFFF  }
0x25: {  	[dreg:$0x0] =	wrdreg $0x60  }
0x26: {  	[dreg:$0x2] =	wrdreg s25  }
0x27: {  	[dreg:$0x3] =	wrdreg s2  }
0x28: {  	[dreg:$0x4] =	wrdreg $0x9  }
0x29: {  	_ =	task.clear_ibuf [dreg:s7], $0x5FFFF;
	_ =	strace $0x90000049  }
0x2a: {  	s29 =	simm.s32 $0x9;
	_ =	strace $0x8000004B  }
0x2b: {  	_ =	swait.ge [sflag:s29], $0x1  }
0x2c: {  	[sflag:s29] =	ssyncadd.s32 $0xFFFFFFFF  }
0x2d: {  	_ =	strace $0x9000004B  }
0x2e: {  	_ =	sfence  }
0x2f: {  	s30 =	sld [smem:$0x0];
	_ =	sdelay $0x2  }
0x30: {  	s31 =	sshll.u32 s1, $0xD;
	s1 =	sshrl.u32 s1, $0x2  }
0x31: {  	s3 =	sand.u32 $0x4000, s31;
	s1 =	sadd.s32 s1, s30  }
0x32: {  	s0 =	sor.u32 s3, s0;
	s1 =	sshll.u32 s1, $0x11  }
0x33: {  	s0 =	sor.u32 s1, s0  }
0x34: {  	s0 =	sadd.s32 $0x8F2B, s0  }
0x35: {  	[sflag:s0] =	ssyncadd.remote.s32 $0x1  }
0x36: {  	_ =	sfence.sel $0xFFFF  }
0x37: {  	[dreg:$0x0] =	wrdreg $0xFFFFFFFF;
	(pc) =	sbr.abs _section_cstart, $3  }
0x38: {  	[dreg:$0x1] =	wrdreg $0xFFFFFFFF  }
0x39: {  	_ =	task.clear_ibuf [dreg:s7], $0x2FFFF;
	_ =	strace $0x9FFFFFFF  }
0x3a: {  	(tm) =	ssettm $0x7FFFFFFF  }
0x3b: {  	_ =	shalt  }
tec
execute0_lowered:
.L_overlay_start_1:
0x0: {  	(tag) =	ssettag $0x1  }
0x1: {  	s0 =	srdreg.scid  }
0x2: {  	s1 =	sshll.u32 s0, $0x4  }
0x3: {  	s0 =	stileid.u32;
	s1 =	sand.u32 $0x10, s1  }
0x4: {  	s1 =	sor.u32 s0, s1  }
0x5: {  	s6 =	rddreg [dreg:$0x0];
	s4 =	simm.s32 $0x1;
	s2 =	sshll.u32 s1, $0x7  }
0x6: {  	s7 =	simm.s32 $0x2;
	s12 =	simm.s32 $0x0;
	s1 =	ssub.s32 $0x1000, s2  }
0x7: {  	s8 =	simm.s32 $0x8000;
	s13 =	simm.s32 $0x0;
	s3 =	sand.u32 $0xF80, s1  }
0x8: {  	s9 =	simm.s32 $0x0;
	s5 =	sshrl.u32 s1, $0xC;
	p0 =	sne.s32 s3, $0x0  }
.Ltmp0:
0x9: {  	s1 =	rddreg [dreg:$0x2];
	s4 =	simm.s32 @!p0 $0x0;
	(pc) =	sbr.rel .LBB1_1-.Ltmp0, $4  }
0xa: {  	s11 =	simm.s32 $0x0;
	s3 =	rddreg [dreg:$0x1];
	s5 =	sadd.s32 s4, s5  }
0xb: {  	_ =	strace $0x8000004A;
	s4 =	simm.s32 $0x1;
	s5 =	smul.u32 $0xC8, s5  }
0xc: {  	s6 =	sadd.s32 $0x800, s6;
	s10 =	smov.u32 s2;
	[sflag:s4] =	ssyncpa.u1 $0x0  }
0xd: {  	p0 =	por $0x0, $0x0;
	[sflag:s7] =	ssyncpa.u1 $0x0;
	s7 =	sor.u32 $0x1, s5  }
.LBB1_4:
0xe: {  	s16 =	sshll.u32 s13, $0x3;
	s17 =	sand.u32 $0x78, s13  }
0xf: {  	s30 =	sand.u32 $0x7E00, s13;
	s12 =	sshll.u32 s12, $0xF;
	s16 =	sand.u32 $0xC00, s16  }
0x10: {  	[tilespmem:s15+$0x810 ss:$0x81] =	vst.msk $0xffff, v2;
	s31 =	sand.u32 $0x7, s13;
	s16 =	sor.u32 s17, s16;
	s17 =	sadd.s32 s3, s30  }
0x11: {  	[tilespmem:s15+$0x1020 ss:$0x81] =	vst.msk $0xffff, v0;
	s13 =	sshll.u32 s31, $0x12;
	s12 =	sadd.s32 s12, s17;
	s16 =	sshrl.u32 s16, $0x3  }
0x12: {  	[tilespmem:s15+$0x0 ss:$0x81] =	vst.msk $0xffff, v1;
	s13 =	sor.u32 $0x400, s13;
	s12 =	sadd.s32 s16, s12  }
0x13: {  	[hbm4b:s12+s13] =	stream.strided.scatter [tilespmem:s14], [sflag:$0x2], $0x2000, s8, s13, $0x20;
	[tilespmem:$0x8080] =	vst v63  }
.LBB1_5:
0x14: {  	s14 =	sadd.s32 $0x1, s9  }
0x15: {  	s12 =	sadd.s32 $0x1000, s10;
	s16 =	smov.u32 s10;
	p2 =	sgt.s32 s14, $0xC7  }
0x16: {  	s16 =	smov.u32 @p2 s12  }
0x17: {  	s14 =	simm.s32 @p2 $0x0;
	p2 =	sgt.s32 s16, $0xFFF  }
0x18: {  	s16 =	smov.u32 @p2 s2;
	p2 =	sne.s32 s11, s7  }
.Ltmp1:
0x19: {  	p1 =	slt.u32 s11, $0x2;
	(pc) =	sbr.rel @!p2 .LBB1_6-.Ltmp1, $4  }
0x1a: {  	s15 =	simm.s32 @!p1 $0x2  }
0x1b: {  	s13 =	smov.u32 s10;
	p0 =	por !p0, !p0;
	_ =	swait.ge @!p1 [sflag:s15], $0x2000  }
0x1c: {  	s12 =	smov.u32 s9;
	[sflag:s15] =	ssyncset.done @!p1 $0x0;
	s9 =	smov.u32 s14  }
0x1d: {  	s11 =	sadd.s32 $0x1, s11;
	[sflag:s15] =	ssyncadd.s32 @!p1 $0xFFFFE000;
	s10 =	smov.u32 s16  }
.LBB1_1:
0x1e: {  	p1 =	sge.u32 s11, s5  }
0x1f: {  	s14 =	sand.u32 @!p1 $0x1FFFFFF, s9  }
0x20: {  	s15 =	smulhi.u32 @!p1 $0x147AE15, s14;
	_ =	sdelay $0x1  }
0x21: {  	s15 =	smul.u32 @!p1 $0xC8, s15  }
0x22: {  	s16 =	sxor.u32 @!p1 $0xFFFFFFFF, s11;
	s17 =	smul.u32 @!p1 $0xC80, s10  }
0x23: {  	s31 =	sadd.s32 $0xFFFFFFFF, s11;
	s16 =	sshll.u32 @!p1 s16, $0xD;
	s14 =	ssub.s32 @!p1 s14, s15  }
0x24: {  	s15 =	sand.u32 @!p1 $0x2000, s16;
	s16 =	sadd.s32 @!p1 s6, s17;
	s14 =	sshll.u32 @!p1 s14, $0x4  }
0x25: {  	s17 =	simm.s32 @!p1 $0x6400;
	s14 =	sadd.s32 @!p1 s14, s16;
	s16 =	simm.s32 @!p1 $0x40  }
0x26: {  	[tilespmem:s15], [sflag:$0x1] =	stream.strided.gather @!p1 [hbm4b:s14+s16], $0x2000, s17, s16, $0x38;
	[tilespmem:$0x8080] =	vst v63  }
0x27: {  	p1 =	sge.u32 s31, s5  }
.Ltmp2:
0x28: {  	_ = 	snop;
	(pc) =	sbr.rel @p1 .LBB1_5-.Ltmp2, $1  }
0x29: {  	_ =	sdelay $0x3  }
0x2a: {  	s14 =	simm.s32 $0x1  }
0x2b: {  	_ =	swait.ge [sflag:s4], $0x2000;
	s14 =	simm.s32 @!p0 $0x0  }
0x2c: {  	[sflag:s4] =	ssyncset.done $0x0;
	s15 =	sshll.u32 s14, $0xD  }
0x2d: {  	[sflag:s4] =	ssyncadd.s32 $0xFFFFE000;
	s18 =	sor.u32 $0x20, s15  }
0x2e: {  	s14 =	smul.u32 $0x8100, s14;
	v3 =	vld [tilespmem:s18+$0x10]  }
0x2f: {  	s30 =	sand.u32 $0x1, s11;
	v2 =	vld [tilespmem:s18+$0xFFFFFFF0]  }
0x30: {  	s15 =	smul.u32 $0x8100, s30;
	s14 =	sshrl.u32 s14, $0x2;
	v0 =	vld [tilespmem:s18+$0x0]  }
0x31: {  	v1 =	vld [tilespmem:s18+$0xFFFFFFE0];
	s16 =	sor.u32 $0x4000, s14  }
0x32: {  	s31 =	sshrl.u32 s15, $0x2;
	s15 =	sadd.s32 $0x0, s16  }
0x33: {  	s17 =	simm.s32 $0x4;
	s18 =	sadd.s32 $0x40, s18;
	s14 =	sor.u32 $0x4000, s31;
	[tilespmem:s15+$0x1830 ss:$0x81] =	vst.msk $0xffff, v3  }
.LBB1_3:
0x34: {  	v3 =	vld [tilespmem:s18+$0x10];
	p1 =	sne.s32 s17, $0x1FC;
	[tilespmem:s15+$0x810 ss:$0x81] =	vst.msk $0xffff, v2;
	s19 =	smov.u32 s17;
	s17 =	sadd.s32 $0x4, s17  }
.Ltmp3:
0x35: {  	v2 =	vld [tilespmem:s18+$0xFFFFFFF0];
	[tilespmem:s15+$0x1020 ss:$0x81] =	vst.msk $0xffff, v0;
	(pc) =	sbr.rel @p1 .LBB1_3-.Ltmp3, $4  }
0x36: {  	v0 =	vld [tilespmem:s18+$0x0];
	[tilespmem:s15+$0x0 ss:$0x81] =	vst.msk $0xffff, v1  }
0x37: {  	s15 =	sshra.s32 s19, $0x2;
	v1 =	vld [tilespmem:s18+$0xFFFFFFE0]  }
0x38: {  	s15 =	sadd.s32 s15, s16  }
0x39: {  	s18 =	sadd.s32 $0x40, s18;
	[tilespmem:s15+$0x1830 ss:$0x81] =	vst.msk $0xffff, v3  }
.Ltmp4:
0x3a: {  	_ = 	snop;
	(pc) =	sbr.rel .LBB1_4-.Ltmp4, $1  }
0x3b: {  	_ =	sdelay $0x3  }
.LBB1_6:
0x3c: {  	_ =	sfence.sel $0x180000  }
0x3d: {  	s2 =	simm.s32 $0x1;
	[bflag:$0x0] =	sbarrier.arrive $0xFFFF  }
0x3e: {  	s31 =	simm.s32 $0x2;
	[sflag:s2] =	ssyncpa.u1 $0x1  }
0x3f: {  	[sflag:s31] =	ssyncpa.u1 $0x1  }
0x40: {  	p0 =	sne.s32 s0, $0x0;
	_ =	strace $0x9000004A  }
0x41: {  	s0 =	sadd.s32 @!p0 $0x100000, s1;
	[bflag:$0x2] =	sbarrier.arrive $0xFFFF  }
0x42: {  	[sflag:s0] =	ssyncadd.tile.s32 @!p0 $0x1;
	_ =	shalt  }
.Lfunc_end1:
_tile_overlayer_lowered:
.L_overlay_start_2:
0x43: {  	(tag) =	ssettag $0x2  }
0x44: {  	s0 =	rddreg [dreg:$0x0];
	s2 =	stileid.u32  }
0x45: {  	s1 =	rddreg [dreg:$0x1];
	p0 =	sne.s32 s2, $0x0  }
0x46: {  	s3 =	rddreg [dreg:$0x2];
	[bflag:$0x3] =	sbarrier.arrive $0xFFFF;
	s2 =	simm.s32 @!p0 $0x1C01  }
0x47: {  	[timem:s3], [sflag:s2] =	dma.local @!p0 [hbm:s0], s1  }
0x48: {  	s0 =	simm.s32 @!p0 $0x1  }
0x49: {  	_ =	swait.ge @!p0 [sflag:s0], s1  }
0x4a: {  	s1 =	ssub.s32 @!p0 $0x0, s1;
	[sflag:s0] =	ssyncset.done @!p0 $0x0  }
0x4b: {  	[sflag:s0] =	ssyncadd.s32 @!p0 s1  }
0x4c: {  	[bflag:$0x3] =	sbarrier.arrive $0xFFFF  }
0x4d: {  	_ =	shalt  }

</sc_bundles>
